<compile_context>
chip_gen: v7x
topology: tpu7x:2x2x1
jax: 0.10.2.dev20260603
libtpu: 0.0.44.dev20260713+nightly
codegen_flags: <defaults>
</compile_context>

<pallas_src>
import functools

import jax
import jax.numpy as jnp
from jax import lax
from jax.experimental import pallas as pl
from jax.experimental.pallas import tpu as pltpu
from jax.experimental.pallas import tpu_sc as plsc

_NC = 2
_NS = 16
_NW = _NC * _NS

_B = 16384
_D = 64
_ROWS_PER_W = _B // _NW
_CHUNK = 128
_NCHUNK = _ROWS_PER_W // _CHUNK

_K = 16
_NGROUP = _ROWS_PER_W // _K

_BLK = 2048
_NB = _B // _BLK


def _sc_gather(table, ids_r):
    mesh = plsc.VectorSubcoreMesh(core_axis_name="c", subcore_axis_name="s")

    @functools.partial(
        pl.kernel,
        mesh=mesh,
        out_type=jax.ShapeDtypeStruct((_B, _D), jnp.float32),
        scratch_types=[
            pltpu.VMEM((_NCHUNK, _CHUNK), jnp.int32),
            pltpu.VMEM((_ROWS_PER_W, _D), jnp.float32),
            pltpu.SemaphoreType.DMA,
        ],
    )
    def gather_k(table_hbm, ids_hbm, out_hbm, idx_s, rows_v, sem):
        wid = lax.axis_index("s") * _NC + lax.axis_index("c")
        base = wid * _ROWS_PER_W
        pltpu.sync_copy(ids_hbm.at[wid], idx_s)

        groups_per_row = _CHUNK // _K

        def fire(g):
            idx_vec = idx_s[lax.div(g, groups_per_row),
                            pl.ds(lax.rem(g, groups_per_row) * _K, _K)]
            for t in range(_K):
                i = g * _K + t
                pltpu.async_copy(
                    table_hbm.at[pl.ds(idx_vec[t], 1)],
                    rows_v.at[pl.ds(i, 1)],
                    sem,
                )

        def drain():
            for _ in range(_K):
                pltpu.make_async_copy(
                    table_hbm.at[pl.ds(0, 1)],
                    rows_v.at[pl.ds(0, 1)],
                    sem,
                ).wait()

        fire(0)
        fire(1)

        def group(g, _):
            fire(g)
            drain()
            return 0

        lax.fori_loop(2, _NGROUP, group, 0)
        drain()
        drain()
        pltpu.sync_copy(rows_v, out_hbm.at[pl.ds(base, _ROWS_PER_W)])

    return gather_k(table, ids_r)


def _mlp_body(rows_ref, dids_ref, w1a_ref, w1b_ref, dtab_ref, b1_ref,
              w2t_ref, b2_ref, out_ref):
    x = rows_ref[...]
    h1 = jnp.dot(x, w1a_ref[...],
                 preferred_element_type=jnp.float32,
                 precision=lax.Precision.HIGHEST)
    d2 = jnp.dot(dtab_ref[...], w1b_ref[...],
                 preferred_element_type=jnp.float32,
                 precision=lax.Precision.HIGHEST) + b1_ref[...]
    d = dids_ref[...]
    oh_t = (lax.broadcasted_iota(jnp.int32, (4, _BLK), 0) == d
            ).astype(jnp.float32)
    h2 = lax.dot_general(oh_t, d2, (((0,), (0,)), ((), ())),
                         preferred_element_type=jnp.float32,
                         precision=lax.Precision.HIGHEST)
    h = jnp.maximum(h1 + h2, 0.0)
    logit = jnp.sum(h * w2t_ref[...], axis=1) + b2_ref[0, 0]
    out_ref[...] = 1.0 / (1.0 + jnp.exp(-logit))


def _tc_mlp(rows, dids, w1a, w1b, dtab, b1r, w2t, b2r):
    return pl.pallas_call(
        _mlp_body,
        grid=(_NB,),
        in_specs=[
            pl.BlockSpec((_BLK, _D), lambda i: (i, 0)),
            pl.BlockSpec((_BLK,), lambda i: (i,)),
            pl.BlockSpec((_D, _D), lambda i: (0, 0)),
            pl.BlockSpec((_D, _D), lambda i: (0, 0)),
            pl.BlockSpec((4, _D), lambda i: (0, 0)),
            pl.BlockSpec((1, _D), lambda i: (0, 0)),
            pl.BlockSpec((1, _D), lambda i: (0, 0)),
            pl.BlockSpec((1, 1), lambda i: (0, 0), memory_space=pltpu.SMEM),
        ],
        out_specs=pl.BlockSpec((_BLK,), lambda i: (i,)),
        out_shape=jax.ShapeDtypeStruct((_B,), jnp.float32),
    )(rows, dids, w1a, w1b, dtab, b1r, w2t, b2r)


def kernel(item_ids, diff_ids, item_table, diff_table, W1, b1, W2, b2):
    ids = item_ids[:, -1].astype(jnp.int32)
    ids_r = ids.reshape(_NW, _NCHUNK, _CHUNK)
    dids = diff_ids[:, -1].astype(jnp.int32)
    rows = _sc_gather(item_table, ids_r)
    w1a = W1[:_D]
    w1b = W1[_D:]
    b1r = b1.reshape(1, _D)
    w2t = W2.reshape(1, _D)
    b2r = b2.reshape(1, 1)
    return _tc_mlp(rows, dids, w1a, w1b, diff_table, b1r, w2t, b2r)

# --- scband reference (transcript-rebuilt; emitter-appended) ---
"""Pipeline reference for scband-cl4-ktstub-79955111182421 (READ-ONLY COPY).

The authoritative reference and input builder live on the scoring server;
editing this copy changes nothing except your own understanding.
"""

import jax, jax.numpy as jnp
import numpy as np

N_ITEMS = 1000000
DIFF_VOCAB = 4
D_MODEL = 64
BATCH = 16384
HIST = 200


def setup_inputs(seed: int = 0) -> dict:
    key = jax.random.key(seed)
    k_item, k_diff, k_it, k_dt, k_w1, k_b1, k_w2, k_b2 = jax.random.split(key, 8)
    item_ids = jax.random.randint(k_item, (BATCH, HIST), 0, N_ITEMS, dtype=jnp.int64 if jax.config.jax_enable_x64 else jnp.int32)
    diff_ids = jax.random.randint(k_diff, (BATCH, HIST), 0, DIFF_VOCAB, dtype=jnp.int64 if jax.config.jax_enable_x64 else jnp.int32)
    item_table = jax.random.normal(k_it, (N_ITEMS, D_MODEL), dtype=jnp.float32) * 0.02
    diff_table = jax.random.normal(k_dt, (DIFF_VOCAB, D_MODEL), dtype=jnp.float32) * 0.02
    # Linear layers stored as (in, out) so forward is x @ W + b (matches torch x @ W.T + b semantics)
    W1 = jax.random.normal(k_w1, (2 * D_MODEL, D_MODEL), dtype=jnp.float32) * (1.0 / np.sqrt(2 * D_MODEL))
    b1 = jnp.zeros((D_MODEL,), dtype=jnp.float32)
    W2 = jax.random.normal(k_w2, (D_MODEL, 1), dtype=jnp.float32) * (1.0 / np.sqrt(D_MODEL))
    b2 = jnp.zeros((1,), dtype=jnp.float32)
    return {"item_ids": item_ids, "diff_ids": diff_ids, "item_table": item_table, "diff_table": diff_table, "W1": W1, "b1": b1, "W2": W2, "b2": b2}


def reference(item_ids, diff_ids, item_table, diff_table, W1, b1, W2, b2):
    # Embedding lookups over full history (gather), as in nn.Embedding
    it_e = jnp.take(item_table, item_ids, axis=0)   # [B, L, d]
    df_e = jnp.take(diff_table, diff_ids, axis=0)   # [B, L, d]
    it_last = it_e[:, -1, :]
    df_last = df_e[:, -1, :]
    x = jnp.concatenate([it_last, df_last], axis=-1)  # [B, 2d]
    h = jax.nn.relu(x @ W1 + b1)
    p = jax.nn.sigmoid(h @ W2 + b2)
    return jnp.squeeze(p, axis=-1)  # [B]

if __name__ == "__main__":
    import jax
    _d = setup_inputs()
    print(jax.jit(kernel)(*tuple(_d.values())))

</pallas_src>

<mosaic_0001>
#map = affine_map<(d0, d1) -> (0, 0)>
#map1 = affine_map<(d0, d1) -> (0, 0, 0)>
module attributes {stable_mosaic.version = 14 : i64} {
  func.func @gather_k(%arg0: i32, %arg1: i32, %arg2: memref<1000000x64xf32, #tpu.memory_space<hbm>>, %arg3: memref<32x4x128xi32, #tpu.memory_space<hbm>>, %arg4: memref<16384x64xf32, #tpu.memory_space<hbm>>, %arg5: memref<4x128xi32, #tpu.memory_space<vmem>>, %arg6: memref<512x64xf32, #tpu.memory_space<vmem>>, %arg7: memref<!tpu.dma_semaphore, #tpu.memory_space<semaphore_mem>>) attributes {dimension_semantics = [#tpu.dimension_semantics<core_parallel>, #tpu.dimension_semantics<subcore_parallel>], iteration_bounds = array<i64: 2, 16>, scalar_prefetch = 0 : i64, scratch_operands = 3 : i64, tpu.core_type = #tpu.core_type<sc_vector_subcore>, window_params = [{transform_indices = #map}, {transform_indices = #map1}, {transform_indices = #map}]} {
    %mul3A = arith.constant 2 : i32
    %mul3A_0 = arith.muli %arg1, %mul3A : i32
    %add3A = arith.addi %mul3A_0, %arg0 : i32
    %mul3A_1 = arith.constant 512 : i32
    %mul3A_2 = arith.muli %add3A, %mul3A_1 : i32
    "tpu.region"() ({
      %run_scoped3A = tpu.sem_alloc : memref<!tpu.dma_semaphore, #tpu.memory_space<semaphore_mem>>
      %dma_start3A_794 = arith.constant 0 : i32
      %dma_start3A_795 = arith.constant 0 : i32
      %dma_start3A_796 = tpu.memref_slice %arg3[%add3A, %dma_start3A_794, %dma_start3A_795] : memref<32x4x128xi32, #tpu.memory_space<hbm>> -> memref<1x4x128xi32, #tpu.memory_space<hbm>>
      %dma_start3A_797 = tpu.memref_squeeze %dma_start3A_796 : memref<1x4x128xi32, #tpu.memory_space<hbm>> -> memref<4x128xi32, #tpu.memory_space<hbm>>
      %dma_start3A_798 = arith.constant 0 : i32
      %dma_start3A_799 = arith.constant 0 : i32
      %dma_start3A_800 = tpu.memref_slice %arg3[%add3A, %dma_start3A_798, %dma_start3A_799] : memref<32x4x128xi32, #tpu.memory_space<hbm>> -> memref<1x4x128xi32, #tpu.memory_space<hbm>>
      %dma_start3A_801 = tpu.memref_squeeze %dma_start3A_800 : memref<1x4x128xi32, #tpu.memory_space<hbm>> -> memref<4x128xi32, #tpu.memory_space<hbm>>
      tpu.enqueue_dma source(%dma_start3A_801 : memref<4x128xi32, #tpu.memory_space<hbm>>) target(%arg5 : memref<4x128xi32, #tpu.memory_space<vmem>>) target_semaphore(%run_scoped3A : memref<!tpu.dma_semaphore, #tpu.memory_space<semaphore_mem>>)
      %dma_wait3A_802 = arith.constant 0 : i32
      %dma_wait3A_803 = arith.constant 0 : i32
      %dma_wait3A_804 = tpu.memref_slice %arg3[%add3A, %dma_wait3A_802, %dma_wait3A_803] : memref<32x4x128xi32, #tpu.memory_space<hbm>> -> memref<1x4x128xi32, #tpu.memory_space<hbm>>
      %dma_wait3A_805 = tpu.memref_squeeze %dma_wait3A_804 : memref<1x4x128xi32, #tpu.memory_space<hbm>> -> memref<4x128xi32, #tpu.memory_space<hbm>>
      %dma_wait3A_806 = arith.constant 0 : i32
      %dma_wait3A_807 = arith.constant 0 : i32
      %dma_wait3A_808 = tpu.memref_slice %arg3[%add3A, %dma_wait3A_806, %dma_wait3A_807] : memref<32x4x128xi32, #tpu.memory_space<hbm>> -> memref<1x4x128xi32, #tpu.memory_space<hbm>>
      %dma_wait3A_809 = tpu.memref_squeeze %dma_wait3A_808 : memref<1x4x128xi32, #tpu.memory_space<hbm>> -> memref<4x128xi32, #tpu.memory_space<hbm>>
      tpu.wait_dma2 semaphore(%run_scoped3A : memref<!tpu.dma_semaphore, #tpu.memory_space<semaphore_mem>>) src(%dma_wait3A_809 : memref<4x128xi32, #tpu.memory_space<hbm>>) dst(%arg5 : memref<4x128xi32, #tpu.memory_space<vmem>>)
      tpu.yield
    }) : () -> ()
    %div3A = arith.constant 0 : i32
    %div3A_3 = arith.constant 8 : i32
    %div3A_4 = arith.divsi %div3A, %div3A_3 : i32
    %rem3A = arith.constant 0 : i32
    %rem3A_5 = arith.constant 8 : i32
    %rem3A_6 = arith.remsi %rem3A, %rem3A_5 : i32
    %mul3A_7 = arith.constant 16 : i32
    %mul3A_8 = arith.muli %rem3A_6, %mul3A_7 : i32
    %get3A = arith.index_cast %div3A_4 : i32 to index
    %get3A_9 = arith.index_cast %mul3A_8 : i32 to index
    %get3A_10 = tpu.vector_load %arg5[%get3A, %get3A_9] {strides = array<i32>} : memref<4x128xi32, #tpu.memory_space<vmem>>, vector<1x16xi32>,
    %get3A_11 = vector.shape_cast %get3A_10 : vector<1x16xi32> to vector<16xi32>
    %slice3A = vector.extract_strided_slice %get3A_11 {offsets = [0], sizes = [1], strides = [1]} : vector<16xi32> to vector<1xi32>
    %squeeze3A = vector.extract %slice3A[0] : i32 from vector<1xi32>
    %dma_start3A = arith.constant 0 : i32
    %dma_start3A_12 = arith.constant 0 : i32
    %dma_start3A_13 = tpu.memref_slice %arg6[%dma_start3A, %dma_start3A_12] : memref<512x64xf32, #tpu.memory_space<vmem>> -> memref<1x64xf32, #tpu.memory_space<vmem>>
    %dma_start3A_14 = arith.constant 0 : i32
    %dma_start3A_15 = tpu.memref_slice %arg2[%squeeze3A, %dma_start3A_14] : memref<1000000x64xf32, #tpu.memory_space<hbm>> -> memref<1x64xf32, #tpu.memory_space<hbm>>
    %dma_start3A_16 = arith.constant 0 : i32
    %dma_start3A_17 = arith.constant 0 : i32
    %dma_start3A_18 = tpu.memref_slice %arg6[%dma_start3A_16, %dma_start3A_17] : memref<512x64xf32, #tpu.memory_space<vmem>> -> memref<1x64xf32, #tpu.memory_space<vmem>>
    %dma_start3A_19 = arith.constant 0 : i32
    %dma_start3A_20 = tpu.memref_slice %arg2[%squeeze3A, %dma_start3A_19] : memref<1000000x64xf32, #tpu.memory_space<hbm>> -> memref<1x64xf32, #tpu.memory_space<hbm>>
    tpu.enqueue_dma source(%dma_start3A_20 : memref<1x64xf32, #tpu.memory_space<hbm>>) target(%dma_start3A_18 : memref<1x64xf32, #tpu.memory_space<vmem>>) target_semaphore(%arg7 : memref<!tpu.dma_semaphore, #tpu.memory_space<semaphore_mem>>)
    %slice3A_21 = vector.extract_strided_slice %get3A_11 {offsets = [1], sizes = [1], strides = [1]} : vector<16xi32> to vector<1xi32>
    %squeeze3A_22 = vector.extract %slice3A_21[0] : i32 from vector<1xi32>
    %dma_start3A_23 = arith.constant 1 : i32
    %dma_start3A_24 = arith.constant 0 : i32
    %dma_start3A_25 = tpu.memref_slice %arg6[%dma_start3A_23, %dma_start3A_24] : memref<512x64xf32, #tpu.memory_space<vmem>> -> memref<1x64xf32, #tpu.memory_space<vmem>>
    %dma_start3A_26 = arith.constant 0 : i32
    %dma_start3A_27 = tpu.memref_slice %arg2[%squeeze3A_22, %dma_start3A_26] : memref<1000000x64xf32, #tpu.memory_space<hbm>> -> memref<1x64xf32, #tpu.memory_space<hbm>>
    %dma_start3A_28 = arith.constant 1 : i32
    %dma_start3A_29 = arith.constant 0 : i32
    %dma_start3A_30 = tpu.memref_slice %arg6[%dma_start3A_28, %dma_start3A_29] : memref<512x64xf32, #tpu.memory_space<vmem>> -> memref<1x64xf32, #tpu.memory_space<vmem>>
    %dma_start3A_31 = arith.constant 0 : i32
    %dma_start3A_32 = tpu.memref_slice %arg2[%squeeze3A_22, %dma_start3A_31] : memref<1000000x64xf32, #tpu.memory_space<hbm>> -> memref<1x64xf32, #tpu.memory_space<hbm>>
    tpu.enqueue_dma source(%dma_start3A_32 : memref<1x64xf32, #tpu.memory_space<hbm>>) target(%dma_start3A_30 : memref<1x64xf32, #tpu.memory_space<vmem>>) target_semaphore(%arg7 : memref<!tpu.dma_semaphore, #tpu.memory_space<semaphore_mem>>)
    %slice3A_33 = vector.extract_strided_slice %get3A_11 {offsets = [2], sizes = [1], strides = [1]} : vector<16xi32> to vector<1xi32>
    %squeeze3A_34 = vector.extract %slice3A_33[0] : i32 from vector<1xi32>
    %dma_start3A_35 = arith.constant 2 : i32
    %dma_start3A_36 = arith.constant 0 : i32
    %dma_start3A_37 = tpu.memref_slice %arg6[%dma_start3A_35, %dma_start3A_36] : memref<512x64xf32, #tpu.memory_space<vmem>> -> memref<1x64xf32, #tpu.memory_space<vmem>>
    %dma_start3A_38 = arith.constant 0 : i32
    %dma_start3A_39 = tpu.memref_slice %arg2[%squeeze3A_34, %dma_start3A_38] : memref<1000000x64xf32, #tpu.memory_space<hbm>> -> memref<1x64xf32, #tpu.memory_space<hbm>>
    %dma_start3A_40 = arith.constant 2 : i32
    %dma_start3A_41 = arith.constant 0 : i32
    %dma_start3A_42 = tpu.memref_slice %arg6[%dma_start3A_40, %dma_start3A_41] : memref<512x64xf32, #tpu.memory_space<vmem>> -> memref<1x64xf32, #tpu.memory_space<vmem>>
    %dma_start3A_43 = arith.constant 0 : i32
    %dma_start3A_44 = tpu.memref_slice %arg2[%squeeze3A_34, %dma_start3A_43] : memref<1000000x64xf32, #tpu.memory_space<hbm>> -> memref<1x64xf32, #tpu.memory_space<hbm>>
    tpu.enqueue_dma source(%dma_start3A_44 : memref<1x64xf32, #tpu.memory_space<hbm>>) target(%dma_start3A_42 : memref<1x64xf32, #tpu.memory_space<vmem>>) target_semaphore(%arg7 : memref<!tpu.dma_semaphore, #tpu.memory_space<semaphore_mem>>)
    %slice3A_45 = vector.extract_strided_slice %get3A_11 {offsets = [3], sizes = [1], strides = [1]} : vector<16xi32> to vector<1xi32>
    %squeeze3A_46 = vector.extract %slice3A_45[0] : i32 from vector<1xi32>
    %dma_start3A_47 = arith.constant 3 : i32
    %dma_start3A_48 = arith.constant 0 : i32
    %dma_start3A_49 = tpu.memref_slice %arg6[%dma_start3A_47, %dma_start3A_48] : memref<512x64xf32, #tpu.memory_space<vmem>> -> memref<1x64xf32, #tpu.memory_space<vmem>>
    %dma_start3A_50 = arith.constant 0 : i32
    %dma_start3A_51 = tpu.memref_slice %arg2[%squeeze3A_46, %dma_start3A_50] : memref<1000000x64xf32, #tpu.memory_space<hbm>> -> memref<1x64xf32, #tpu.memory_space<hbm>>
    %dma_start3A_52 = arith.constant 3 : i32
    %dma_start3A_53 = arith.constant 0 : i32
    %dma_start3A_54 = tpu.memref_slice %arg6[%dma_start3A_52, %dma_start3A_53] : memref<512x64xf32, #tpu.memory_space<vmem>> -> memref<1x64xf32, #tpu.memory_space<vmem>>
    %dma_start3A_55 = arith.constant 0 : i32
    %dma_start3A_56 = tpu.memref_slice %arg2[%squeeze3A_46, %dma_start3A_55] : memref<1000000x64xf32, #tpu.memory_space<hbm>> -> memref<1x64xf32, #tpu.memory_space<hbm>>
    tpu.enqueue_dma source(%dma_start3A_56 : memref<1x64xf32, #tpu.memory_space<hbm>>) target(%dma_start3A_54 : memref<1x64xf32, #tpu.memory_space<vmem>>) target_semaphore(%arg7 : memref<!tpu.dma_semaphore, #tpu.memory_space<semaphore_mem>>)
    %slice3A_57 = vector.extract_strided_slice %get3A_11 {offsets = [4], sizes = [1], strides = [1]} : vector<16xi32> to vector<1xi32>
    %squeeze3A_58 = vector.extract %slice3A_57[0] : i32 from vector<1xi32>
    %dma_start3A_59 = arith.constant 4 : i32
    %dma_start3A_60 = arith.constant 0 : i32
    %dma_start3A_61 = tpu.memref_slice %arg6[%dma_start3A_59, %dma_start3A_60] : memref<512x64xf32, #tpu.memory_space<vmem>> -> memref<1x64xf32, #tpu.memory_space<vmem>>
    %dma_start3A_62 = arith.constant 0 : i32
    %dma_start3A_63 = tpu.memref_slice %arg2[%squeeze3A_58, %dma_start3A_62] : memref<1000000x64xf32, #tpu.memory_space<hbm>> -> memref<1x64xf32, #tpu.memory_space<hbm>>
    %dma_start3A_64 = arith.constant 4 : i32
    %dma_start3A_65 = arith.constant 0 : i32
    %dma_start3A_66 = tpu.memref_slice %arg6[%dma_start3A_64, %dma_start3A_65] : memref<512x64xf32, #tpu.memory_space<vmem>> -> memref<1x64xf32, #tpu.memory_space<vmem>>
    %dma_start3A_67 = arith.constant 0 : i32
    %dma_start3A_68 = tpu.memref_slice %arg2[%squeeze3A_58, %dma_start3A_67] : memref<1000000x64xf32, #tpu.memory_space<hbm>> -> memref<1x64xf32, #tpu.memory_space<hbm>>
    tpu.enqueue_dma source(%dma_start3A_68 : memref<1x64xf32, #tpu.memory_space<hbm>>) target(%dma_start3A_66 : memref<1x64xf32, #tpu.memory_space<vmem>>) target_semaphore(%arg7 : memref<!tpu.dma_semaphore, #tpu.memory_space<semaphore_mem>>)
    %slice3A_69 = vector.extract_strided_slice %get3A_11 {offsets = [5], sizes = [1], strides = [1]} : vector<16xi32> to vector<1xi32>
    %squeeze3A_70 = vector.extract %slice3A_69[0] : i32 from vector<1xi32>
    %dma_start3A_71 = arith.constant 5 : i32
    %dma_start3A_72 = arith.constant 0 : i32
    %dma_start3A_73 = tpu.memref_slice %arg6[%dma_start3A_71, %dma_start3A_72] : memref<512x64xf32, #tpu.memory_space<vmem>> -> memref<1x64xf32, #tpu.memory_space<vmem>>
    %dma_start3A_74 = arith.constant 0 : i32
    %dma_start3A_75 = tpu.memref_slice %arg2[%squeeze3A_70, %dma_start3A_74] : memref<1000000x64xf32, #tpu.memory_space<hbm>> -> memref<1x64xf32, #tpu.memory_space<hbm>>
    %dma_start3A_76 = arith.constant 5 : i32
    %dma_start3A_77 = arith.constant 0 : i32
    %dma_start3A_78 = tpu.memref_slice %arg6[%dma_start3A_76, %dma_start3A_77] : memref<512x64xf32, #tpu.memory_space<vmem>> -> memref<1x64xf32, #tpu.memory_space<vmem>>
    %dma_start3A_79 = arith.constant 0 : i32
    %dma_start3A_80 = tpu.memref_slice %arg2[%squeeze3A_70, %dma_start3A_79] : memref<1000000x64xf32, #tpu.memory_space<hbm>> -> memref<1x64xf32, #tpu.memory_space<hbm>>
    tpu.enqueue_dma source(%dma_start3A_80 : memref<1x64xf32, #tpu.memory_space<hbm>>) target(%dma_start3A_78 : memref<1x64xf32, #tpu.memory_space<vmem>>) target_semaphore(%arg7 : memref<!tpu.dma_semaphore, #tpu.memory_space<semaphore_mem>>)
    %slice3A_81 = vector.extract_strided_slice %get3A_11 {offsets = [6], sizes = [1], strides = [1]} : vector<16xi32> to vector<1xi32>
    %squeeze3A_82 = vector.extract %slice3A_81[0] : i32 from vector<1xi32>
    %dma_start3A_83 = arith.constant 6 : i32
    %dma_start3A_84 = arith.constant 0 : i32
    %dma_start3A_85 = tpu.memref_slice %arg6[%dma_start3A_83, %dma_start3A_84] : memref<512x64xf32, #tpu.memory_space<vmem>> -> memref<1x64xf32, #tpu.memory_space<vmem>>
    %dma_start3A_86 = arith.constant 0 : i32
    %dma_start3A_87 = tpu.memref_slice %arg2[%squeeze3A_82, %dma_start3A_86] : memref<1000000x64xf32, #tpu.memory_space<hbm>> -> memref<1x64xf32, #tpu.memory_space<hbm>>
    %dma_start3A_88 = arith.constant 6 : i32
    %dma_start3A_89 = arith.constant 0 : i32
    %dma_start3A_90 = tpu.memref_slice %arg6[%dma_start3A_88, %dma_start3A_89] : memref<512x64xf32, #tpu.memory_space<vmem>> -> memref<1x64xf32, #tpu.memory_space<vmem>>
    %dma_start3A_91 = arith.constant 0 : i32
    %dma_start3A_92 = tpu.memref_slice %arg2[%squeeze3A_82, %dma_start3A_91] : memref<1000000x64xf32, #tpu.memory_space<hbm>> -> memref<1x64xf32, #tpu.memory_space<hbm>>
    tpu.enqueue_dma source(%dma_start3A_92 : memref<1x64xf32, #tpu.memory_space<hbm>>) target(%dma_start3A_90 : memref<1x64xf32, #tpu.memory_space<vmem>>) target_semaphore(%arg7 : memref<!tpu.dma_semaphore, #tpu.memory_space<semaphore_mem>>)
    %slice3A_93 = vector.extract_strided_slice %get3A_11 {offsets = [7], sizes = [1], strides = [1]} : vector<16xi32> to vector<1xi32>
    %squeeze3A_94 = vector.extract %slice3A_93[0] : i32 from vector<1xi32>
    %dma_start3A_95 = arith.constant 7 : i32
    %dma_start3A_96 = arith.constant 0 : i32
    %dma_start3A_97 = tpu.memref_slice %arg6[%dma_start3A_95, %dma_start3A_96] : memref<512x64xf32, #tpu.memory_space<vmem>> -> memref<1x64xf32, #tpu.memory_space<vmem>>
    %dma_start3A_98 = arith.constant 0 : i32
    %dma_start3A_99 = tpu.memref_slice %arg2[%squeeze3A_94, %dma_start3A_98] : memref<1000000x64xf32, #tpu.memory_space<hbm>> -> memref<1x64xf32, #tpu.memory_space<hbm>>
    %dma_start3A_100 = arith.constant 7 : i32
    %dma_start3A_101 = arith.constant 0 : i32
    %dma_start3A_102 = tpu.memref_slice %arg6[%dma_start3A_100, %dma_start3A_101] : memref<512x64xf32, #tpu.memory_space<vmem>> -> memref<1x64xf32, #tpu.memory_space<vmem>>
    %dma_start3A_103 = arith.constant 0 : i32
    %dma_start3A_104 = tpu.memref_slice %arg2[%squeeze3A_94, %dma_start3A_103] : memref<1000000x64xf32, #tpu.memory_space<hbm>> -> memref<1x64xf32, #tpu.memory_space<hbm>>
    tpu.enqueue_dma source(%dma_start3A_104 : memref<1x64xf32, #tpu.memory_space<hbm>>) target(%dma_start3A_102 : memref<1x64xf32, #tpu.memory_space<vmem>>) target_semaphore(%arg7 : memref<!tpu.dma_semaphore, #tpu.memory_space<semaphore_mem>>)
    %slice3A_105 = vector.extract_strided_slice %get3A_11 {offsets = [8], sizes = [1], strides = [1]} : vector<16xi32> to vector<1xi32>
    %squeeze3A_106 = vector.extract %slice3A_105[0] : i32 from vector<1xi32>
    %dma_start3A_107 = arith.constant 8 : i32
    %dma_start3A_108 = arith.constant 0 : i32
    %dma_start3A_109 = tpu.memref_slice %arg6[%dma_start3A_107, %dma_start3A_108] : memref<512x64xf32, #tpu.memory_space<vmem>> -> memref<1x64xf32, #tpu.memory_space<vmem>>
    %dma_start3A_110 = arith.constant 0 : i32
    %dma_start3A_111 = tpu.memref_slice %arg2[%squeeze3A_106, %dma_start3A_110] : memref<1000000x64xf32, #tpu.memory_space<hbm>> -> memref<1x64xf32, #tpu.memory_space<hbm>>
    %dma_start3A_112 = arith.constant 8 : i32
    %dma_start3A_113 = arith.constant 0 : i32
    %dma_start3A_114 = tpu.memref_slice %arg6[%dma_start3A_112, %dma_start3A_113] : memref<512x64xf32, #tpu.memory_space<vmem>> -> memref<1x64xf32, #tpu.memory_space<vmem>>
    %dma_start3A_115 = arith.constant 0 : i32
    %dma_start3A_116 = tpu.memref_slice %arg2[%squeeze3A_106, %dma_start3A_115] : memref<1000000x64xf32, #tpu.memory_space<hbm>> -> memref<1x64xf32, #tpu.memory_space<hbm>>
    tpu.enqueue_dma source(%dma_start3A_116 : memref<1x64xf32, #tpu.memory_space<hbm>>) target(%dma_start3A_114 : memref<1x64xf32, #tpu.memory_space<vmem>>) target_semaphore(%arg7 : memref<!tpu.dma_semaphore, #tpu.memory_space<semaphore_mem>>)
    %slice3A_117 = vector.extract_strided_slice %get3A_11 {offsets = [9], sizes = [1], strides = [1]} : vector<16xi32> to vector<1xi32>
    %squeeze3A_118 = vector.extract %slice3A_117[0] : i32 from vector<1xi32>
    %dma_start3A_119 = arith.constant 9 : i32
    %dma_start3A_120 = arith.constant 0 : i32
    %dma_start3A_121 = tpu.memref_slice %arg6[%dma_start3A_119, %dma_start3A_120] : memref<512x64xf32, #tpu.memory_space<vmem>> -> memref<1x64xf32, #tpu.memory_space<vmem>>
    %dma_start3A_122 = arith.constant 0 : i32
    %dma_start3A_123 = tpu.memref_slice %arg2[%squeeze3A_118, %dma_start3A_122] : memref<1000000x64xf32, #tpu.memory_space<hbm>> -> memref<1x64xf32, #tpu.memory_space<hbm>>
    %dma_start3A_124 = arith.constant 9 : i32
    %dma_start3A_125 = arith.constant 0 : i32
    %dma_start3A_126 = tpu.memref_slice %arg6[%dma_start3A_124, %dma_start3A_125] : memref<512x64xf32, #tpu.memory_space<vmem>> -> memref<1x64xf32, #tpu.memory_space<vmem>>
    %dma_start3A_127 = arith.constant 0 : i32
    %dma_start3A_128 = tpu.memref_slice %arg2[%squeeze3A_118, %dma_start3A_127] : memref<1000000x64xf32, #tpu.memory_space<hbm>> -> memref<1x64xf32, #tpu.memory_space<hbm>>
    tpu.enqueue_dma source(%dma_start3A_128 : memref<1x64xf32, #tpu.memory_space<hbm>>) target(%dma_start3A_126 : memref<1x64xf32, #tpu.memory_space<vmem>>) target_semaphore(%arg7 : memref<!tpu.dma_semaphore, #tpu.memory_space<semaphore_mem>>)
    %slice3A_129 = vector.extract_strided_slice %get3A_11 {offsets = [10], sizes = [1], strides = [1]} : vector<16xi32> to vector<1xi32>
    %squeeze3A_130 = vector.extract %slice3A_129[0] : i32 from vector<1xi32>
    %dma_start3A_131 = arith.constant 10 : i32
    %dma_start3A_132 = arith.constant 0 : i32
    %dma_start3A_133 = tpu.memref_slice %arg6[%dma_start3A_131, %dma_start3A_132] : memref<512x64xf32, #tpu.memory_space<vmem>> -> memref<1x64xf32, #tpu.memory_space<vmem>>
    %dma_start3A_134 = arith.constant 0 : i32
    %dma_start3A_135 = tpu.memref_slice %arg2[%squeeze3A_130, %dma_start3A_134] : memref<1000000x64xf32, #tpu.memory_space<hbm>> -> memref<1x64xf32, #tpu.memory_space<hbm>>
    %dma_start3A_136 = arith.constant 10 : i32
    %dma_start3A_137 = arith.constant 0 : i32
    %dma_start3A_138 = tpu.memref_slice %arg6[%dma_start3A_136, %dma_start3A_137] : memref<512x64xf32, #tpu.memory_space<vmem>> -> memref<1x64xf32, #tpu.memory_space<vmem>>
    %dma_start3A_139 = arith.constant 0 : i32
    %dma_start3A_140 = tpu.memref_slice %arg2[%squeeze3A_130, %dma_start3A_139] : memref<1000000x64xf32, #tpu.memory_space<hbm>> -> memref<1x64xf32, #tpu.memory_space<hbm>>
    tpu.enqueue_dma source(%dma_start3A_140 : memref<1x64xf32, #tpu.memory_space<hbm>>) target(%dma_start3A_138 : memref<1x64xf32, #tpu.memory_space<vmem>>) target_semaphore(%arg7 : memref<!tpu.dma_semaphore, #tpu.memory_space<semaphore_mem>>)
    %slice3A_141 = vector.extract_strided_slice %get3A_11 {offsets = [11], sizes = [1], strides = [1]} : vector<16xi32> to vector<1xi32>
    %squeeze3A_142 = vector.extract %slice3A_141[0] : i32 from vector<1xi32>
    %dma_start3A_143 = arith.constant 11 : i32
    %dma_start3A_144 = arith.constant 0 : i32
    %dma_start3A_145 = tpu.memref_slice %arg6[%dma_start3A_143, %dma_start3A_144] : memref<512x64xf32, #tpu.memory_space<vmem>> -> memref<1x64xf32, #tpu.memory_space<vmem>>
    %dma_start3A_146 = arith.constant 0 : i32
    %dma_start3A_147 = tpu.memref_slice %arg2[%squeeze3A_142, %dma_start3A_146] : memref<1000000x64xf32, #tpu.memory_space<hbm>> -> memref<1x64xf32, #tpu.memory_space<hbm>>
    %dma_start3A_148 = arith.constant 11 : i32
    %dma_start3A_149 = arith.constant 0 : i32
    %dma_start3A_150 = tpu.memref_slice %arg6[%dma_start3A_148, %dma_start3A_149] : memref<512x64xf32, #tpu.memory_space<vmem>> -> memref<1x64xf32, #tpu.memory_space<vmem>>
    %dma_start3A_151 = arith.constant 0 : i32
    %dma_start3A_152 = tpu.memref_slice %arg2[%squeeze3A_142, %dma_start3A_151] : memref<1000000x64xf32, #tpu.memory_space<hbm>> -> memref<1x64xf32, #tpu.memory_space<hbm>>
    tpu.enqueue_dma source(%dma_start3A_152 : memref<1x64xf32, #tpu.memory_space<hbm>>) target(%dma_start3A_150 : memref<1x64xf32, #tpu.memory_space<vmem>>) target_semaphore(%arg7 : memref<!tpu.dma_semaphore, #tpu.memory_space<semaphore_mem>>)
    %slice3A_153 = vector.extract_strided_slice %get3A_11 {offsets = [12], sizes = [1], strides = [1]} : vector<16xi32> to vector<1xi32>
    %squeeze3A_154 = vector.extract %slice3A_153[0] : i32 from vector<1xi32>
    %dma_start3A_155 = arith.constant 12 : i32
    %dma_start3A_156 = arith.constant 0 : i32
    %dma_start3A_157 = tpu.memref_slice %arg6[%dma_start3A_155, %dma_start3A_156] : memref<512x64xf32, #tpu.memory_space<vmem>> -> memref<1x64xf32, #tpu.memory_space<vmem>>
    %dma_start3A_158 = arith.constant 0 : i32
    %dma_start3A_159 = tpu.memref_slice %arg2[%squeeze3A_154, %dma_start3A_158] : memref<1000000x64xf32, #tpu.memory_space<hbm>> -> memref<1x64xf32, #tpu.memory_space<hbm>>
    %dma_start3A_160 = arith.constant 12 : i32
    %dma_start3A_161 = arith.constant 0 : i32
    %dma_start3A_162 = tpu.memref_slice %arg6[%dma_start3A_160, %dma_start3A_161] : memref<512x64xf32, #tpu.memory_space<vmem>> -> memref<1x64xf32, #tpu.memory_space<vmem>>
    %dma_start3A_163 = arith.constant 0 : i32
    %dma_start3A_164 = tpu.memref_slice %arg2[%squeeze3A_154, %dma_start3A_163] : memref<1000000x64xf32, #tpu.memory_space<hbm>> -> memref<1x64xf32, #tpu.memory_space<hbm>>
    tpu.enqueue_dma source(%dma_start3A_164 : memref<1x64xf32, #tpu.memory_space<hbm>>) target(%dma_start3A_162 : memref<1x64xf32, #tpu.memory_space<vmem>>) target_semaphore(%arg7 : memref<!tpu.dma_semaphore, #tpu.memory_space<semaphore_mem>>)
    %slice3A_165 = vector.extract_strided_slice %get3A_11 {offsets = [13], sizes = [1], strides = [1]} : vector<16xi32> to vector<1xi32>
    %squeeze3A_166 = vector.extract %slice3A_165[0] : i32 from vector<1xi32>
    %dma_start3A_167 = arith.constant 13 : i32
    %dma_start3A_168 = arith.constant 0 : i32
    %dma_start3A_169 = tpu.memref_slice %arg6[%dma_start3A_167, %dma_start3A_168] : memref<512x64xf32, #tpu.memory_space<vmem>> -> memref<1x64xf32, #tpu.memory_space<vmem>>
    %dma_start3A_170 = arith.constant 0 : i32
    %dma_start3A_171 = tpu.memref_slice %arg2[%squeeze3A_166, %dma_start3A_170] : memref<1000000x64xf32, #tpu.memory_space<hbm>> -> memref<1x64xf32, #tpu.memory_space<hbm>>
    %dma_start3A_172 = arith.constant 13 : i32
    %dma_start3A_173 = arith.constant 0 : i32
    %dma_start3A_174 = tpu.memref_slice %arg6[%dma_start3A_172, %dma_start3A_173] : memref<512x64xf32, #tpu.memory_space<vmem>> -> memref<1x64xf32, #tpu.memory_space<vmem>>
    %dma_start3A_175 = arith.constant 0 : i32
    %dma_start3A_176 = tpu.memref_slice %arg2[%squeeze3A_166, %dma_start3A_175] : memref<1000000x64xf32, #tpu.memory_space<hbm>> -> memref<1x64xf32, #tpu.memory_space<hbm>>
    tpu.enqueue_dma source(%dma_start3A_176 : memref<1x64xf32, #tpu.memory_space<hbm>>) target(%dma_start3A_174 : memref<1x64xf32, #tpu.memory_space<vmem>>) target_semaphore(%arg7 : memref<!tpu.dma_semaphore, #tpu.memory_space<semaphore_mem>>)
    %slice3A_177 = vector.extract_strided_slice %get3A_11 {offsets = [14], sizes = [1], strides = [1]} : vector<16xi32> to vector<1xi32>
    %squeeze3A_178 = vector.extract %slice3A_177[0] : i32 from vector<1xi32>
    %dma_start3A_179 = arith.constant 14 : i32
    %dma_start3A_180 = arith.constant 0 : i32
    %dma_start3A_181 = tpu.memref_slice %arg6[%dma_start3A_179, %dma_start3A_180] : memref<512x64xf32, #tpu.memory_space<vmem>> -> memref<1x64xf32, #tpu.memory_space<vmem>>
    %dma_start3A_182 = arith.constant 0 : i32
    %dma_start3A_183 = tpu.memref_slice %arg2[%squeeze3A_178, %dma_start3A_182] : memref<1000000x64xf32, #tpu.memory_space<hbm>> -> memref<1x64xf32, #tpu.memory_space<hbm>>
    %dma_start3A_184 = arith.constant 14 : i32
    %dma_start3A_185 = arith.constant 0 : i32
    %dma_start3A_186 = tpu.memref_slice %arg6[%dma_start3A_184, %dma_start3A_185] : memref<512x64xf32, #tpu.memory_space<vmem>> -> memref<1x64xf32, #tpu.memory_space<vmem>>
    %dma_start3A_187 = arith.constant 0 : i32
    %dma_start3A_188 = tpu.memref_slice %arg2[%squeeze3A_178, %dma_start3A_187] : memref<1000000x64xf32, #tpu.memory_space<hbm>> -> memref<1x64xf32, #tpu.memory_space<hbm>>
    tpu.enqueue_dma source(%dma_start3A_188 : memref<1x64xf32, #tpu.memory_space<hbm>>) target(%dma_start3A_186 : memref<1x64xf32, #tpu.memory_space<vmem>>) target_semaphore(%arg7 : memref<!tpu.dma_semaphore, #tpu.memory_space<semaphore_mem>>)
    %slice3A_189 = vector.extract_strided_slice %get3A_11 {offsets = [15], sizes = [1], strides = [1]} : vector<16xi32> to vector<1xi32>
    %squeeze3A_190 = vector.extract %slice3A_189[0] : i32 from vector<1xi32>
    %dma_start3A_191 = arith.constant 15 : i32
    %dma_start3A_192 = arith.constant 0 : i32
    %dma_start3A_193 = tpu.memref_slice %arg6[%dma_start3A_191, %dma_start3A_192] : memref<512x64xf32, #tpu.memory_space<vmem>> -> memref<1x64xf32, #tpu.memory_space<vmem>>
    %dma_start3A_194 = arith.constant 0 : i32
    %dma_start3A_195 = tpu.memref_slice %arg2[%squeeze3A_190, %dma_start3A_194] : memref<1000000x64xf32, #tpu.memory_space<hbm>> -> memref<1x64xf32, #tpu.memory_space<hbm>>
    %dma_start3A_196 = arith.constant 15 : i32
    %dma_start3A_197 = arith.constant 0 : i32
    %dma_start3A_198 = tpu.memref_slice %arg6[%dma_start3A_196, %dma_start3A_197] : memref<512x64xf32, #tpu.memory_space<vmem>> -> memref<1x64xf32, #tpu.memory_space<vmem>>
    %dma_start3A_199 = arith.constant 0 : i32
    %dma_start3A_200 = tpu.memref_slice %arg2[%squeeze3A_190, %dma_start3A_199] : memref<1000000x64xf32, #tpu.memory_space<hbm>> -> memref<1x64xf32, #tpu.memory_space<hbm>>
    tpu.enqueue_dma source(%dma_start3A_200 : memref<1x64xf32, #tpu.memory_space<hbm>>) target(%dma_start3A_198 : memref<1x64xf32, #tpu.memory_space<vmem>>) target_semaphore(%arg7 : memref<!tpu.dma_semaphore, #tpu.memory_space<semaphore_mem>>)
    %div3A_201 = arith.constant 1 : i32
    %div3A_202 = arith.constant 8 : i32
    %div3A_203 = arith.divsi %div3A_201, %div3A_202 : i32
    %rem3A_204 = arith.constant 1 : i32
    %rem3A_205 = arith.constant 8 : i32
    %rem3A_206 = arith.remsi %rem3A_204, %rem3A_205 : i32
    %mul3A_207 = arith.constant 16 : i32
    %mul3A_208 = arith.muli %rem3A_206, %mul3A_207 : i32
    %get3A_209 = arith.index_cast %div3A_203 : i32 to index
    %get3A_210 = arith.index_cast %mul3A_208 : i32 to index
    %get3A_211 = tpu.vector_load %arg5[%get3A_209, %get3A_210] {strides = array<i32>} : memref<4x128xi32, #tpu.memory_space<vmem>>, vector<1x16xi32>,
    %get3A_212 = vector.shape_cast %get3A_211 : vector<1x16xi32> to vector<16xi32>
    %slice3A_213 = vector.extract_strided_slice %get3A_212 {offsets = [0], sizes = [1], strides = [1]} : vector<16xi32> to vector<1xi32>
    %squeeze3A_214 = vector.extract %slice3A_213[0] : i32 from vector<1xi32>
    %dma_start3A_215 = arith.constant 16 : i32
    %dma_start3A_216 = arith.constant 0 : i32
    %dma_start3A_217 = tpu.memref_slice %arg6[%dma_start3A_215, %dma_start3A_216] : memref<512x64xf32, #tpu.memory_space<vmem>> -> memref<1x64xf32, #tpu.memory_space<vmem>>
    %dma_start3A_218 = arith.constant 0 : i32
    %dma_start3A_219 = tpu.memref_slice %arg2[%squeeze3A_214, %dma_start3A_218] : memref<1000000x64xf32, #tpu.memory_space<hbm>> -> memref<1x64xf32, #tpu.memory_space<hbm>>
    %dma_start3A_220 = arith.constant 16 : i32
    %dma_start3A_221 = arith.constant 0 : i32
    %dma_start3A_222 = tpu.memref_slice %arg6[%dma_start3A_220, %dma_start3A_221] : memref<512x64xf32, #tpu.memory_space<vmem>> -> memref<1x64xf32, #tpu.memory_space<vmem>>
    %dma_start3A_223 = arith.constant 0 : i32
    %dma_start3A_224 = tpu.memref_slice %arg2[%squeeze3A_214, %dma_start3A_223] : memref<1000000x64xf32, #tpu.memory_space<hbm>> -> memref<1x64xf32, #tpu.memory_space<hbm>>
    tpu.enqueue_dma source(%dma_start3A_224 : memref<1x64xf32, #tpu.memory_space<hbm>>) target(%dma_start3A_222 : memref<1x64xf32, #tpu.memory_space<vmem>>) target_semaphore(%arg7 : memref<!tpu.dma_semaphore, #tpu.memory_space<semaphore_mem>>)
    %slice3A_225 = vector.extract_strided_slice %get3A_212 {offsets = [1], sizes = [1], strides = [1]} : vector<16xi32> to vector<1xi32>
    %squeeze3A_226 = vector.extract %slice3A_225[0] : i32 from vector<1xi32>
    %dma_start3A_227 = arith.constant 17 : i32
    %dma_start3A_228 = arith.constant 0 : i32
    %dma_start3A_229 = tpu.memref_slice %arg6[%dma_start3A_227, %dma_start3A_228] : memref<512x64xf32, #tpu.memory_space<vmem>> -> memref<1x64xf32, #tpu.memory_space<vmem>>
    %dma_start3A_230 = arith.constant 0 : i32
    %dma_start3A_231 = tpu.memref_slice %arg2[%squeeze3A_226, %dma_start3A_230] : memref<1000000x64xf32, #tpu.memory_space<hbm>> -> memref<1x64xf32, #tpu.memory_space<hbm>>
    %dma_start3A_232 = arith.constant 17 : i32
    %dma_start3A_233 = arith.constant 0 : i32
    %dma_start3A_234 = tpu.memref_slice %arg6[%dma_start3A_232, %dma_start3A_233] : memref<512x64xf32, #tpu.memory_space<vmem>> -> memref<1x64xf32, #tpu.memory_space<vmem>>
    %dma_start3A_235 = arith.constant 0 : i32
    %dma_start3A_236 = tpu.memref_slice %arg2[%squeeze3A_226, %dma_start3A_235] : memref<1000000x64xf32, #tpu.memory_space<hbm>> -> memref<1x64xf32, #tpu.memory_space<hbm>>
    tpu.enqueue_dma source(%dma_start3A_236 : memref<1x64xf32, #tpu.memory_space<hbm>>) target(%dma_start3A_234 : memref<1x64xf32, #tpu.memory_space<vmem>>) target_semaphore(%arg7 : memref<!tpu.dma_semaphore, #tpu.memory_space<semaphore_mem>>)
    %slice3A_237 = vector.extract_strided_slice %get3A_212 {offsets = [2], sizes = [1], strides = [1]} : vector<16xi32> to vector<1xi32>
    %squeeze3A_238 = vector.extract %slice3A_237[0] : i32 from vector<1xi32>
    %dma_start3A_239 = arith.constant 18 : i32
    %dma_start3A_240 = arith.constant 0 : i32
    %dma_start3A_241 = tpu.memref_slice %arg6[%dma_start3A_239, %dma_start3A_240] : memref<512x64xf32, #tpu.memory_space<vmem>> -> memref<1x64xf32, #tpu.memory_space<vmem>>
    %dma_start3A_242 = arith.constant 0 : i32
    %dma_start3A_243 = tpu.memref_slice %arg2[%squeeze3A_238, %dma_start3A_242] : memref<1000000x64xf32, #tpu.memory_space<hbm>> -> memref<1x64xf32, #tpu.memory_space<hbm>>
    %dma_start3A_244 = arith.constant 18 : i32
    %dma_start3A_245 = arith.constant 0 : i32
    %dma_start3A_246 = tpu.memref_slice %arg6[%dma_start3A_244, %dma_start3A_245] : memref<512x64xf32, #tpu.memory_space<vmem>> -> memref<1x64xf32, #tpu.memory_space<vmem>>
    %dma_start3A_247 = arith.constant 0 : i32
    %dma_start3A_248 = tpu.memref_slice %arg2[%squeeze3A_238, %dma_start3A_247] : memref<1000000x64xf32, #tpu.memory_space<hbm>> -> memref<1x64xf32, #tpu.memory_space<hbm>>
    tpu.enqueue_dma source(%dma_start3A_248 : memref<1x64xf32, #tpu.memory_space<hbm>>) target(%dma_start3A_246 : memref<1x64xf32, #tpu.memory_space<vmem>>) target_semaphore(%arg7 : memref<!tpu.dma_semaphore, #tpu.memory_space<semaphore_mem>>)
    %slice3A_249 = vector.extract_strided_slice %get3A_212 {offsets = [3], sizes = [1], strides = [1]} : vector<16xi32> to vector<1xi32>
    %squeeze3A_250 = vector.extract %slice3A_249[0] : i32 from vector<1xi32>
    %dma_start3A_251 = arith.constant 19 : i32
    %dma_start3A_252 = arith.constant 0 : i32
    %dma_start3A_253 = tpu.memref_slice %arg6[%dma_start3A_251, %dma_start3A_252] : memref<512x64xf32, #tpu.memory_space<vmem>> -> memref<1x64xf32, #tpu.memory_space<vmem>>
    %dma_start3A_254 = arith.constant 0 : i32
    %dma_start3A_255 = tpu.memref_slice %arg2[%squeeze3A_250, %dma_start3A_254] : memref<1000000x64xf32, #tpu.memory_space<hbm>> -> memref<1x64xf32, #tpu.memory_space<hbm>>
    %dma_start3A_256 = arith.constant 19 : i32
    %dma_start3A_257 = arith.constant 0 : i32
    %dma_start3A_258 = tpu.memref_slice %arg6[%dma_start3A_256, %dma_start3A_257] : memref<512x64xf32, #tpu.memory_space<vmem>> -> memref<1x64xf32, #tpu.memory_space<vmem>>
    %dma_start3A_259 = arith.constant 0 : i32
    %dma_start3A_260 = tpu.memref_slice %arg2[%squeeze3A_250, %dma_start3A_259] : memref<1000000x64xf32, #tpu.memory_space<hbm>> -> memref<1x64xf32, #tpu.memory_space<hbm>>
    tpu.enqueue_dma source(%dma_start3A_260 : memref<1x64xf32, #tpu.memory_space<hbm>>) target(%dma_start3A_258 : memref<1x64xf32, #tpu.memory_space<vmem>>) target_semaphore(%arg7 : memref<!tpu.dma_semaphore, #tpu.memory_space<semaphore_mem>>)
    %slice3A_261 = vector.extract_strided_slice %get3A_212 {offsets = [4], sizes = [1], strides = [1]} : vector<16xi32> to vector<1xi32>
    %squeeze3A_262 = vector.extract %slice3A_261[0] : i32 from vector<1xi32>
    %dma_start3A_263 = arith.constant 20 : i32
    %dma_start3A_264 = arith.constant 0 : i32
    %dma_start3A_265 = tpu.memref_slice %arg6[%dma_start3A_263, %dma_start3A_264] : memref<512x64xf32, #tpu.memory_space<vmem>> -> memref<1x64xf32, #tpu.memory_space<vmem>>
    %dma_start3A_266 = arith.constant 0 : i32
    %dma_start3A_267 = tpu.memref_slice %arg2[%squeeze3A_262, %dma_start3A_266] : memref<1000000x64xf32, #tpu.memory_space<hbm>> -> memref<1x64xf32, #tpu.memory_space<hbm>>
    %dma_start3A_268 = arith.constant 20 : i32
    %dma_start3A_269 = arith.constant 0 : i32
    %dma_start3A_270 = tpu.memref_slice %arg6[%dma_start3A_268, %dma_start3A_269] : memref<512x64xf32, #tpu.memory_space<vmem>> -> memref<1x64xf32, #tpu.memory_space<vmem>>
    %dma_start3A_271 = arith.constant 0 : i32
    %dma_start3A_272 = tpu.memref_slice %arg2[%squeeze3A_262, %dma_start3A_271] : memref<1000000x64xf32, #tpu.memory_space<hbm>> -> memref<1x64xf32, #tpu.memory_space<hbm>>
    tpu.enqueue_dma source(%dma_start3A_272 : memref<1x64xf32, #tpu.memory_space<hbm>>) target(%dma_start3A_270 : memref<1x64xf32, #tpu.memory_space<vmem>>) target_semaphore(%arg7 : memref<!tpu.dma_semaphore, #tpu.memory_space<semaphore_mem>>)
    %slice3A_273 = vector.extract_strided_slice %get3A_212 {offsets = [5], sizes = [1], strides = [1]} : vector<16xi32> to vector<1xi32>
    %squeeze3A_274 = vector.extract %slice3A_273[0] : i32 from vector<1xi32>
    %dma_start3A_275 = arith.constant 21 : i32
    %dma_start3A_276 = arith.constant 0 : i32
    %dma_start3A_277 = tpu.memref_slice %arg6[%dma_start3A_275, %dma_start3A_276] : memref<512x64xf32, #tpu.memory_space<vmem>> -> memref<1x64xf32, #tpu.memory_space<vmem>>
    %dma_start3A_278 = arith.constant 0 : i32
    %dma_start3A_279 = tpu.memref_slice %arg2[%squeeze3A_274, %dma_start3A_278] : memref<1000000x64xf32, #tpu.memory_space<hbm>> -> memref<1x64xf32, #tpu.memory_space<hbm>>
    %dma_start3A_280 = arith.constant 21 : i32
    %dma_start3A_281 = arith.constant 0 : i32
    %dma_start3A_282 = tpu.memref_slice %arg6[%dma_start3A_280, %dma_start3A_281] : memref<512x64xf32, #tpu.memory_space<vmem>> -> memref<1x64xf32, #tpu.memory_space<vmem>>
    %dma_start3A_283 = arith.constant 0 : i32
    %dma_start3A_284 = tpu.memref_slice %arg2[%squeeze3A_274, %dma_start3A_283] : memref<1000000x64xf32, #tpu.memory_space<hbm>> -> memref<1x64xf32, #tpu.memory_space<hbm>>
    tpu.enqueue_dma source(%dma_start3A_284 : memref<1x64xf32, #tpu.memory_space<hbm>>) target(%dma_start3A_282 : memref<1x64xf32, #tpu.memory_space<vmem>>) target_semaphore(%arg7 : memref<!tpu.dma_semaphore, #tpu.memory_space<semaphore_mem>>)
    %slice3A_285 = vector.extract_strided_slice %get3A_212 {offsets = [6], sizes = [1], strides = [1]} : vector<16xi32> to vector<1xi32>
    %squeeze3A_286 = vector.extract %slice3A_285[0] : i32 from vector<1xi32>
    %dma_start3A_287 = arith.constant 22 : i32
    %dma_start3A_288 = arith.constant 0 : i32
    %dma_start3A_289 = tpu.memref_slice %arg6[%dma_start3A_287, %dma_start3A_288] : memref<512x64xf32, #tpu.memory_space<vmem>> -> memref<1x64xf32, #tpu.memory_space<vmem>>
    %dma_start3A_290 = arith.constant 0 : i32
    %dma_start3A_291 = tpu.memref_slice %arg2[%squeeze3A_286, %dma_start3A_290] : memref<1000000x64xf32, #tpu.memory_space<hbm>> -> memref<1x64xf32, #tpu.memory_space<hbm>>
    %dma_start3A_292 = arith.constant 22 : i32
    %dma_start3A_293 = arith.constant 0 : i32
    %dma_start3A_294 = tpu.memref_slice %arg6[%dma_start3A_292, %dma_start3A_293] : memref<512x64xf32, #tpu.memory_space<vmem>> -> memref<1x64xf32, #tpu.memory_space<vmem>>
    %dma_start3A_295 = arith.constant 0 : i32
    %dma_start3A_296 = tpu.memref_slice %arg2[%squeeze3A_286, %dma_start3A_295] : memref<1000000x64xf32, #tpu.memory_space<hbm>> -> memref<1x64xf32, #tpu.memory_space<hbm>>
    tpu.enqueue_dma source(%dma_start3A_296 : memref<1x64xf32, #tpu.memory_space<hbm>>) target(%dma_start3A_294 : memref<1x64xf32, #tpu.memory_space<vmem>>) target_semaphore(%arg7 : memref<!tpu.dma_semaphore, #tpu.memory_space<semaphore_mem>>)
    %slice3A_297 = vector.extract_strided_slice %get3A_212 {offsets = [7], sizes = [1], strides = [1]} : vector<16xi32> to vector<1xi32>
    %squeeze3A_298 = vector.extract %slice3A_297[0] : i32 from vector<1xi32>
    %dma_start3A_299 = arith.constant 23 : i32
    %dma_start3A_300 = arith.constant 0 : i32
    %dma_start3A_301 = tpu.memref_slice %arg6[%dma_start3A_299, %dma_start3A_300] : memref<512x64xf32, #tpu.memory_space<vmem>> -> memref<1x64xf32, #tpu.memory_space<vmem>>
    %dma_start3A_302 = arith.constant 0 : i32
    %dma_start3A_303 = tpu.memref_slice %arg2[%squeeze3A_298, %dma_start3A_302] : memref<1000000x64xf32, #tpu.memory_space<hbm>> -> memref<1x64xf32, #tpu.memory_space<hbm>>
    %dma_start3A_304 = arith.constant 23 : i32
    %dma_start3A_305 = arith.constant 0 : i32
    %dma_start3A_306 = tpu.memref_slice %arg6[%dma_start3A_304, %dma_start3A_305] : memref<512x64xf32, #tpu.memory_space<vmem>> -> memref<1x64xf32, #tpu.memory_space<vmem>>
    %dma_start3A_307 = arith.constant 0 : i32
    %dma_start3A_308 = tpu.memref_slice %arg2[%squeeze3A_298, %dma_start3A_307] : memref<1000000x64xf32, #tpu.memory_space<hbm>> -> memref<1x64xf32, #tpu.memory_space<hbm>>
    tpu.enqueue_dma source(%dma_start3A_308 : memref<1x64xf32, #tpu.memory_space<hbm>>) target(%dma_start3A_306 : memref<1x64xf32, #tpu.memory_space<vmem>>) target_semaphore(%arg7 : memref<!tpu.dma_semaphore, #tpu.memory_space<semaphore_mem>>)
    %slice3A_309 = vector.extract_strided_slice %get3A_212 {offsets = [8], sizes = [1], strides = [1]} : vector<16xi32> to vector<1xi32>
    %squeeze3A_310 = vector.extract %slice3A_309[0] : i32 from vector<1xi32>
    %dma_start3A_311 = arith.constant 24 : i32
    %dma_start3A_312 = arith.constant 0 : i32
    %dma_start3A_313 = tpu.memref_slice %arg6[%dma_start3A_311, %dma_start3A_312] : memref<512x64xf32, #tpu.memory_space<vmem>> -> memref<1x64xf32, #tpu.memory_space<vmem>>
    %dma_start3A_314 = arith.constant 0 : i32
    %dma_start3A_315 = tpu.memref_slice %arg2[%squeeze3A_310, %dma_start3A_314] : memref<1000000x64xf32, #tpu.memory_space<hbm>> -> memref<1x64xf32, #tpu.memory_space<hbm>>
    %dma_start3A_316 = arith.constant 24 : i32
    %dma_start3A_317 = arith.constant 0 : i32
    %dma_start3A_318 = tpu.memref_slice %arg6[%dma_start3A_316, %dma_start3A_317] : memref<512x64xf32, #tpu.memory_space<vmem>> -> memref<1x64xf32, #tpu.memory_space<vmem>>
    %dma_start3A_319 = arith.constant 0 : i32
    %dma_start3A_320 = tpu.memref_slice %arg2[%squeeze3A_310, %dma_start3A_319] : memref<1000000x64xf32, #tpu.memory_space<hbm>> -> memref<1x64xf32, #tpu.memory_space<hbm>>
    tpu.enqueue_dma source(%dma_start3A_320 : memref<1x64xf32, #tpu.memory_space<hbm>>) target(%dma_start3A_318 : memref<1x64xf32, #tpu.memory_space<vmem>>) target_semaphore(%arg7 : memref<!tpu.dma_semaphore, #tpu.memory_space<semaphore_mem>>)
    %slice3A_321 = vector.extract_strided_slice %get3A_212 {offsets = [9], sizes = [1], strides = [1]} : vector<16xi32> to vector<1xi32>
    %squeeze3A_322 = vector.extract %slice3A_321[0] : i32 from vector<1xi32>
    %dma_start3A_323 = arith.constant 25 : i32
    %dma_start3A_324 = arith.constant 0 : i32
    %dma_start3A_325 = tpu.memref_slice %arg6[%dma_start3A_323, %dma_start3A_324] : memref<512x64xf32, #tpu.memory_space<vmem>> -> memref<1x64xf32, #tpu.memory_space<vmem>>
    %dma_start3A_326 = arith.constant 0 : i32
    %dma_start3A_327 = tpu.memref_slice %arg2[%squeeze3A_322, %dma_start3A_326] : memref<1000000x64xf32, #tpu.memory_space<hbm>> -> memref<1x64xf32, #tpu.memory_space<hbm>>
    %dma_start3A_328 = arith.constant 25 : i32
    %dma_start3A_329 = arith.constant 0 : i32
    %dma_start3A_330 = tpu.memref_slice %arg6[%dma_start3A_328, %dma_start3A_329] : memref<512x64xf32, #tpu.memory_space<vmem>> -> memref<1x64xf32, #tpu.memory_space<vmem>>
    %dma_start3A_331 = arith.constant 0 : i32
    %dma_start3A_332 = tpu.memref_slice %arg2[%squeeze3A_322, %dma_start3A_331] : memref<1000000x64xf32, #tpu.memory_space<hbm>> -> memref<1x64xf32, #tpu.memory_space<hbm>>
    tpu.enqueue_dma source(%dma_start3A_332 : memref<1x64xf32, #tpu.memory_space<hbm>>) target(%dma_start3A_330 : memref<1x64xf32, #tpu.memory_space<vmem>>) target_semaphore(%arg7 : memref<!tpu.dma_semaphore, #tpu.memory_space<semaphore_mem>>)
    %slice3A_333 = vector.extract_strided_slice %get3A_212 {offsets = [10], sizes = [1], strides = [1]} : vector<16xi32> to vector<1xi32>
    %squeeze3A_334 = vector.extract %slice3A_333[0] : i32 from vector<1xi32>
    %dma_start3A_335 = arith.constant 26 : i32
    %dma_start3A_336 = arith.constant 0 : i32
    %dma_start3A_337 = tpu.memref_slice %arg6[%dma_start3A_335, %dma_start3A_336] : memref<512x64xf32, #tpu.memory_space<vmem>> -> memref<1x64xf32, #tpu.memory_space<vmem>>
    %dma_start3A_338 = arith.constant 0 : i32
    %dma_start3A_339 = tpu.memref_slice %arg2[%squeeze3A_334, %dma_start3A_338] : memref<1000000x64xf32, #tpu.memory_space<hbm>> -> memref<1x64xf32, #tpu.memory_space<hbm>>
    %dma_start3A_340 = arith.constant 26 : i32
    %dma_start3A_341 = arith.constant 0 : i32
    %dma_start3A_342 = tpu.memref_slice %arg6[%dma_start3A_340, %dma_start3A_341] : memref<512x64xf32, #tpu.memory_space<vmem>> -> memref<1x64xf32, #tpu.memory_space<vmem>>
    %dma_start3A_343 = arith.constant 0 : i32
    %dma_start3A_344 = tpu.memref_slice %arg2[%squeeze3A_334, %dma_start3A_343] : memref<1000000x64xf32, #tpu.memory_space<hbm>> -> memref<1x64xf32, #tpu.memory_space<hbm>>
    tpu.enqueue_dma source(%dma_start3A_344 : memref<1x64xf32, #tpu.memory_space<hbm>>) target(%dma_start3A_342 : memref<1x64xf32, #tpu.memory_space<vmem>>) target_semaphore(%arg7 : memref<!tpu.dma_semaphore, #tpu.memory_space<semaphore_mem>>)
    %slice3A_345 = vector.extract_strided_slice %get3A_212 {offsets = [11], sizes = [1], strides = [1]} : vector<16xi32> to vector<1xi32>
    %squeeze3A_346 = vector.extract %slice3A_345[0] : i32 from vector<1xi32>
    %dma_start3A_347 = arith.constant 27 : i32
    %dma_start3A_348 = arith.constant 0 : i32
    %dma_start3A_349 = tpu.memref_slice %arg6[%dma_start3A_347, %dma_start3A_348] : memref<512x64xf32, #tpu.memory_space<vmem>> -> memref<1x64xf32, #tpu.memory_space<vmem>>
    %dma_start3A_350 = arith.constant 0 : i32
    %dma_start3A_351 = tpu.memref_slice %arg2[%squeeze3A_346, %dma_start3A_350] : memref<1000000x64xf32, #tpu.memory_space<hbm>> -> memref<1x64xf32, #tpu.memory_space<hbm>>
    %dma_start3A_352 = arith.constant 27 : i32
    %dma_start3A_353 = arith.constant 0 : i32
    %dma_start3A_354 = tpu.memref_slice %arg6[%dma_start3A_352, %dma_start3A_353] : memref<512x64xf32, #tpu.memory_space<vmem>> -> memref<1x64xf32, #tpu.memory_space<vmem>>
    %dma_start3A_355 = arith.constant 0 : i32
    %dma_start3A_356 = tpu.memref_slice %arg2[%squeeze3A_346, %dma_start3A_355] : memref<1000000x64xf32, #tpu.memory_space<hbm>> -> memref<1x64xf32, #tpu.memory_space<hbm>>
    tpu.enqueue_dma source(%dma_start3A_356 : memref<1x64xf32, #tpu.memory_space<hbm>>) target(%dma_start3A_354 : memref<1x64xf32, #tpu.memory_space<vmem>>) target_semaphore(%arg7 : memref<!tpu.dma_semaphore, #tpu.memory_space<semaphore_mem>>)
    %slice3A_357 = vector.extract_strided_slice %get3A_212 {offsets = [12], sizes = [1], strides = [1]} : vector<16xi32> to vector<1xi32>
    %squeeze3A_358 = vector.extract %slice3A_357[0] : i32 from vector<1xi32>
    %dma_start3A_359 = arith.constant 28 : i32
    %dma_start3A_360 = arith.constant 0 : i32
    %dma_start3A_361 = tpu.memref_slice %arg6[%dma_start3A_359, %dma_start3A_360] : memref<512x64xf32, #tpu.memory_space<vmem>> -> memref<1x64xf32, #tpu.memory_space<vmem>>
    %dma_start3A_362 = arith.constant 0 : i32
    %dma_start3A_363 = tpu.memref_slice %arg2[%squeeze3A_358, %dma_start3A_362] : memref<1000000x64xf32, #tpu.memory_space<hbm>> -> memref<1x64xf32, #tpu.memory_space<hbm>>
    %dma_start3A_364 = arith.constant 28 : i32
    %dma_start3A_365 = arith.constant 0 : i32
    %dma_start3A_366 = tpu.memref_slice %arg6[%dma_start3A_364, %dma_start3A_365] : memref<512x64xf32, #tpu.memory_space<vmem>> -> memref<1x64xf32, #tpu.memory_space<vmem>>
    %dma_start3A_367 = arith.constant 0 : i32
    %dma_start3A_368 = tpu.memref_slice %arg2[%squeeze3A_358, %dma_start3A_367] : memref<1000000x64xf32, #tpu.memory_space<hbm>> -> memref<1x64xf32, #tpu.memory_space<hbm>>
    tpu.enqueue_dma source(%dma_start3A_368 : memref<1x64xf32, #tpu.memory_space<hbm>>) target(%dma_start3A_366 : memref<1x64xf32, #tpu.memory_space<vmem>>) target_semaphore(%arg7 : memref<!tpu.dma_semaphore, #tpu.memory_space<semaphore_mem>>)
    %slice3A_369 = vector.extract_strided_slice %get3A_212 {offsets = [13], sizes = [1], strides = [1]} : vector<16xi32> to vector<1xi32>
    %squeeze3A_370 = vector.extract %slice3A_369[0] : i32 from vector<1xi32>
    %dma_start3A_371 = arith.constant 29 : i32
    %dma_start3A_372 = arith.constant 0 : i32
    %dma_start3A_373 = tpu.memref_slice %arg6[%dma_start3A_371, %dma_start3A_372] : memref<512x64xf32, #tpu.memory_space<vmem>> -> memref<1x64xf32, #tpu.memory_space<vmem>>
    %dma_start3A_374 = arith.constant 0 : i32
    %dma_start3A_375 = tpu.memref_slice %arg2[%squeeze3A_370, %dma_start3A_374] : memref<1000000x64xf32, #tpu.memory_space<hbm>> -> memref<1x64xf32, #tpu.memory_space<hbm>>
    %dma_start3A_376 = arith.constant 29 : i32
    %dma_start3A_377 = arith.constant 0 : i32
    %dma_start3A_378 = tpu.memref_slice %arg6[%dma_start3A_376, %dma_start3A_377] : memref<512x64xf32, #tpu.memory_space<vmem>> -> memref<1x64xf32, #tpu.memory_space<vmem>>
    %dma_start3A_379 = arith.constant 0 : i32
    %dma_start3A_380 = tpu.memref_slice %arg2[%squeeze3A_370, %dma_start3A_379] : memref<1000000x64xf32, #tpu.memory_space<hbm>> -> memref<1x64xf32, #tpu.memory_space<hbm>>
    tpu.enqueue_dma source(%dma_start3A_380 : memref<1x64xf32, #tpu.memory_space<hbm>>) target(%dma_start3A_378 : memref<1x64xf32, #tpu.memory_space<vmem>>) target_semaphore(%arg7 : memref<!tpu.dma_semaphore, #tpu.memory_space<semaphore_mem>>)
    %slice3A_381 = vector.extract_strided_slice %get3A_212 {offsets = [14], sizes = [1], strides = [1]} : vector<16xi32> to vector<1xi32>
    %squeeze3A_382 = vector.extract %slice3A_381[0] : i32 from vector<1xi32>
    %dma_start3A_383 = arith.constant 30 : i32
    %dma_start3A_384 = arith.constant 0 : i32
    %dma_start3A_385 = tpu.memref_slice %arg6[%dma_start3A_383, %dma_start3A_384] : memref<512x64xf32, #tpu.memory_space<vmem>> -> memref<1x64xf32, #tpu.memory_space<vmem>>
    %dma_start3A_386 = arith.constant 0 : i32
    %dma_start3A_387 = tpu.memref_slice %arg2[%squeeze3A_382, %dma_start3A_386] : memref<1000000x64xf32, #tpu.memory_space<hbm>> -> memref<1x64xf32, #tpu.memory_space<hbm>>
    %dma_start3A_388 = arith.constant 30 : i32
    %dma_start3A_389 = arith.constant 0 : i32
    %dma_start3A_390 = tpu.memref_slice %arg6[%dma_start3A_388, %dma_start3A_389] : memref<512x64xf32, #tpu.memory_space<vmem>> -> memref<1x64xf32, #tpu.memory_space<vmem>>
    %dma_start3A_391 = arith.constant 0 : i32
    %dma_start3A_392 = tpu.memref_slice %arg2[%squeeze3A_382, %dma_start3A_391] : memref<1000000x64xf32, #tpu.memory_space<hbm>> -> memref<1x64xf32, #tpu.memory_space<hbm>>
    tpu.enqueue_dma source(%dma_start3A_392 : memref<1x64xf32, #tpu.memory_space<hbm>>) target(%dma_start3A_390 : memref<1x64xf32, #tpu.memory_space<vmem>>) target_semaphore(%arg7 : memref<!tpu.dma_semaphore, #tpu.memory_space<semaphore_mem>>)
    %slice3A_393 = vector.extract_strided_slice %get3A_212 {offsets = [15], sizes = [1], strides = [1]} : vector<16xi32> to vector<1xi32>
    %squeeze3A_394 = vector.extract %slice3A_393[0] : i32 from vector<1xi32>
    %dma_start3A_395 = arith.constant 31 : i32
    %dma_start3A_396 = arith.constant 0 : i32
    %dma_start3A_397 = tpu.memref_slice %arg6[%dma_start3A_395, %dma_start3A_396] : memref<512x64xf32, #tpu.memory_space<vmem>> -> memref<1x64xf32, #tpu.memory_space<vmem>>
    %dma_start3A_398 = arith.constant 0 : i32
    %dma_start3A_399 = tpu.memref_slice %arg2[%squeeze3A_394, %dma_start3A_398] : memref<1000000x64xf32, #tpu.memory_space<hbm>> -> memref<1x64xf32, #tpu.memory_space<hbm>>
    %dma_start3A_400 = arith.constant 31 : i32
    %dma_start3A_401 = arith.constant 0 : i32
    %dma_start3A_402 = tpu.memref_slice %arg6[%dma_start3A_400, %dma_start3A_401] : memref<512x64xf32, #tpu.memory_space<vmem>> -> memref<1x64xf32, #tpu.memory_space<vmem>>
    %dma_start3A_403 = arith.constant 0 : i32
    %dma_start3A_404 = tpu.memref_slice %arg2[%squeeze3A_394, %dma_start3A_403] : memref<1000000x64xf32, #tpu.memory_space<hbm>> -> memref<1x64xf32, #tpu.memory_space<hbm>>
    tpu.enqueue_dma source(%dma_start3A_404 : memref<1x64xf32, #tpu.memory_space<hbm>>) target(%dma_start3A_402 : memref<1x64xf32, #tpu.memory_space<vmem>>) target_semaphore(%arg7 : memref<!tpu.dma_semaphore, #tpu.memory_space<semaphore_mem>>)
    %scan3A = arith.constant 0 : i32
    %scan3A_405 = arith.constant 2 : i32
    %scan3A_406 = arith.constant 30 : i32
    %scan3A_407 = arith.addi %scan3A_405, %scan3A_406 : i32
    %scan3A_408 = arith.constant 1 : i32
    %scan3A_409 = scf.for %scan3A_794 = %scan3A_405 to %scan3A_407 step %scan3A_408 iter_args(%scan3A_795 = %scan3A) -> (i32)  : i32 {
      %div3A_796 = arith.constant 8 : i32
      %div3A_797 = arith.divsi %scan3A_794, %div3A_796 : i32
      %rem3A_798 = arith.constant 8 : i32
      %rem3A_799 = arith.remsi %scan3A_794, %rem3A_798 : i32
      %mul3A_800 = arith.constant 16 : i32
      %mul3A_801 = arith.muli %rem3A_799, %mul3A_800 : i32
      %get3A_802 = arith.index_cast %div3A_797 : i32 to index
      %get3A_803 = arith.index_cast %mul3A_801 : i32 to index
      %get3A_804 = tpu.vector_load %arg5[%get3A_802, %get3A_803] {strides = array<i32>} : memref<4x128xi32, #tpu.memory_space<vmem>>, vector<1x16xi32>,
      %get3A_805 = vector.shape_cast %get3A_804 : vector<1x16xi32> to vector<16xi32>
      %mul3A_806 = arith.constant 16 : i32
      %mul3A_807 = arith.muli %scan3A_794, %mul3A_806 : i32
      %add3A_808 = arith.constant 0 : i32
      %add3A_809 = arith.addi %mul3A_807, %add3A_808 : i32
      %slice3A_810 = vector.extract_strided_slice %get3A_805 {offsets = [0], sizes = [1], strides = [1]} : vector<16xi32> to vector<1xi32>
      %squeeze3A_811 = vector.extract %slice3A_810[0] : i32 from vector<1xi32>
      %dma_start3A_812 = arith.constant 0 : i32
      %dma_start3A_813 = tpu.memref_slice %arg6[%add3A_809, %dma_start3A_812] : memref<512x64xf32, #tpu.memory_space<vmem>> -> memref<1x64xf32, #tpu.memory_space<vmem>>
      %dma_start3A_814 = arith.constant 0 : i32
      %dma_start3A_815 = tpu.memref_slice %arg2[%squeeze3A_811, %dma_start3A_814] : memref<1000000x64xf32, #tpu.memory_space<hbm>> -> memref<1x64xf32, #tpu.memory_space<hbm>>
      %dma_start3A_816 = arith.constant 0 : i32
      %dma_start3A_817 = tpu.memref_slice %arg6[%add3A_809, %dma_start3A_816] : memref<512x64xf32, #tpu.memory_space<vmem>> -> memref<1x64xf32, #tpu.memory_space<vmem>>
      %dma_start3A_818 = arith.constant 0 : i32
      %dma_start3A_819 = tpu.memref_slice %arg2[%squeeze3A_811, %dma_start3A_818] : memref<1000000x64xf32, #tpu.memory_space<hbm>> -> memref<1x64xf32, #tpu.memory_space<hbm>>
      tpu.enqueue_dma source(%dma_start3A_819 : memref<1x64xf32, #tpu.memory_space<hbm>>) target(%dma_start3A_817 : memref<1x64xf32, #tpu.memory_space<vmem>>) target_semaphore(%arg7 : memref<!tpu.dma_semaphore, #tpu.memory_space<semaphore_mem>>)
      %mul3A_820 = arith.constant 16 : i32
      %mul3A_821 = arith.muli %scan3A_794, %mul3A_820 : i32
      %add3A_822 = arith.constant 1 : i32
      %add3A_823 = arith.addi %mul3A_821, %add3A_822 : i32
      %slice3A_824 = vector.extract_strided_slice %get3A_805 {offsets = [1], sizes = [1], strides = [1]} : vector<16xi32> to vector<1xi32>
      %squeeze3A_825 = vector.extract %slice3A_824[0] : i32 from vector<1xi32>
      %dma_start3A_826 = arith.constant 0 : i32
      %dma_start3A_827 = tpu.memref_slice %arg6[%add3A_823, %dma_start3A_826] : memref<512x64xf32, #tpu.memory_space<vmem>> -> memref<1x64xf32, #tpu.memory_space<vmem>>
      %dma_start3A_828 = arith.constant 0 : i32
      %dma_start3A_829 = tpu.memref_slice %arg2[%squeeze3A_825, %dma_start3A_828] : memref<1000000x64xf32, #tpu.memory_space<hbm>> -> memref<1x64xf32, #tpu.memory_space<hbm>>
      %dma_start3A_830 = arith.constant 0 : i32
      %dma_start3A_831 = tpu.memref_slice %arg6[%add3A_823, %dma_start3A_830] : memref<512x64xf32, #tpu.memory_space<vmem>> -> memref<1x64xf32, #tpu.memory_space<vmem>>
      %dma_start3A_832 = arith.constant 0 : i32
      %dma_start3A_833 = tpu.memref_slice %arg2[%squeeze3A_825, %dma_start3A_832] : memref<1000000x64xf32, #tpu.memory_space<hbm>> -> memref<1x64xf32, #tpu.memory_space<hbm>>
      tpu.enqueue_dma source(%dma_start3A_833 : memref<1x64xf32, #tpu.memory_space<hbm>>) target(%dma_start3A_831 : memref<1x64xf32, #tpu.memory_space<vmem>>) target_semaphore(%arg7 : memref<!tpu.dma_semaphore, #tpu.memory_space<semaphore_mem>>)
      %mul3A_834 = arith.constant 16 : i32
      %mul3A_835 = arith.muli %scan3A_794, %mul3A_834 : i32
      %add3A_836 = arith.constant 2 : i32
      %add3A_837 = arith.addi %mul3A_835, %add3A_836 : i32
      %slice3A_838 = vector.extract_strided_slice %get3A_805 {offsets = [2], sizes = [1], strides = [1]} : vector<16xi32> to vector<1xi32>
      %squeeze3A_839 = vector.extract %slice3A_838[0] : i32 from vector<1xi32>
      %dma_start3A_840 = arith.constant 0 : i32
      %dma_start3A_841 = tpu.memref_slice %arg6[%add3A_837, %dma_start3A_840] : memref<512x64xf32, #tpu.memory_space<vmem>> -> memref<1x64xf32, #tpu.memory_space<vmem>>
      %dma_start3A_842 = arith.constant 0 : i32
      %dma_start3A_843 = tpu.memref_slice %arg2[%squeeze3A_839, %dma_start3A_842] : memref<1000000x64xf32, #tpu.memory_space<hbm>> -> memref<1x64xf32, #tpu.memory_space<hbm>>
      %dma_start3A_844 = arith.constant 0 : i32
      %dma_start3A_845 = tpu.memref_slice %arg6[%add3A_837, %dma_start3A_844] : memref<512x64xf32, #tpu.memory_space<vmem>> -> memref<1x64xf32, #tpu.memory_space<vmem>>
      %dma_start3A_846 = arith.constant 0 : i32
      %dma_start3A_847 = tpu.memref_slice %arg2[%squeeze3A_839, %dma_start3A_846] : memref<1000000x64xf32, #tpu.memory_space<hbm>> -> memref<1x64xf32, #tpu.memory_space<hbm>>
      tpu.enqueue_dma source(%dma_start3A_847 : memref<1x64xf32, #tpu.memory_space<hbm>>) target(%dma_start3A_845 : memref<1x64xf32, #tpu.memory_space<vmem>>) target_semaphore(%arg7 : memref<!tpu.dma_semaphore, #tpu.memory_space<semaphore_mem>>)
      %mul3A_848 = arith.constant 16 : i32
      %mul3A_849 = arith.muli %scan3A_794, %mul3A_848 : i32
      %add3A_850 = arith.constant 3 : i32
      %add3A_851 = arith.addi %mul3A_849, %add3A_850 : i32
      %slice3A_852 = vector.extract_strided_slice %get3A_805 {offsets = [3], sizes = [1], strides = [1]} : vector<16xi32> to vector<1xi32>
      %squeeze3A_853 = vector.extract %slice3A_852[0] : i32 from vector<1xi32>
      %dma_start3A_854 = arith.constant 0 : i32
      %dma_start3A_855 = tpu.memref_slice %arg6[%add3A_851, %dma_start3A_854] : memref<512x64xf32, #tpu.memory_space<vmem>> -> memref<1x64xf32, #tpu.memory_space<vmem>>
      %dma_start3A_856 = arith.constant 0 : i32
      %dma_start3A_857 = tpu.memref_slice %arg2[%squeeze3A_853, %dma_start3A_856] : memref<1000000x64xf32, #tpu.memory_space<hbm>> -> memref<1x64xf32, #tpu.memory_space<hbm>>
      %dma_start3A_858 = arith.constant 0 : i32
      %dma_start3A_859 = tpu.memref_slice %arg6[%add3A_851, %dma_start3A_858] : memref<512x64xf32, #tpu.memory_space<vmem>> -> memref<1x64xf32, #tpu.memory_space<vmem>>
      %dma_start3A_860 = arith.constant 0 : i32
      %dma_start3A_861 = tpu.memref_slice %arg2[%squeeze3A_853, %dma_start3A_860] : memref<1000000x64xf32, #tpu.memory_space<hbm>> -> memref<1x64xf32, #tpu.memory_space<hbm>>
      tpu.enqueue_dma source(%dma_start3A_861 : memref<1x64xf32, #tpu.memory_space<hbm>>) target(%dma_start3A_859 : memref<1x64xf32, #tpu.memory_space<vmem>>) target_semaphore(%arg7 : memref<!tpu.dma_semaphore, #tpu.memory_space<semaphore_mem>>)
      %mul3A_862 = arith.constant 16 : i32
      %mul3A_863 = arith.muli %scan3A_794, %mul3A_862 : i32
      %add3A_864 = arith.constant 4 : i32
      %add3A_865 = arith.addi %mul3A_863, %add3A_864 : i32
      %slice3A_866 = vector.extract_strided_slice %get3A_805 {offsets = [4], sizes = [1], strides = [1]} : vector<16xi32> to vector<1xi32>
      %squeeze3A_867 = vector.extract %slice3A_866[0] : i32 from vector<1xi32>
      %dma_start3A_868 = arith.constant 0 : i32
      %dma_start3A_869 = tpu.memref_slice %arg6[%add3A_865, %dma_start3A_868] : memref<512x64xf32, #tpu.memory_space<vmem>> -> memref<1x64xf32, #tpu.memory_space<vmem>>
      %dma_start3A_870 = arith.constant 0 : i32
      %dma_start3A_871 = tpu.memref_slice %arg2[%squeeze3A_867, %dma_start3A_870] : memref<1000000x64xf32, #tpu.memory_space<hbm>> -> memref<1x64xf32, #tpu.memory_space<hbm>>
      %dma_start3A_872 = arith.constant 0 : i32
      %dma_start3A_873 = tpu.memref_slice %arg6[%add3A_865, %dma_start3A_872] : memref<512x64xf32, #tpu.memory_space<vmem>> -> memref<1x64xf32, #tpu.memory_space<vmem>>
      %dma_start3A_874 = arith.constant 0 : i32
      %dma_start3A_875 = tpu.memref_slice %arg2[%squeeze3A_867, %dma_start3A_874] : memref<1000000x64xf32, #tpu.memory_space<hbm>> -> memref<1x64xf32, #tpu.memory_space<hbm>>
      tpu.enqueue_dma source(%dma_start3A_875 : memref<1x64xf32, #tpu.memory_space<hbm>>) target(%dma_start3A_873 : memref<1x64xf32, #tpu.memory_space<vmem>>) target_semaphore(%arg7 : memref<!tpu.dma_semaphore, #tpu.memory_space<semaphore_mem>>)
      %mul3A_876 = arith.constant 16 : i32
      %mul3A_877 = arith.muli %scan3A_794, %mul3A_876 : i32
      %add3A_878 = arith.constant 5 : i32
      %add3A_879 = arith.addi %mul3A_877, %add3A_878 : i32
      %slice3A_880 = vector.extract_strided_slice %get3A_805 {offsets = [5], sizes = [1], strides = [1]} : vector<16xi32> to vector<1xi32>
      %squeeze3A_881 = vector.extract %slice3A_880[0] : i32 from vector<1xi32>
      %dma_start3A_882 = arith.constant 0 : i32
      %dma_start3A_883 = tpu.memref_slice %arg6[%add3A_879, %dma_start3A_882] : memref<512x64xf32, #tpu.memory_space<vmem>> -> memref<1x64xf32, #tpu.memory_space<vmem>>
      %dma_start3A_884 = arith.constant 0 : i32
      %dma_start3A_885 = tpu.memref_slice %arg2[%squeeze3A_881, %dma_start3A_884] : memref<1000000x64xf32, #tpu.memory_space<hbm>> -> memref<1x64xf32, #tpu.memory_space<hbm>>
      %dma_start3A_886 = arith.constant 0 : i32
      %dma_start3A_887 = tpu.memref_slice %arg6[%add3A_879, %dma_start3A_886] : memref<512x64xf32, #tpu.memory_space<vmem>> -> memref<1x64xf32, #tpu.memory_space<vmem>>
      %dma_start3A_888 = arith.constant 0 : i32
      %dma_start3A_889 = tpu.memref_slice %arg2[%squeeze3A_881, %dma_start3A_888] : memref<1000000x64xf32, #tpu.memory_space<hbm>> -> memref<1x64xf32, #tpu.memory_space<hbm>>
      tpu.enqueue_dma source(%dma_start3A_889 : memref<1x64xf32, #tpu.memory_space<hbm>>) target(%dma_start3A_887 : memref<1x64xf32, #tpu.memory_space<vmem>>) target_semaphore(%arg7 : memref<!tpu.dma_semaphore, #tpu.memory_space<semaphore_mem>>)
      %mul3A_890 = arith.constant 16 : i32
      %mul3A_891 = arith.muli %scan3A_794, %mul3A_890 : i32
      %add3A_892 = arith.constant 6 : i32
      %add3A_893 = arith.addi %mul3A_891, %add3A_892 : i32
      %slice3A_894 = vector.extract_strided_slice %get3A_805 {offsets = [6], sizes = [1], strides = [1]} : vector<16xi32> to vector<1xi32>
      %squeeze3A_895 = vector.extract %slice3A_894[0] : i32 from vector<1xi32>
      %dma_start3A_896 = arith.constant 0 : i32
      %dma_start3A_897 = tpu.memref_slice %arg6[%add3A_893, %dma_start3A_896] : memref<512x64xf32, #tpu.memory_space<vmem>> -> memref<1x64xf32, #tpu.memory_space<vmem>>
      %dma_start3A_898 = arith.constant 0 : i32
      %dma_start3A_899 = tpu.memref_slice %arg2[%squeeze3A_895, %dma_start3A_898] : memref<1000000x64xf32, #tpu.memory_space<hbm>> -> memref<1x64xf32, #tpu.memory_space<hbm>>
      %dma_start3A_900 = arith.constant 0 : i32
      %dma_start3A_901 = tpu.memref_slice %arg6[%add3A_893, %dma_start3A_900] : memref<512x64xf32, #tpu.memory_space<vmem>> -> memref<1x64xf32, #tpu.memory_space<vmem>>
      %dma_start3A_902 = arith.constant 0 : i32
      %dma_start3A_903 = tpu.memref_slice %arg2[%squeeze3A_895, %dma_start3A_902] : memref<1000000x64xf32, #tpu.memory_space<hbm>> -> memref<1x64xf32, #tpu.memory_space<hbm>>
      tpu.enqueue_dma source(%dma_start3A_903 : memref<1x64xf32, #tpu.memory_space<hbm>>) target(%dma_start3A_901 : memref<1x64xf32, #tpu.memory_space<vmem>>) target_semaphore(%arg7 : memref<!tpu.dma_semaphore, #tpu.memory_space<semaphore_mem>>)
      %mul3A_904 = arith.constant 16 : i32
      %mul3A_905 = arith.muli %scan3A_794, %mul3A_904 : i32
      %add3A_906 = arith.constant 7 : i32
      %add3A_907 = arith.addi %mul3A_905, %add3A_906 : i32
      %slice3A_908 = vector.extract_strided_slice %get3A_805 {offsets = [7], sizes = [1], strides = [1]} : vector<16xi32> to vector<1xi32>
      %squeeze3A_909 = vector.extract %slice3A_908[0] : i32 from vector<1xi32>
      %dma_start3A_910 = arith.constant 0 : i32
      %dma_start3A_911 = tpu.memref_slice %arg6[%add3A_907, %dma_start3A_910] : memref<512x64xf32, #tpu.memory_space<vmem>> -> memref<1x64xf32, #tpu.memory_space<vmem>>
      %dma_start3A_912 = arith.constant 0 : i32
      %dma_start3A_913 = tpu.memref_slice %arg2[%squeeze3A_909, %dma_start3A_912] : memref<1000000x64xf32, #tpu.memory_space<hbm>> -> memref<1x64xf32, #tpu.memory_space<hbm>>
      %dma_start3A_914 = arith.constant 0 : i32
      %dma_start3A_915 = tpu.memref_slice %arg6[%add3A_907, %dma_start3A_914] : memref<512x64xf32, #tpu.memory_space<vmem>> -> memref<1x64xf32, #tpu.memory_space<vmem>>
      %dma_start3A_916 = arith.constant 0 : i32
      %dma_start3A_917 = tpu.memref_slice %arg2[%squeeze3A_909, %dma_start3A_916] : memref<1000000x64xf32, #tpu.memory_space<hbm>> -> memref<1x64xf32, #tpu.memory_space<hbm>>
      tpu.enqueue_dma source(%dma_start3A_917 : memref<1x64xf32, #tpu.memory_space<hbm>>) target(%dma_start3A_915 : memref<1x64xf32, #tpu.memory_space<vmem>>) target_semaphore(%arg7 : memref<!tpu.dma_semaphore, #tpu.memory_space<semaphore_mem>>)
      %mul3A_918 = arith.constant 16 : i32
      %mul3A_919 = arith.muli %scan3A_794, %mul3A_918 : i32
      %add3A_920 = arith.constant 8 : i32
      %add3A_921 = arith.addi %mul3A_919, %add3A_920 : i32
      %slice3A_922 = vector.extract_strided_slice %get3A_805 {offsets = [8], sizes = [1], strides = [1]} : vector<16xi32> to vector<1xi32>
      %squeeze3A_923 = vector.extract %slice3A_922[0] : i32 from vector<1xi32>
      %dma_start3A_924 = arith.constant 0 : i32
      %dma_start3A_925 = tpu.memref_slice %arg6[%add3A_921, %dma_start3A_924] : memref<512x64xf32, #tpu.memory_space<vmem>> -> memref<1x64xf32, #tpu.memory_space<vmem>>
      %dma_start3A_926 = arith.constant 0 : i32
      %dma_start3A_927 = tpu.memref_slice %arg2[%squeeze3A_923, %dma_start3A_926] : memref<1000000x64xf32, #tpu.memory_space<hbm>> -> memref<1x64xf32, #tpu.memory_space<hbm>>
      %dma_start3A_928 = arith.constant 0 : i32
      %dma_start3A_929 = tpu.memref_slice %arg6[%add3A_921, %dma_start3A_928] : memref<512x64xf32, #tpu.memory_space<vmem>> -> memref<1x64xf32, #tpu.memory_space<vmem>>
      %dma_start3A_930 = arith.constant 0 : i32
      %dma_start3A_931 = tpu.memref_slice %arg2[%squeeze3A_923, %dma_start3A_930] : memref<1000000x64xf32, #tpu.memory_space<hbm>> -> memref<1x64xf32, #tpu.memory_space<hbm>>
      tpu.enqueue_dma source(%dma_start3A_931 : memref<1x64xf32, #tpu.memory_space<hbm>>) target(%dma_start3A_929 : memref<1x64xf32, #tpu.memory_space<vmem>>) target_semaphore(%arg7 : memref<!tpu.dma_semaphore, #tpu.memory_space<semaphore_mem>>)
      %mul3A_932 = arith.constant 16 : i32
      %mul3A_933 = arith.muli %scan3A_794, %mul3A_932 : i32
      %add3A_934 = arith.constant 9 : i32
      %add3A_935 = arith.addi %mul3A_933, %add3A_934 : i32
      %slice3A_936 = vector.extract_strided_slice %get3A_805 {offsets = [9], sizes = [1], strides = [1]} : vector<16xi32> to vector<1xi32>
      %squeeze3A_937 = vector.extract %slice3A_936[0] : i32 from vector<1xi32>
      %dma_start3A_938 = arith.constant 0 : i32
      %dma_start3A_939 = tpu.memref_slice %arg6[%add3A_935, %dma_start3A_938] : memref<512x64xf32, #tpu.memory_space<vmem>> -> memref<1x64xf32, #tpu.memory_space<vmem>>
      %dma_start3A_940 = arith.constant 0 : i32
      %dma_start3A_941 = tpu.memref_slice %arg2[%squeeze3A_937, %dma_start3A_940] : memref<1000000x64xf32, #tpu.memory_space<hbm>> -> memref<1x64xf32, #tpu.memory_space<hbm>>
      %dma_start3A_942 = arith.constant 0 : i32
      %dma_start3A_943 = tpu.memref_slice %arg6[%add3A_935, %dma_start3A_942] : memref<512x64xf32, #tpu.memory_space<vmem>> -> memref<1x64xf32, #tpu.memory_space<vmem>>
      %dma_start3A_944 = arith.constant 0 : i32
      %dma_start3A_945 = tpu.memref_slice %arg2[%squeeze3A_937, %dma_start3A_944] : memref<1000000x64xf32, #tpu.memory_space<hbm>> -> memref<1x64xf32, #tpu.memory_space<hbm>>
      tpu.enqueue_dma source(%dma_start3A_945 : memref<1x64xf32, #tpu.memory_space<hbm>>) target(%dma_start3A_943 : memref<1x64xf32, #tpu.memory_space<vmem>>) target_semaphore(%arg7 : memref<!tpu.dma_semaphore, #tpu.memory_space<semaphore_mem>>)
      %mul3A_946 = arith.constant 16 : i32
      %mul3A_947 = arith.muli %scan3A_794, %mul3A_946 : i32
      %add3A_948 = arith.constant 10 : i32
      %add3A_949 = arith.addi %mul3A_947, %add3A_948 : i32
      %slice3A_950 = vector.extract_strided_slice %get3A_805 {offsets = [10], sizes = [1], strides = [1]} : vector<16xi32> to vector<1xi32>
      %squeeze3A_951 = vector.extract %slice3A_950[0] : i32 from vector<1xi32>
      %dma_start3A_952 = arith.constant 0 : i32
      %dma_start3A_953 = tpu.memref_slice %arg6[%add3A_949, %dma_start3A_952] : memref<512x64xf32, #tpu.memory_space<vmem>> -> memref<1x64xf32, #tpu.memory_space<vmem>>
      %dma_start3A_954 = arith.constant 0 : i32
      %dma_start3A_955 = tpu.memref_slice %arg2[%squeeze3A_951, %dma_start3A_954] : memref<1000000x64xf32, #tpu.memory_space<hbm>> -> memref<1x64xf32, #tpu.memory_space<hbm>>
      %dma_start3A_956 = arith.constant 0 : i32
      %dma_start3A_957 = tpu.memref_slice %arg6[%add3A_949, %dma_start3A_956] : memref<512x64xf32, #tpu.memory_space<vmem>> -> memref<1x64xf32, #tpu.memory_space<vmem>>
      %dma_start3A_958 = arith.constant 0 : i32
      %dma_start3A_959 = tpu.memref_slice %arg2[%squeeze3A_951, %dma_start3A_958] : memref<1000000x64xf32, #tpu.memory_space<hbm>> -> memref<1x64xf32, #tpu.memory_space<hbm>>
      tpu.enqueue_dma source(%dma_start3A_959 : memref<1x64xf32, #tpu.memory_space<hbm>>) target(%dma_start3A_957 : memref<1x64xf32, #tpu.memory_space<vmem>>) target_semaphore(%arg7 : memref<!tpu.dma_semaphore, #tpu.memory_space<semaphore_mem>>)
      %mul3A_960 = arith.constant 16 : i32
      %mul3A_961 = arith.muli %scan3A_794, %mul3A_960 : i32
      %add3A_962 = arith.constant 11 : i32
      %add3A_963 = arith.addi %mul3A_961, %add3A_962 : i32
      %slice3A_964 = vector.extract_strided_slice %get3A_805 {offsets = [11], sizes = [1], strides = [1]} : vector<16xi32> to vector<1xi32>
      %squeeze3A_965 = vector.extract %slice3A_964[0] : i32 from vector<1xi32>
      %dma_start3A_966 = arith.constant 0 : i32
      %dma_start3A_967 = tpu.memref_slice %arg6[%add3A_963, %dma_start3A_966] : memref<512x64xf32, #tpu.memory_space<vmem>> -> memref<1x64xf32, #tpu.memory_space<vmem>>
      %dma_start3A_968 = arith.constant 0 : i32
      %dma_start3A_969 = tpu.memref_slice %arg2[%squeeze3A_965, %dma_start3A_968] : memref<1000000x64xf32, #tpu.memory_space<hbm>> -> memref<1x64xf32, #tpu.memory_space<hbm>>
      %dma_start3A_970 = arith.constant 0 : i32
      %dma_start3A_971 = tpu.memref_slice %arg6[%add3A_963, %dma_start3A_970] : memref<512x64xf32, #tpu.memory_space<vmem>> -> memref<1x64xf32, #tpu.memory_space<vmem>>
      %dma_start3A_972 = arith.constant 0 : i32
      %dma_start3A_973 = tpu.memref_slice %arg2[%squeeze3A_965, %dma_start3A_972] : memref<1000000x64xf32, #tpu.memory_space<hbm>> -> memref<1x64xf32, #tpu.memory_space<hbm>>
      tpu.enqueue_dma source(%dma_start3A_973 : memref<1x64xf32, #tpu.memory_space<hbm>>) target(%dma_start3A_971 : memref<1x64xf32, #tpu.memory_space<vmem>>) target_semaphore(%arg7 : memref<!tpu.dma_semaphore, #tpu.memory_space<semaphore_mem>>)
      %mul3A_974 = arith.constant 16 : i32
      %mul3A_975 = arith.muli %scan3A_794, %mul3A_974 : i32
      %add3A_976 = arith.constant 12 : i32
      %add3A_977 = arith.addi %mul3A_975, %add3A_976 : i32
      %slice3A_978 = vector.extract_strided_slice %get3A_805 {offsets = [12], sizes = [1], strides = [1]} : vector<16xi32> to vector<1xi32>
      %squeeze3A_979 = vector.extract %slice3A_978[0] : i32 from vector<1xi32>
      %dma_start3A_980 = arith.constant 0 : i32
      %dma_start3A_981 = tpu.memref_slice %arg6[%add3A_977, %dma_start3A_980] : memref<512x64xf32, #tpu.memory_space<vmem>> -> memref<1x64xf32, #tpu.memory_space<vmem>>
      %dma_start3A_982 = arith.constant 0 : i32
      %dma_start3A_983 = tpu.memref_slice %arg2[%squeeze3A_979, %dma_start3A_982] : memref<1000000x64xf32, #tpu.memory_space<hbm>> -> memref<1x64xf32, #tpu.memory_space<hbm>>
      %dma_start3A_984 = arith.constant 0 : i32
      %dma_start3A_985 = tpu.memref_slice %arg6[%add3A_977, %dma_start3A_984] : memref<512x64xf32, #tpu.memory_space<vmem>> -> memref<1x64xf32, #tpu.memory_space<vmem>>
      %dma_start3A_986 = arith.constant 0 : i32
      %dma_start3A_987 = tpu.memref_slice %arg2[%squeeze3A_979, %dma_start3A_986] : memref<1000000x64xf32, #tpu.memory_space<hbm>> -> memref<1x64xf32, #tpu.memory_space<hbm>>
      tpu.enqueue_dma source(%dma_start3A_987 : memref<1x64xf32, #tpu.memory_space<hbm>>) target(%dma_start3A_985 : memref<1x64xf32, #tpu.memory_space<vmem>>) target_semaphore(%arg7 : memref<!tpu.dma_semaphore, #tpu.memory_space<semaphore_mem>>)
      %mul3A_988 = arith.constant 16 : i32
      %mul3A_989 = arith.muli %scan3A_794, %mul3A_988 : i32
      %add3A_990 = arith.constant 13 : i32
      %add3A_991 = arith.addi %mul3A_989, %add3A_990 : i32
      %slice3A_992 = vector.extract_strided_slice %get3A_805 {offsets = [13], sizes = [1], strides = [1]} : vector<16xi32> to vector<1xi32>
      %squeeze3A_993 = vector.extract %slice3A_992[0] : i32 from vector<1xi32>
      %dma_start3A_994 = arith.constant 0 : i32
      %dma_start3A_995 = tpu.memref_slice %arg6[%add3A_991, %dma_start3A_994] : memref<512x64xf32, #tpu.memory_space<vmem>> -> memref<1x64xf32, #tpu.memory_space<vmem>>
      %dma_start3A_996 = arith.constant 0 : i32
      %dma_start3A_997 = tpu.memref_slice %arg2[%squeeze3A_993, %dma_start3A_996] : memref<1000000x64xf32, #tpu.memory_space<hbm>> -> memref<1x64xf32, #tpu.memory_space<hbm>>
      %dma_start3A_998 = arith.constant 0 : i32
      %dma_start3A_999 = tpu.memref_slice %arg6[%add3A_991, %dma_start3A_998] : memref<512x64xf32, #tpu.memory_space<vmem>> -> memref<1x64xf32, #tpu.memory_space<vmem>>
      %dma_start3A_1000 = arith.constant 0 : i32
      %dma_start3A_1001 = tpu.memref_slice %arg2[%squeeze3A_993, %dma_start3A_1000] : memref<1000000x64xf32, #tpu.memory_space<hbm>> -> memref<1x64xf32, #tpu.memory_space<hbm>>
      tpu.enqueue_dma source(%dma_start3A_1001 : memref<1x64xf32, #tpu.memory_space<hbm>>) target(%dma_start3A_999 : memref<1x64xf32, #tpu.memory_space<vmem>>) target_semaphore(%arg7 : memref<!tpu.dma_semaphore, #tpu.memory_space<semaphore_mem>>)
      %mul3A_1002 = arith.constant 16 : i32
      %mul3A_1003 = arith.muli %scan3A_794, %mul3A_1002 : i32
      %add3A_1004 = arith.constant 14 : i32
      %add3A_1005 = arith.addi %mul3A_1003, %add3A_1004 : i32
      %slice3A_1006 = vector.extract_strided_slice %get3A_805 {offsets = [14], sizes = [1], strides = [1]} : vector<16xi32> to vector<1xi32>
      %squeeze3A_1007 = vector.extract %slice3A_1006[0] : i32 from vector<1xi32>
      %dma_start3A_1008 = arith.constant 0 : i32
      %dma_start3A_1009 = tpu.memref_slice %arg6[%add3A_1005, %dma_start3A_1008] : memref<512x64xf32, #tpu.memory_space<vmem>> -> memref<1x64xf32, #tpu.memory_space<vmem>>
      %dma_start3A_1010 = arith.constant 0 : i32
      %dma_start3A_1011 = tpu.memref_slice %arg2[%squeeze3A_1007, %dma_start3A_1010] : memref<1000000x64xf32, #tpu.memory_space<hbm>> -> memref<1x64xf32, #tpu.memory_space<hbm>>
      %dma_start3A_1012 = arith.constant 0 : i32
      %dma_start3A_1013 = tpu.memref_slice %arg6[%add3A_1005, %dma_start3A_1012] : memref<512x64xf32, #tpu.memory_space<vmem>> -> memref<1x64xf32, #tpu.memory_space<vmem>>
      %dma_start3A_1014 = arith.constant 0 : i32
      %dma_start3A_1015 = tpu.memref_slice %arg2[%squeeze3A_1007, %dma_start3A_1014] : memref<1000000x64xf32, #tpu.memory_space<hbm>> -> memref<1x64xf32, #tpu.memory_space<hbm>>
      tpu.enqueue_dma source(%dma_start3A_1015 : memref<1x64xf32, #tpu.memory_space<hbm>>) target(%dma_start3A_1013 : memref<1x64xf32, #tpu.memory_space<vmem>>) target_semaphore(%arg7 : memref<!tpu.dma_semaphore, #tpu.memory_space<semaphore_mem>>)
      %mul3A_1016 = arith.constant 16 : i32
      %mul3A_1017 = arith.muli %scan3A_794, %mul3A_1016 : i32
      %add3A_1018 = arith.constant 15 : i32
      %add3A_1019 = arith.addi %mul3A_1017, %add3A_1018 : i32
      %slice3A_1020 = vector.extract_strided_slice %get3A_805 {offsets = [15], sizes = [1], strides = [1]} : vector<16xi32> to vector<1xi32>
      %squeeze3A_1021 = vector.extract %slice3A_1020[0] : i32 from vector<1xi32>
      %dma_start3A_1022 = arith.constant 0 : i32
      %dma_start3A_1023 = tpu.memref_slice %arg6[%add3A_1019, %dma_start3A_1022] : memref<512x64xf32, #tpu.memory_space<vmem>> -> memref<1x64xf32, #tpu.memory_space<vmem>>
      %dma_start3A_1024 = arith.constant 0 : i32
      %dma_start3A_1025 = tpu.memref_slice %arg2[%squeeze3A_1021, %dma_start3A_1024] : memref<1000000x64xf32, #tpu.memory_space<hbm>> -> memref<1x64xf32, #tpu.memory_space<hbm>>
      %dma_start3A_1026 = arith.constant 0 : i32
      %dma_start3A_1027 = tpu.memref_slice %arg6[%add3A_1019, %dma_start3A_1026] : memref<512x64xf32, #tpu.memory_space<vmem>> -> memref<1x64xf32, #tpu.memory_space<vmem>>
      %dma_start3A_1028 = arith.constant 0 : i32
      %dma_start3A_1029 = tpu.memref_slice %arg2[%squeeze3A_1021, %dma_start3A_1028] : memref<1000000x64xf32, #tpu.memory_space<hbm>> -> memref<1x64xf32, #tpu.memory_space<hbm>>
      tpu.enqueue_dma source(%dma_start3A_1029 : memref<1x64xf32, #tpu.memory_space<hbm>>) target(%dma_start3A_1027 : memref<1x64xf32, #tpu.memory_space<vmem>>) target_semaphore(%arg7 : memref<!tpu.dma_semaphore, #tpu.memory_space<semaphore_mem>>)
      %dma_wait3A_1030 = arith.constant 0 : i32
      %dma_wait3A_1031 = arith.constant 0 : i32
      %dma_wait3A_1032 = tpu.memref_slice %arg6[%dma_wait3A_1030, %dma_wait3A_1031] : memref<512x64xf32, #tpu.memory_space<vmem>> -> memref<1x64xf32, #tpu.memory_space<vmem>>
      %dma_wait3A_1033 = arith.constant 0 : i32
      %dma_wait3A_1034 = arith.constant 0 : i32
      %dma_wait3A_1035 = tpu.memref_slice %arg2[%dma_wait3A_1033, %dma_wait3A_1034] : memref<1000000x64xf32, #tpu.memory_space<hbm>> -> memref<1x64xf32, #tpu.memory_space<hbm>>
      %dma_wait3A_1036 = arith.constant 0 : i32
      %dma_wait3A_1037 = arith.constant 0 : i32
      %dma_wait3A_1038 = tpu.memref_slice %arg6[%dma_wait3A_1036, %dma_wait3A_1037] : memref<512x64xf32, #tpu.memory_space<vmem>> -> memref<1x64xf32, #tpu.memory_space<vmem>>
      %dma_wait3A_1039 = arith.constant 0 : i32
      %dma_wait3A_1040 = arith.constant 0 : i32
      %dma_wait3A_1041 = tpu.memref_slice %arg2[%dma_wait3A_1039, %dma_wait3A_1040] : memref<1000000x64xf32, #tpu.memory_space<hbm>> -> memref<1x64xf32, #tpu.memory_space<hbm>>
      tpu.wait_dma2 semaphore(%arg7 : memref<!tpu.dma_semaphore, #tpu.memory_space<semaphore_mem>>) src(%dma_wait3A_1041 : memref<1x64xf32, #tpu.memory_space<hbm>>) dst(%dma_wait3A_1038 : memref<1x64xf32, #tpu.memory_space<vmem>>)
      %dma_wait3A_1042 = arith.constant 0 : i32
      %dma_wait3A_1043 = arith.constant 0 : i32
      %dma_wait3A_1044 = tpu.memref_slice %arg6[%dma_wait3A_1042, %dma_wait3A_1043] : memref<512x64xf32, #tpu.memory_space<vmem>> -> memref<1x64xf32, #tpu.memory_space<vmem>>
      %dma_wait3A_1045 = arith.constant 0 : i32
      %dma_wait3A_1046 = arith.constant 0 : i32
      %dma_wait3A_1047 = tpu.memref_slice %arg2[%dma_wait3A_1045, %dma_wait3A_1046] : memref<1000000x64xf32, #tpu.memory_space<hbm>> -> memref<1x64xf32, #tpu.memory_space<hbm>>
      %dma_wait3A_1048 = arith.constant 0 : i32
      %dma_wait3A_1049 = arith.constant 0 : i32
      %dma_wait3A_1050 = tpu.memref_slice %arg6[%dma_wait3A_1048, %dma_wait3A_1049] : memref<512x64xf32, #tpu.memory_space<vmem>> -> memref<1x64xf32, #tpu.memory_space<vmem>>
      %dma_wait3A_1051 = arith.constant 0 : i32
      %dma_wait3A_1052 = arith.constant 0 : i32
      %dma_wait3A_1053 = tpu.memref_slice %arg2[%dma_wait3A_1051, %dma_wait3A_1052] : memref<1000000x64xf32, #tpu.memory_space<hbm>> -> memref<1x64xf32, #tpu.memory_space<hbm>>
      tpu.wait_dma2 semaphore(%arg7 : memref<!tpu.dma_semaphore, #tpu.memory_space<semaphore_mem>>) src(%dma_wait3A_1053 : memref<1x64xf32, #tpu.memory_space<hbm>>) dst(%dma_wait3A_1050 : memref<1x64xf32, #tpu.memory_space<vmem>>)
      %dma_wait3A_1054 = arith.constant 0 : i32
      %dma_wait3A_1055 = arith.constant 0 : i32
      %dma_wait3A_1056 = tpu.memref_slice %arg6[%dma_wait3A_1054, %dma_wait3A_1055] : memref<512x64xf32, #tpu.memory_space<vmem>> -> memref<1x64xf32, #tpu.memory_space<vmem>>
      %dma_wait3A_1057 = arith.constant 0 : i32
      %dma_wait3A_1058 = arith.constant 0 : i32
      %dma_wait3A_1059 = tpu.memref_slice %arg2[%dma_wait3A_1057, %dma_wait3A_1058] : memref<1000000x64xf32, #tpu.memory_space<hbm>> -> memref<1x64xf32, #tpu.memory_space<hbm>>
      %dma_wait3A_1060 = arith.constant 0 : i32
      %dma_wait3A_1061 = arith.constant 0 : i32
      %dma_wait3A_1062 = tpu.memref_slice %arg6[%dma_wait3A_1060, %dma_wait3A_1061] : memref<512x64xf32, #tpu.memory_space<vmem>> -> memref<1x64xf32, #tpu.memory_space<vmem>>
      %dma_wait3A_1063 = arith.constant 0 : i32
      %dma_wait3A_1064 = arith.constant 0 : i32
      %dma_wait3A_1065 = tpu.memref_slice %arg2[%dma_wait3A_1063, %dma_wait3A_1064] : memref<1000000x64xf32, #tpu.memory_space<hbm>> -> memref<1x64xf32, #tpu.memory_space<hbm>>
      tpu.wait_dma2 semaphore(%arg7 : memref<!tpu.dma_semaphore, #tpu.memory_space<semaphore_mem>>) src(%dma_wait3A_1065 : memref<1x64xf32, #tpu.memory_space<hbm>>) dst(%dma_wait3A_1062 : memref<1x64xf32, #tpu.memory_space<vmem>>)
      %dma_wait3A_1066 = arith.constant 0 : i32
      %dma_wait3A_1067 = arith.constant 0 : i32
      %dma_wait3A_1068 = tpu.memref_slice %arg6[%dma_wait3A_1066, %dma_wait3A_1067] : memref<512x64xf32, #tpu.memory_space<vmem>> -> memref<1x64xf32, #tpu.memory_space<vmem>>
      %dma_wait3A_1069 = arith.constant 0 : i32
      %dma_wait3A_1070 = arith.constant 0 : i32
      %dma_wait3A_1071 = tpu.memref_slice %arg2[%dma_wait3A_1069, %dma_wait3A_1070] : memref<1000000x64xf32, #tpu.memory_space<hbm>> -> memref<1x64xf32, #tpu.memory_space<hbm>>
      %dma_wait3A_1072 = arith.constant 0 : i32
      %dma_wait3A_1073 = arith.constant 0 : i32
      %dma_wait3A_1074 = tpu.memref_slice %arg6[%dma_wait3A_1072, %dma_wait3A_1073] : memref<512x64xf32, #tpu.memory_space<vmem>> -> memref<1x64xf32, #tpu.memory_space<vmem>>
      %dma_wait3A_1075 = arith.constant 0 : i32
      %dma_wait3A_1076 = arith.constant 0 : i32
      %dma_wait3A_1077 = tpu.memref_slice %arg2[%dma_wait3A_1075, %dma_wait3A_1076] : memref<1000000x64xf32, #tpu.memory_space<hbm>> -> memref<1x64xf32, #tpu.memory_space<hbm>>
      tpu.wait_dma2 semaphore(%arg7 : memref<!tpu.dma_semaphore, #tpu.memory_space<semaphore_mem>>) src(%dma_wait3A_1077 : memref<1x64xf32, #tpu.memory_space<hbm>>) dst(%dma_wait3A_1074 : memref<1x64xf32, #tpu.memory_space<vmem>>)
      %dma_wait3A_1078 = arith.constant 0 : i32
      %dma_wait3A_1079 = arith.constant 0 : i32
      %dma_wait3A_1080 = tpu.memref_slice %arg6[%dma_wait3A_1078, %dma_wait3A_1079] : memref<512x64xf32, #tpu.memory_space<vmem>> -> memref<1x64xf32, #tpu.memory_space<vmem>>
      %dma_wait3A_1081 = arith.constant 0 : i32
      %dma_wait3A_1082 = arith.constant 0 : i32
      %dma_wait3A_1083 = tpu.memref_slice %arg2[%dma_wait3A_1081, %dma_wait3A_1082] : memref<1000000x64xf32, #tpu.memory_space<hbm>> -> memref<1x64xf32, #tpu.memory_space<hbm>>
      %dma_wait3A_1084 = arith.constant 0 : i32
      %dma_wait3A_1085 = arith.constant 0 : i32
      %dma_wait3A_1086 = tpu.memref_slice %arg6[%dma_wait3A_1084, %dma_wait3A_1085] : memref<512x64xf32, #tpu.memory_space<vmem>> -> memref<1x64xf32, #tpu.memory_space<vmem>>
      %dma_wait3A_1087 = arith.constant 0 : i32
      %dma_wait3A_1088 = arith.constant 0 : i32
      %dma_wait3A_1089 = tpu.memref_slice %arg2[%dma_wait3A_1087, %dma_wait3A_1088] : memref<1000000x64xf32, #tpu.memory_space<hbm>> -> memref<1x64xf32, #tpu.memory_space<hbm>>
      tpu.wait_dma2 semaphore(%arg7 : memref<!tpu.dma_semaphore, #tpu.memory_space<semaphore_mem>>) src(%dma_wait3A_1089 : memref<1x64xf32, #tpu.memory_space<hbm>>) dst(%dma_wait3A_1086 : memref<1x64xf32, #tpu.memory_space<vmem>>)
      %dma_wait3A_1090 = arith.constant 0 : i32
      %dma_wait3A_1091 = arith.constant 0 : i32
      %dma_wait3A_1092 = tpu.memref_slice %arg6[%dma_wait3A_1090, %dma_wait3A_1091] : memref<512x64xf32, #tpu.memory_space<vmem>> -> memref<1x64xf32, #tpu.memory_space<vmem>>
      %dma_wait3A_1093 = arith.constant 0 : i32
      %dma_wait3A_1094 = arith.constant 0 : i32
      %dma_wait3A_1095 = tpu.memref_slice %arg2[%dma_wait3A_1093, %dma_wait3A_1094] : memref<1000000x64xf32, #tpu.memory_space<hbm>> -> memref<1x64xf32, #tpu.memory_space<hbm>>
      %dma_wait3A_1096 = arith.constant 0 : i32
      %dma_wait3A_1097 = arith.constant 0 : i32
      %dma_wait3A_1098 = tpu.memref_slice %arg6[%dma_wait3A_1096, %dma_wait3A_1097] : memref<512x64xf32, #tpu.memory_space<vmem>> -> memref<1x64xf32, #tpu.memory_space<vmem>>
      %dma_wait3A_1099 = arith.constant 0 : i32
      %dma_wait3A_1100 = arith.constant 0 : i32
      %dma_wait3A_1101 = tpu.memref_slice %arg2[%dma_wait3A_1099, %dma_wait3A_1100] : memref<1000000x64xf32, #tpu.memory_space<hbm>> -> memref<1x64xf32, #tpu.memory_space<hbm>>
      tpu.wait_dma2 semaphore(%arg7 : memref<!tpu.dma_semaphore, #tpu.memory_space<semaphore_mem>>) src(%dma_wait3A_1101 : memref<1x64xf32, #tpu.memory_space<hbm>>) dst(%dma_wait3A_1098 : memref<1x64xf32, #tpu.memory_space<vmem>>)
      %dma_wait3A_1102 = arith.constant 0 : i32
      %dma_wait3A_1103 = arith.constant 0 : i32
      %dma_wait3A_1104 = tpu.memref_slice %arg6[%dma_wait3A_1102, %dma_wait3A_1103] : memref<512x64xf32, #tpu.memory_space<vmem>> -> memref<1x64xf32, #tpu.memory_space<vmem>>
      %dma_wait3A_1105 = arith.constant 0 : i32
      %dma_wait3A_1106 = arith.constant 0 : i32
      %dma_wait3A_1107 = tpu.memref_slice %arg2[%dma_wait3A_1105, %dma_wait3A_1106] : memref<1000000x64xf32, #tpu.memory_space<hbm>> -> memref<1x64xf32, #tpu.memory_space<hbm>>
      %dma_wait3A_1108 = arith.constant 0 : i32
      %dma_wait3A_1109 = arith.constant 0 : i32
      %dma_wait3A_1110 = tpu.memref_slice %arg6[%dma_wait3A_1108, %dma_wait3A_1109] : memref<512x64xf32, #tpu.memory_space<vmem>> -> memref<1x64xf32, #tpu.memory_space<vmem>>
      %dma_wait3A_1111 = arith.constant 0 : i32
      %dma_wait3A_1112 = arith.constant 0 : i32
      %dma_wait3A_1113 = tpu.memref_slice %arg2[%dma_wait3A_1111, %dma_wait3A_1112] : memref<1000000x64xf32, #tpu.memory_space<hbm>> -> memref<1x64xf32, #tpu.memory_space<hbm>>
      tpu.wait_dma2 semaphore(%arg7 : memref<!tpu.dma_semaphore, #tpu.memory_space<semaphore_mem>>) src(%dma_wait3A_1113 : memref<1x64xf32, #tpu.memory_space<hbm>>) dst(%dma_wait3A_1110 : memref<1x64xf32, #tpu.memory_space<vmem>>)
      %dma_wait3A_1114 = arith.constant 0 : i32
      %dma_wait3A_1115 = arith.constant 0 : i32
      %dma_wait3A_1116 = tpu.memref_slice %arg6[%dma_wait3A_1114, %dma_wait3A_1115] : memref<512x64xf32, #tpu.memory_space<vmem>> -> memref<1x64xf32, #tpu.memory_space<vmem>>
      %dma_wait3A_1117 = arith.constant 0 : i32
      %dma_wait3A_1118 = arith.constant 0 : i32
      %dma_wait3A_1119 = tpu.memref_slice %arg2[%dma_wait3A_1117, %dma_wait3A_1118] : memref<1000000x64xf32, #tpu.memory_space<hbm>> -> memref<1x64xf32, #tpu.memory_space<hbm>>
      %dma_wait3A_1120 = arith.constant 0 : i32
      %dma_wait3A_1121 = arith.constant 0 : i32
      %dma_wait3A_1122 = tpu.memref_slice %arg6[%dma_wait3A_1120, %dma_wait3A_1121] : memref<512x64xf32, #tpu.memory_space<vmem>> -> memref<1x64xf32, #tpu.memory_space<vmem>>
      %dma_wait3A_1123 = arith.constant 0 : i32
      %dma_wait3A_1124 = arith.constant 0 : i32
      %dma_wait3A_1125 = tpu.memref_slice %arg2[%dma_wait3A_1123, %dma_wait3A_1124] : memref<1000000x64xf32, #tpu.memory_space<hbm>> -> memref<1x64xf32, #tpu.memory_space<hbm>>
      tpu.wait_dma2 semaphore(%arg7 : memref<!tpu.dma_semaphore, #tpu.memory_space<semaphore_mem>>) src(%dma_wait3A_1125 : memref<1x64xf32, #tpu.memory_space<hbm>>) dst(%dma_wait3A_1122 : memref<1x64xf32, #tpu.memory_space<vmem>>)
      %dma_wait3A_1126 = arith.constant 0 : i32
      %dma_wait3A_1127 = arith.constant 0 : i32
      %dma_wait3A_1128 = tpu.memref_slice %arg6[%dma_wait3A_1126, %dma_wait3A_1127] : memref<512x64xf32, #tpu.memory_space<vmem>> -> memref<1x64xf32, #tpu.memory_space<vmem>>
      %dma_wait3A_1129 = arith.constant 0 : i32
      %dma_wait3A_1130 = arith.constant 0 : i32
      %dma_wait3A_1131 = tpu.memref_slice %arg2[%dma_wait3A_1129, %dma_wait3A_1130] : memref<1000000x64xf32, #tpu.memory_space<hbm>> -> memref<1x64xf32, #tpu.memory_space<hbm>>
      %dma_wait3A_1132 = arith.constant 0 : i32
      %dma_wait3A_1133 = arith.constant 0 : i32
      %dma_wait3A_1134 = tpu.memref_slice %arg6[%dma_wait3A_1132, %dma_wait3A_1133] : memref<512x64xf32, #tpu.memory_space<vmem>> -> memref<1x64xf32, #tpu.memory_space<vmem>>
      %dma_wait3A_1135 = arith.constant 0 : i32
      %dma_wait3A_1136 = arith.constant 0 : i32
      %dma_wait3A_1137 = tpu.memref_slice %arg2[%dma_wait3A_1135, %dma_wait3A_1136] : memref<1000000x64xf32, #tpu.memory_space<hbm>> -> memref<1x64xf32, #tpu.memory_space<hbm>>
      tpu.wait_dma2 semaphore(%arg7 : memref<!tpu.dma_semaphore, #tpu.memory_space<semaphore_mem>>) src(%dma_wait3A_1137 : memref<1x64xf32, #tpu.memory_space<hbm>>) dst(%dma_wait3A_1134 : memref<1x64xf32, #tpu.memory_space<vmem>>)
      %dma_wait3A_1138 = arith.constant 0 : i32
      %dma_wait3A_1139 = arith.constant 0 : i32
      %dma_wait3A_1140 = tpu.memref_slice %arg6[%dma_wait3A_1138, %dma_wait3A_1139] : memref<512x64xf32, #tpu.memory_space<vmem>> -> memref<1x64xf32, #tpu.memory_space<vmem>>
      %dma_wait3A_1141 = arith.constant 0 : i32
      %dma_wait3A_1142 = arith.constant 0 : i32
      %dma_wait3A_1143 = tpu.memref_slice %arg2[%dma_wait3A_1141, %dma_wait3A_1142] : memref<1000000x64xf32, #tpu.memory_space<hbm>> -> memref<1x64xf32, #tpu.memory_space<hbm>>
      %dma_wait3A_1144 = arith.constant 0 : i32
      %dma_wait3A_1145 = arith.constant 0 : i32
      %dma_wait3A_1146 = tpu.memref_slice %arg6[%dma_wait3A_1144, %dma_wait3A_1145] : memref<512x64xf32, #tpu.memory_space<vmem>> -> memref<1x64xf32, #tpu.memory_space<vmem>>
      %dma_wait3A_1147 = arith.constant 0 : i32
      %dma_wait3A_1148 = arith.constant 0 : i32
      %dma_wait3A_1149 = tpu.memref_slice %arg2[%dma_wait3A_1147, %dma_wait3A_1148] : memref<1000000x64xf32, #tpu.memory_space<hbm>> -> memref<1x64xf32, #tpu.memory_space<hbm>>
      tpu.wait_dma2 semaphore(%arg7 : memref<!tpu.dma_semaphore, #tpu.memory_space<semaphore_mem>>) src(%dma_wait3A_1149 : memref<1x64xf32, #tpu.memory_space<hbm>>) dst(%dma_wait3A_1146 : memref<1x64xf32, #tpu.memory_space<vmem>>)
      %dma_wait3A_1150 = arith.constant 0 : i32
      %dma_wait3A_1151 = arith.constant 0 : i32
      %dma_wait3A_1152 = tpu.memref_slice %arg6[%dma_wait3A_1150, %dma_wait3A_1151] : memref<512x64xf32, #tpu.memory_space<vmem>> -> memref<1x64xf32, #tpu.memory_space<vmem>>
      %dma_wait3A_1153 = arith.constant 0 : i32
      %dma_wait3A_1154 = arith.constant 0 : i32
      %dma_wait3A_1155 = tpu.memref_slice %arg2[%dma_wait3A_1153, %dma_wait3A_1154] : memref<1000000x64xf32, #tpu.memory_space<hbm>> -> memref<1x64xf32, #tpu.memory_space<hbm>>
      %dma_wait3A_1156 = arith.constant 0 : i32
      %dma_wait3A_1157 = arith.constant 0 : i32
      %dma_wait3A_1158 = tpu.memref_slice %arg6[%dma_wait3A_1156, %dma_wait3A_1157] : memref<512x64xf32, #tpu.memory_space<vmem>> -> memref<1x64xf32, #tpu.memory_space<vmem>>
      %dma_wait3A_1159 = arith.constant 0 : i32
      %dma_wait3A_1160 = arith.constant 0 : i32
      %dma_wait3A_1161 = tpu.memref_slice %arg2[%dma_wait3A_1159, %dma_wait3A_1160] : memref<1000000x64xf32, #tpu.memory_space<hbm>> -> memref<1x64xf32, #tpu.memory_space<hbm>>
      tpu.wait_dma2 semaphore(%arg7 : memref<!tpu.dma_semaphore, #tpu.memory_space<semaphore_mem>>) src(%dma_wait3A_1161 : memref<1x64xf32, #tpu.memory_space<hbm>>) dst(%dma_wait3A_1158 : memref<1x64xf32, #tpu.memory_space<vmem>>)
      %dma_wait3A_1162 = arith.constant 0 : i32
      %dma_wait3A_1163 = arith.constant 0 : i32
      %dma_wait3A_1164 = tpu.memref_slice %arg6[%dma_wait3A_1162, %dma_wait3A_1163] : memref<512x64xf32, #tpu.memory_space<vmem>> -> memref<1x64xf32, #tpu.memory_space<vmem>>
      %dma_wait3A_1165 = arith.constant 0 : i32
      %dma_wait3A_1166 = arith.constant 0 : i32
      %dma_wait3A_1167 = tpu.memref_slice %arg2[%dma_wait3A_1165, %dma_wait3A_1166] : memref<1000000x64xf32, #tpu.memory_space<hbm>> -> memref<1x64xf32, #tpu.memory_space<hbm>>
      %dma_wait3A_1168 = arith.constant 0 : i32
      %dma_wait3A_1169 = arith.constant 0 : i32
      %dma_wait3A_1170 = tpu.memref_slice %arg6[%dma_wait3A_1168, %dma_wait3A_1169] : memref<512x64xf32, #tpu.memory_space<vmem>> -> memref<1x64xf32, #tpu.memory_space<vmem>>
      %dma_wait3A_1171 = arith.constant 0 : i32
      %dma_wait3A_1172 = arith.constant 0 : i32
      %dma_wait3A_1173 = tpu.memref_slice %arg2[%dma_wait3A_1171, %dma_wait3A_1172] : memref<1000000x64xf32, #tpu.memory_space<hbm>> -> memref<1x64xf32, #tpu.memory_space<hbm>>
      tpu.wait_dma2 semaphore(%arg7 : memref<!tpu.dma_semaphore, #tpu.memory_space<semaphore_mem>>) src(%dma_wait3A_1173 : memref<1x64xf32, #tpu.memory_space<hbm>>) dst(%dma_wait3A_1170 : memref<1x64xf32, #tpu.memory_space<vmem>>)
      %dma_wait3A_1174 = arith.constant 0 : i32
      %dma_wait3A_1175 = arith.constant 0 : i32
      %dma_wait3A_1176 = tpu.memref_slice %arg6[%dma_wait3A_1174, %dma_wait3A_1175] : memref<512x64xf32, #tpu.memory_space<vmem>> -> memref<1x64xf32, #tpu.memory_space<vmem>>
      %dma_wait3A_1177 = arith.constant 0 : i32
      %dma_wait3A_1178 = arith.constant 0 : i32
      %dma_wait3A_1179 = tpu.memref_slice %arg2[%dma_wait3A_1177, %dma_wait3A_1178] : memref<1000000x64xf32, #tpu.memory_space<hbm>> -> memref<1x64xf32, #tpu.memory_space<hbm>>
      %dma_wait3A_1180 = arith.constant 0 : i32
      %dma_wait3A_1181 = arith.constant 0 : i32
      %dma_wait3A_1182 = tpu.memref_slice %arg6[%dma_wait3A_1180, %dma_wait3A_1181] : memref<512x64xf32, #tpu.memory_space<vmem>> -> memref<1x64xf32, #tpu.memory_space<vmem>>
      %dma_wait3A_1183 = arith.constant 0 : i32
      %dma_wait3A_1184 = arith.constant 0 : i32
      %dma_wait3A_1185 = tpu.memref_slice %arg2[%dma_wait3A_1183, %dma_wait3A_1184] : memref<1000000x64xf32, #tpu.memory_space<hbm>> -> memref<1x64xf32, #tpu.memory_space<hbm>>
      tpu.wait_dma2 semaphore(%arg7 : memref<!tpu.dma_semaphore, #tpu.memory_space<semaphore_mem>>) src(%dma_wait3A_1185 : memref<1x64xf32, #tpu.memory_space<hbm>>) dst(%dma_wait3A_1182 : memref<1x64xf32, #tpu.memory_space<vmem>>)
      %dma_wait3A_1186 = arith.constant 0 : i32
      %dma_wait3A_1187 = arith.constant 0 : i32
      %dma_wait3A_1188 = tpu.memref_slice %arg6[%dma_wait3A_1186, %dma_wait3A_1187] : memref<512x64xf32, #tpu.memory_space<vmem>> -> memref<1x64xf32, #tpu.memory_space<vmem>>
      %dma_wait3A_1189 = arith.constant 0 : i32
      %dma_wait3A_1190 = arith.constant 0 : i32
      %dma_wait3A_1191 = tpu.memref_slice %arg2[%dma_wait3A_1189, %dma_wait3A_1190] : memref<1000000x64xf32, #tpu.memory_space<hbm>> -> memref<1x64xf32, #tpu.memory_space<hbm>>
      %dma_wait3A_1192 = arith.constant 0 : i32
      %dma_wait3A_1193 = arith.constant 0 : i32
      %dma_wait3A_1194 = tpu.memref_slice %arg6[%dma_wait3A_1192, %dma_wait3A_1193] : memref<512x64xf32, #tpu.memory_space<vmem>> -> memref<1x64xf32, #tpu.memory_space<vmem>>
      %dma_wait3A_1195 = arith.constant 0 : i32
      %dma_wait3A_1196 = arith.constant 0 : i32
      %dma_wait3A_1197 = tpu.memref_slice %arg2[%dma_wait3A_1195, %dma_wait3A_1196] : memref<1000000x64xf32, #tpu.memory_space<hbm>> -> memref<1x64xf32, #tpu.memory_space<hbm>>
      tpu.wait_dma2 semaphore(%arg7 : memref<!tpu.dma_semaphore, #tpu.memory_space<semaphore_mem>>) src(%dma_wait3A_1197 : memref<1x64xf32, #tpu.memory_space<hbm>>) dst(%dma_wait3A_1194 : memref<1x64xf32, #tpu.memory_space<vmem>>)
      %dma_wait3A_1198 = arith.constant 0 : i32
      %dma_wait3A_1199 = arith.constant 0 : i32
      %dma_wait3A_1200 = tpu.memref_slice %arg6[%dma_wait3A_1198, %dma_wait3A_1199] : memref<512x64xf32, #tpu.memory_space<vmem>> -> memref<1x64xf32, #tpu.memory_space<vmem>>
      %dma_wait3A_1201 = arith.constant 0 : i32
      %dma_wait3A_1202 = arith.constant 0 : i32
      %dma_wait3A_1203 = tpu.memref_slice %arg2[%dma_wait3A_1201, %dma_wait3A_1202] : memref<1000000x64xf32, #tpu.memory_space<hbm>> -> memref<1x64xf32, #tpu.memory_space<hbm>>
      %dma_wait3A_1204 = arith.constant 0 : i32
      %dma_wait3A_1205 = arith.constant 0 : i32
      %dma_wait3A_1206 = tpu.memref_slice %arg6[%dma_wait3A_1204, %dma_wait3A_1205] : memref<512x64xf32, #tpu.memory_space<vmem>> -> memref<1x64xf32, #tpu.memory_space<vmem>>
      %dma_wait3A_1207 = arith.constant 0 : i32
      %dma_wait3A_1208 = arith.constant 0 : i32
      %dma_wait3A_1209 = tpu.memref_slice %arg2[%dma_wait3A_1207, %dma_wait3A_1208] : memref<1000000x64xf32, #tpu.memory_space<hbm>> -> memref<1x64xf32, #tpu.memory_space<hbm>>
      tpu.wait_dma2 semaphore(%arg7 : memref<!tpu.dma_semaphore, #tpu.memory_space<semaphore_mem>>) src(%dma_wait3A_1209 : memref<1x64xf32, #tpu.memory_space<hbm>>) dst(%dma_wait3A_1206 : memref<1x64xf32, #tpu.memory_space<vmem>>)
      %dma_wait3A_1210 = arith.constant 0 : i32
      %dma_wait3A_1211 = arith.constant 0 : i32
      %dma_wait3A_1212 = tpu.memref_slice %arg6[%dma_wait3A_1210, %dma_wait3A_1211] : memref<512x64xf32, #tpu.memory_space<vmem>> -> memref<1x64xf32, #tpu.memory_space<vmem>>
      %dma_wait3A_1213 = arith.constant 0 : i32
      %dma_wait3A_1214 = arith.constant 0 : i32
      %dma_wait3A_1215 = tpu.memref_slice %arg2[%dma_wait3A_1213, %dma_wait3A_1214] : memref<1000000x64xf32, #tpu.memory_space<hbm>> -> memref<1x64xf32, #tpu.memory_space<hbm>>
      %dma_wait3A_1216 = arith.constant 0 : i32
      %dma_wait3A_1217 = arith.constant 0 : i32
      %dma_wait3A_1218 = tpu.memref_slice %arg6[%dma_wait3A_1216, %dma_wait3A_1217] : memref<512x64xf32, #tpu.memory_space<vmem>> -> memref<1x64xf32, #tpu.memory_space<vmem>>
      %dma_wait3A_1219 = arith.constant 0 : i32
      %dma_wait3A_1220 = arith.constant 0 : i32
      %dma_wait3A_1221 = tpu.memref_slice %arg2[%dma_wait3A_1219, %dma_wait3A_1220] : memref<1000000x64xf32, #tpu.memory_space<hbm>> -> memref<1x64xf32, #tpu.memory_space<hbm>>
      tpu.wait_dma2 semaphore(%arg7 : memref<!tpu.dma_semaphore, #tpu.memory_space<semaphore_mem>>) src(%dma_wait3A_1221 : memref<1x64xf32, #tpu.memory_space<hbm>>) dst(%dma_wait3A_1218 : memref<1x64xf32, #tpu.memory_space<vmem>>)
      %scan3A_1222 = arith.constant 0 : i32
      scf.yield %scan3A_1222 : i32
    }
    %scan3A_410 = arith.constant 30 : i32
    %dma_wait3A = arith.constant 0 : i32
    %dma_wait3A_411 = arith.constant 0 : i32
    %dma_wait3A_412 = tpu.memref_slice %arg6[%dma_wait3A, %dma_wait3A_411] : memref<512x64xf32, #tpu.memory_space<vmem>> -> memref<1x64xf32, #tpu.memory_space<vmem>>
    %dma_wait3A_413 = arith.constant 0 : i32
    %dma_wait3A_414 = arith.constant 0 : i32
    %dma_wait3A_415 = tpu.memref_slice %arg2[%dma_wait3A_413, %dma_wait3A_414] : memref<1000000x64xf32, #tpu.memory_space<hbm>> -> memref<1x64xf32, #tpu.memory_space<hbm>>
    %dma_wait3A_416 = arith.constant 0 : i32
    %dma_wait3A_417 = arith.constant 0 : i32
    %dma_wait3A_418 = tpu.memref_slice %arg6[%dma_wait3A_416, %dma_wait3A_417] : memref<512x64xf32, #tpu.memory_space<vmem>> -> memref<1x64xf32, #tpu.memory_space<vmem>>
    %dma_wait3A_419 = arith.constant 0 : i32
    %dma_wait3A_420 = arith.constant 0 : i32
    %dma_wait3A_421 = tpu.memref_slice %arg2[%dma_wait3A_419, %dma_wait3A_420] : memref<1000000x64xf32, #tpu.memory_space<hbm>> -> memref<1x64xf32, #tpu.memory_space<hbm>>
    tpu.wait_dma2 semaphore(%arg7 : memref<!tpu.dma_semaphore, #tpu.memory_space<semaphore_mem>>) src(%dma_wait3A_421 : memref<1x64xf32, #tpu.memory_space<hbm>>) dst(%dma_wait3A_418 : memref<1x64xf32, #tpu.memory_space<vmem>>)
    %dma_wait3A_422 = arith.constant 0 : i32
    %dma_wait3A_423 = arith.constant 0 : i32
    %dma_wait3A_424 = tpu.memref_slice %arg6[%dma_wait3A_422, %dma_wait3A_423] : memref<512x64xf32, #tpu.memory_space<vmem>> -> memref<1x64xf32, #tpu.memory_space<vmem>>
    %dma_wait3A_425 = arith.constant 0 : i32
    %dma_wait3A_426 = arith.constant 0 : i32
    %dma_wait3A_427 = tpu.memref_slice %arg2[%dma_wait3A_425, %dma_wait3A_426] : memref<1000000x64xf32, #tpu.memory_space<hbm>> -> memref<1x64xf32, #tpu.memory_space<hbm>>
    %dma_wait3A_428 = arith.constant 0 : i32
    %dma_wait3A_429 = arith.constant 0 : i32
    %dma_wait3A_430 = tpu.memref_slice %arg6[%dma_wait3A_428, %dma_wait3A_429] : memref<512x64xf32, #tpu.memory_space<vmem>> -> memref<1x64xf32, #tpu.memory_space<vmem>>
    %dma_wait3A_431 = arith.constant 0 : i32
    %dma_wait3A_432 = arith.constant 0 : i32
    %dma_wait3A_433 = tpu.memref_slice %arg2[%dma_wait3A_431, %dma_wait3A_432] : memref<1000000x64xf32, #tpu.memory_space<hbm>> -> memref<1x64xf32, #tpu.memory_space<hbm>>
    tpu.wait_dma2 semaphore(%arg7 : memref<!tpu.dma_semaphore, #tpu.memory_space<semaphore_mem>>) src(%dma_wait3A_433 : memref<1x64xf32, #tpu.memory_space<hbm>>) dst(%dma_wait3A_430 : memref<1x64xf32, #tpu.memory_space<vmem>>)
    %dma_wait3A_434 = arith.constant 0 : i32
    %dma_wait3A_435 = arith.constant 0 : i32
    %dma_wait3A_436 = tpu.memref_slice %arg6[%dma_wait3A_434, %dma_wait3A_435] : memref<512x64xf32, #tpu.memory_space<vmem>> -> memref<1x64xf32, #tpu.memory_space<vmem>>
    %dma_wait3A_437 = arith.constant 0 : i32
    %dma_wait3A_438 = arith.constant 0 : i32
    %dma_wait3A_439 = tpu.memref_slice %arg2[%dma_wait3A_437, %dma_wait3A_438] : memref<1000000x64xf32, #tpu.memory_space<hbm>> -> memref<1x64xf32, #tpu.memory_space<hbm>>
    %dma_wait3A_440 = arith.constant 0 : i32
    %dma_wait3A_441 = arith.constant 0 : i32
    %dma_wait3A_442 = tpu.memref_slice %arg6[%dma_wait3A_440, %dma_wait3A_441] : memref<512x64xf32, #tpu.memory_space<vmem>> -> memref<1x64xf32, #tpu.memory_space<vmem>>
    %dma_wait3A_443 = arith.constant 0 : i32
    %dma_wait3A_444 = arith.constant 0 : i32
    %dma_wait3A_445 = tpu.memref_slice %arg2[%dma_wait3A_443, %dma_wait3A_444] : memref<1000000x64xf32, #tpu.memory_space<hbm>> -> memref<1x64xf32, #tpu.memory_space<hbm>>
    tpu.wait_dma2 semaphore(%arg7 : memref<!tpu.dma_semaphore, #tpu.memory_space<semaphore_mem>>) src(%dma_wait3A_445 : memref<1x64xf32, #tpu.memory_space<hbm>>) dst(%dma_wait3A_442 : memref<1x64xf32, #tpu.memory_space<vmem>>)
    %dma_wait3A_446 = arith.constant 0 : i32
    %dma_wait3A_447 = arith.constant 0 : i32
    %dma_wait3A_448 = tpu.memref_slice %arg6[%dma_wait3A_446, %dma_wait3A_447] : memref<512x64xf32, #tpu.memory_space<vmem>> -> memref<1x64xf32, #tpu.memory_space<vmem>>
    %dma_wait3A_449 = arith.constant 0 : i32
    %dma_wait3A_450 = arith.constant 0 : i32
    %dma_wait3A_451 = tpu.memref_slice %arg2[%dma_wait3A_449, %dma_wait3A_450] : memref<1000000x64xf32, #tpu.memory_space<hbm>> -> memref<1x64xf32, #tpu.memory_space<hbm>>
    %dma_wait3A_452 = arith.constant 0 : i32
    %dma_wait3A_453 = arith.constant 0 : i32
    %dma_wait3A_454 = tpu.memref_slice %arg6[%dma_wait3A_452, %dma_wait3A_453] : memref<512x64xf32, #tpu.memory_space<vmem>> -> memref<1x64xf32, #tpu.memory_space<vmem>>
    %dma_wait3A_455 = arith.constant 0 : i32
    %dma_wait3A_456 = arith.constant 0 : i32
    %dma_wait3A_457 = tpu.memref_slice %arg2[%dma_wait3A_455, %dma_wait3A_456] : memref<1000000x64xf32, #tpu.memory_space<hbm>> -> memref<1x64xf32, #tpu.memory_space<hbm>>
    tpu.wait_dma2 semaphore(%arg7 : memref<!tpu.dma_semaphore, #tpu.memory_space<semaphore_mem>>) src(%dma_wait3A_457 : memref<1x64xf32, #tpu.memory_space<hbm>>) dst(%dma_wait3A_454 : memref<1x64xf32, #tpu.memory_space<vmem>>)
    %dma_wait3A_458 = arith.constant 0 : i32
    %dma_wait3A_459 = arith.constant 0 : i32
    %dma_wait3A_460 = tpu.memref_slice %arg6[%dma_wait3A_458, %dma_wait3A_459] : memref<512x64xf32, #tpu.memory_space<vmem>> -> memref<1x64xf32, #tpu.memory_space<vmem>>
    %dma_wait3A_461 = arith.constant 0 : i32
    %dma_wait3A_462 = arith.constant 0 : i32
    %dma_wait3A_463 = tpu.memref_slice %arg2[%dma_wait3A_461, %dma_wait3A_462] : memref<1000000x64xf32, #tpu.memory_space<hbm>> -> memref<1x64xf32, #tpu.memory_space<hbm>>
    %dma_wait3A_464 = arith.constant 0 : i32
    %dma_wait3A_465 = arith.constant 0 : i32
    %dma_wait3A_466 = tpu.memref_slice %arg6[%dma_wait3A_464, %dma_wait3A_465] : memref<512x64xf32, #tpu.memory_space<vmem>> -> memref<1x64xf32, #tpu.memory_space<vmem>>
    %dma_wait3A_467 = arith.constant 0 : i32
    %dma_wait3A_468 = arith.constant 0 : i32
    %dma_wait3A_469 = tpu.memref_slice %arg2[%dma_wait3A_467, %dma_wait3A_468] : memref<1000000x64xf32, #tpu.memory_space<hbm>> -> memref<1x64xf32, #tpu.memory_space<hbm>>
    tpu.wait_dma2 semaphore(%arg7 : memref<!tpu.dma_semaphore, #tpu.memory_space<semaphore_mem>>) src(%dma_wait3A_469 : memref<1x64xf32, #tpu.memory_space<hbm>>) dst(%dma_wait3A_466 : memref<1x64xf32, #tpu.memory_space<vmem>>)
    %dma_wait3A_470 = arith.constant 0 : i32
    %dma_wait3A_471 = arith.constant 0 : i32
    %dma_wait3A_472 = tpu.memref_slice %arg6[%dma_wait3A_470, %dma_wait3A_471] : memref<512x64xf32, #tpu.memory_space<vmem>> -> memref<1x64xf32, #tpu.memory_space<vmem>>
    %dma_wait3A_473 = arith.constant 0 : i32
    %dma_wait3A_474 = arith.constant 0 : i32
    %dma_wait3A_475 = tpu.memref_slice %arg2[%dma_wait3A_473, %dma_wait3A_474] : memref<1000000x64xf32, #tpu.memory_space<hbm>> -> memref<1x64xf32, #tpu.memory_space<hbm>>
    %dma_wait3A_476 = arith.constant 0 : i32
    %dma_wait3A_477 = arith.constant 0 : i32
    %dma_wait3A_478 = tpu.memref_slice %arg6[%dma_wait3A_476, %dma_wait3A_477] : memref<512x64xf32, #tpu.memory_space<vmem>> -> memref<1x64xf32, #tpu.memory_space<vmem>>
    %dma_wait3A_479 = arith.constant 0 : i32
    %dma_wait3A_480 = arith.constant 0 : i32
    %dma_wait3A_481 = tpu.memref_slice %arg2[%dma_wait3A_479, %dma_wait3A_480] : memref<1000000x64xf32, #tpu.memory_space<hbm>> -> memref<1x64xf32, #tpu.memory_space<hbm>>
    tpu.wait_dma2 semaphore(%arg7 : memref<!tpu.dma_semaphore, #tpu.memory_space<semaphore_mem>>) src(%dma_wait3A_481 : memref<1x64xf32, #tpu.memory_space<hbm>>) dst(%dma_wait3A_478 : memref<1x64xf32, #tpu.memory_space<vmem>>)
    %dma_wait3A_482 = arith.constant 0 : i32
    %dma_wait3A_483 = arith.constant 0 : i32
    %dma_wait3A_484 = tpu.memref_slice %arg6[%dma_wait3A_482, %dma_wait3A_483] : memref<512x64xf32, #tpu.memory_space<vmem>> -> memref<1x64xf32, #tpu.memory_space<vmem>>
    %dma_wait3A_485 = arith.constant 0 : i32
    %dma_wait3A_486 = arith.constant 0 : i32
    %dma_wait3A_487 = tpu.memref_slice %arg2[%dma_wait3A_485, %dma_wait3A_486] : memref<1000000x64xf32, #tpu.memory_space<hbm>> -> memref<1x64xf32, #tpu.memory_space<hbm>>
    %dma_wait3A_488 = arith.constant 0 : i32
    %dma_wait3A_489 = arith.constant 0 : i32
    %dma_wait3A_490 = tpu.memref_slice %arg6[%dma_wait3A_488, %dma_wait3A_489] : memref<512x64xf32, #tpu.memory_space<vmem>> -> memref<1x64xf32, #tpu.memory_space<vmem>>
    %dma_wait3A_491 = arith.constant 0 : i32
    %dma_wait3A_492 = arith.constant 0 : i32
    %dma_wait3A_493 = tpu.memref_slice %arg2[%dma_wait3A_491, %dma_wait3A_492] : memref<1000000x64xf32, #tpu.memory_space<hbm>> -> memref<1x64xf32, #tpu.memory_space<hbm>>
    tpu.wait_dma2 semaphore(%arg7 : memref<!tpu.dma_semaphore, #tpu.memory_space<semaphore_mem>>) src(%dma_wait3A_493 : memref<1x64xf32, #tpu.memory_space<hbm>>) dst(%dma_wait3A_490 : memref<1x64xf32, #tpu.memory_space<vmem>>)
    %dma_wait3A_494 = arith.constant 0 : i32
    %dma_wait3A_495 = arith.constant 0 : i32
    %dma_wait3A_496 = tpu.memref_slice %arg6[%dma_wait3A_494, %dma_wait3A_495] : memref<512x64xf32, #tpu.memory_space<vmem>> -> memref<1x64xf32, #tpu.memory_space<vmem>>
    %dma_wait3A_497 = arith.constant 0 : i32
    %dma_wait3A_498 = arith.constant 0 : i32
    %dma_wait3A_499 = tpu.memref_slice %arg2[%dma_wait3A_497, %dma_wait3A_498] : memref<1000000x64xf32, #tpu.memory_space<hbm>> -> memref<1x64xf32, #tpu.memory_space<hbm>>
    %dma_wait3A_500 = arith.constant 0 : i32
    %dma_wait3A_501 = arith.constant 0 : i32
    %dma_wait3A_502 = tpu.memref_slice %arg6[%dma_wait3A_500, %dma_wait3A_501] : memref<512x64xf32, #tpu.memory_space<vmem>> -> memref<1x64xf32, #tpu.memory_space<vmem>>
    %dma_wait3A_503 = arith.constant 0 : i32
    %dma_wait3A_504 = arith.constant 0 : i32
    %dma_wait3A_505 = tpu.memref_slice %arg2[%dma_wait3A_503, %dma_wait3A_504] : memref<1000000x64xf32, #tpu.memory_space<hbm>> -> memref<1x64xf32, #tpu.memory_space<hbm>>
    tpu.wait_dma2 semaphore(%arg7 : memref<!tpu.dma_semaphore, #tpu.memory_space<semaphore_mem>>) src(%dma_wait3A_505 : memref<1x64xf32, #tpu.memory_space<hbm>>) dst(%dma_wait3A_502 : memref<1x64xf32, #tpu.memory_space<vmem>>)
    %dma_wait3A_506 = arith.constant 0 : i32
    %dma_wait3A_507 = arith.constant 0 : i32
    %dma_wait3A_508 = tpu.memref_slice %arg6[%dma_wait3A_506, %dma_wait3A_507] : memref<512x64xf32, #tpu.memory_space<vmem>> -> memref<1x64xf32, #tpu.memory_space<vmem>>
    %dma_wait3A_509 = arith.constant 0 : i32
    %dma_wait3A_510 = arith.constant 0 : i32
    %dma_wait3A_511 = tpu.memref_slice %arg2[%dma_wait3A_509, %dma_wait3A_510] : memref<1000000x64xf32, #tpu.memory_space<hbm>> -> memref<1x64xf32, #tpu.memory_space<hbm>>
    %dma_wait3A_512 = arith.constant 0 : i32
    %dma_wait3A_513 = arith.constant 0 : i32
    %dma_wait3A_514 = tpu.memref_slice %arg6[%dma_wait3A_512, %dma_wait3A_513] : memref<512x64xf32, #tpu.memory_space<vmem>> -> memref<1x64xf32, #tpu.memory_space<vmem>>
    %dma_wait3A_515 = arith.constant 0 : i32
    %dma_wait3A_516 = arith.constant 0 : i32
    %dma_wait3A_517 = tpu.memref_slice %arg2[%dma_wait3A_515, %dma_wait3A_516] : memref<1000000x64xf32, #tpu.memory_space<hbm>> -> memref<1x64xf32, #tpu.memory_space<hbm>>
    tpu.wait_dma2 semaphore(%arg7 : memref<!tpu.dma_semaphore, #tpu.memory_space<semaphore_mem>>) src(%dma_wait3A_517 : memref<1x64xf32, #tpu.memory_space<hbm>>) dst(%dma_wait3A_514 : memref<1x64xf32, #tpu.memory_space<vmem>>)
    %dma_wait3A_518 = arith.constant 0 : i32
    %dma_wait3A_519 = arith.constant 0 : i32
    %dma_wait3A_520 = tpu.memref_slice %arg6[%dma_wait3A_518, %dma_wait3A_519] : memref<512x64xf32, #tpu.memory_space<vmem>> -> memref<1x64xf32, #tpu.memory_space<vmem>>
    %dma_wait3A_521 = arith.constant 0 : i32
    %dma_wait3A_522 = arith.constant 0 : i32
    %dma_wait3A_523 = tpu.memref_slice %arg2[%dma_wait3A_521, %dma_wait3A_522] : memref<1000000x64xf32, #tpu.memory_space<hbm>> -> memref<1x64xf32, #tpu.memory_space<hbm>>
    %dma_wait3A_524 = arith.constant 0 : i32
    %dma_wait3A_525 = arith.constant 0 : i32
    %dma_wait3A_526 = tpu.memref_slice %arg6[%dma_wait3A_524, %dma_wait3A_525] : memref<512x64xf32, #tpu.memory_space<vmem>> -> memref<1x64xf32, #tpu.memory_space<vmem>>
    %dma_wait3A_527 = arith.constant 0 : i32
    %dma_wait3A_528 = arith.constant 0 : i32
    %dma_wait3A_529 = tpu.memref_slice %arg2[%dma_wait3A_527, %dma_wait3A_528] : memref<1000000x64xf32, #tpu.memory_space<hbm>> -> memref<1x64xf32, #tpu.memory_space<hbm>>
    tpu.wait_dma2 semaphore(%arg7 : memref<!tpu.dma_semaphore, #tpu.memory_space<semaphore_mem>>) src(%dma_wait3A_529 : memref<1x64xf32, #tpu.memory_space<hbm>>) dst(%dma_wait3A_526 : memref<1x64xf32, #tpu.memory_space<vmem>>)
    %dma_wait3A_530 = arith.constant 0 : i32
    %dma_wait3A_531 = arith.constant 0 : i32
    %dma_wait3A_532 = tpu.memref_slice %arg6[%dma_wait3A_530, %dma_wait3A_531] : memref<512x64xf32, #tpu.memory_space<vmem>> -> memref<1x64xf32, #tpu.memory_space<vmem>>
    %dma_wait3A_533 = arith.constant 0 : i32
    %dma_wait3A_534 = arith.constant 0 : i32
    %dma_wait3A_535 = tpu.memref_slice %arg2[%dma_wait3A_533, %dma_wait3A_534] : memref<1000000x64xf32, #tpu.memory_space<hbm>> -> memref<1x64xf32, #tpu.memory_space<hbm>>
    %dma_wait3A_536 = arith.constant 0 : i32
    %dma_wait3A_537 = arith.constant 0 : i32
    %dma_wait3A_538 = tpu.memref_slice %arg6[%dma_wait3A_536, %dma_wait3A_537] : memref<512x64xf32, #tpu.memory_space<vmem>> -> memref<1x64xf32, #tpu.memory_space<vmem>>
    %dma_wait3A_539 = arith.constant 0 : i32
    %dma_wait3A_540 = arith.constant 0 : i32
    %dma_wait3A_541 = tpu.memref_slice %arg2[%dma_wait3A_539, %dma_wait3A_540] : memref<1000000x64xf32, #tpu.memory_space<hbm>> -> memref<1x64xf32, #tpu.memory_space<hbm>>
    tpu.wait_dma2 semaphore(%arg7 : memref<!tpu.dma_semaphore, #tpu.memory_space<semaphore_mem>>) src(%dma_wait3A_541 : memref<1x64xf32, #tpu.memory_space<hbm>>) dst(%dma_wait3A_538 : memref<1x64xf32, #tpu.memory_space<vmem>>)
    %dma_wait3A_542 = arith.constant 0 : i32
    %dma_wait3A_543 = arith.constant 0 : i32
    %dma_wait3A_544 = tpu.memref_slice %arg6[%dma_wait3A_542, %dma_wait3A_543] : memref<512x64xf32, #tpu.memory_space<vmem>> -> memref<1x64xf32, #tpu.memory_space<vmem>>
    %dma_wait3A_545 = arith.constant 0 : i32
    %dma_wait3A_546 = arith.constant 0 : i32
    %dma_wait3A_547 = tpu.memref_slice %arg2[%dma_wait3A_545, %dma_wait3A_546] : memref<1000000x64xf32, #tpu.memory_space<hbm>> -> memref<1x64xf32, #tpu.memory_space<hbm>>
    %dma_wait3A_548 = arith.constant 0 : i32
    %dma_wait3A_549 = arith.constant 0 : i32
    %dma_wait3A_550 = tpu.memref_slice %arg6[%dma_wait3A_548, %dma_wait3A_549] : memref<512x64xf32, #tpu.memory_space<vmem>> -> memref<1x64xf32, #tpu.memory_space<vmem>>
    %dma_wait3A_551 = arith.constant 0 : i32
    %dma_wait3A_552 = arith.constant 0 : i32
    %dma_wait3A_553 = tpu.memref_slice %arg2[%dma_wait3A_551, %dma_wait3A_552] : memref<1000000x64xf32, #tpu.memory_space<hbm>> -> memref<1x64xf32, #tpu.memory_space<hbm>>
    tpu.wait_dma2 semaphore(%arg7 : memref<!tpu.dma_semaphore, #tpu.memory_space<semaphore_mem>>) src(%dma_wait3A_553 : memref<1x64xf32, #tpu.memory_space<hbm>>) dst(%dma_wait3A_550 : memref<1x64xf32, #tpu.memory_space<vmem>>)
    %dma_wait3A_554 = arith.constant 0 : i32
    %dma_wait3A_555 = arith.constant 0 : i32
    %dma_wait3A_556 = tpu.memref_slice %arg6[%dma_wait3A_554, %dma_wait3A_555] : memref<512x64xf32, #tpu.memory_space<vmem>> -> memref<1x64xf32, #tpu.memory_space<vmem>>
    %dma_wait3A_557 = arith.constant 0 : i32
    %dma_wait3A_558 = arith.constant 0 : i32
    %dma_wait3A_559 = tpu.memref_slice %arg2[%dma_wait3A_557, %dma_wait3A_558] : memref<1000000x64xf32, #tpu.memory_space<hbm>> -> memref<1x64xf32, #tpu.memory_space<hbm>>
    %dma_wait3A_560 = arith.constant 0 : i32
    %dma_wait3A_561 = arith.constant 0 : i32
    %dma_wait3A_562 = tpu.memref_slice %arg6[%dma_wait3A_560, %dma_wait3A_561] : memref<512x64xf32, #tpu.memory_space<vmem>> -> memref<1x64xf32, #tpu.memory_space<vmem>>
    %dma_wait3A_563 = arith.constant 0 : i32
    %dma_wait3A_564 = arith.constant 0 : i32
    %dma_wait3A_565 = tpu.memref_slice %arg2[%dma_wait3A_563, %dma_wait3A_564] : memref<1000000x64xf32, #tpu.memory_space<hbm>> -> memref<1x64xf32, #tpu.memory_space<hbm>>
    tpu.wait_dma2 semaphore(%arg7 : memref<!tpu.dma_semaphore, #tpu.memory_space<semaphore_mem>>) src(%dma_wait3A_565 : memref<1x64xf32, #tpu.memory_space<hbm>>) dst(%dma_wait3A_562 : memref<1x64xf32, #tpu.memory_space<vmem>>)
    %dma_wait3A_566 = arith.constant 0 : i32
    %dma_wait3A_567 = arith.constant 0 : i32
    %dma_wait3A_568 = tpu.memref_slice %arg6[%dma_wait3A_566, %dma_wait3A_567] : memref<512x64xf32, #tpu.memory_space<vmem>> -> memref<1x64xf32, #tpu.memory_space<vmem>>
    %dma_wait3A_569 = arith.constant 0 : i32
    %dma_wait3A_570 = arith.constant 0 : i32
    %dma_wait3A_571 = tpu.memref_slice %arg2[%dma_wait3A_569, %dma_wait3A_570] : memref<1000000x64xf32, #tpu.memory_space<hbm>> -> memref<1x64xf32, #tpu.memory_space<hbm>>
    %dma_wait3A_572 = arith.constant 0 : i32
    %dma_wait3A_573 = arith.constant 0 : i32
    %dma_wait3A_574 = tpu.memref_slice %arg6[%dma_wait3A_572, %dma_wait3A_573] : memref<512x64xf32, #tpu.memory_space<vmem>> -> memref<1x64xf32, #tpu.memory_space<vmem>>
    %dma_wait3A_575 = arith.constant 0 : i32
    %dma_wait3A_576 = arith.constant 0 : i32
    %dma_wait3A_577 = tpu.memref_slice %arg2[%dma_wait3A_575, %dma_wait3A_576] : memref<1000000x64xf32, #tpu.memory_space<hbm>> -> memref<1x64xf32, #tpu.memory_space<hbm>>
    tpu.wait_dma2 semaphore(%arg7 : memref<!tpu.dma_semaphore, #tpu.memory_space<semaphore_mem>>) src(%dma_wait3A_577 : memref<1x64xf32, #tpu.memory_space<hbm>>) dst(%dma_wait3A_574 : memref<1x64xf32, #tpu.memory_space<vmem>>)
    %dma_wait3A_578 = arith.constant 0 : i32
    %dma_wait3A_579 = arith.constant 0 : i32
    %dma_wait3A_580 = tpu.memref_slice %arg6[%dma_wait3A_578, %dma_wait3A_579] : memref<512x64xf32, #tpu.memory_space<vmem>> -> memref<1x64xf32, #tpu.memory_space<vmem>>
    %dma_wait3A_581 = arith.constant 0 : i32
    %dma_wait3A_582 = arith.constant 0 : i32
    %dma_wait3A_583 = tpu.memref_slice %arg2[%dma_wait3A_581, %dma_wait3A_582] : memref<1000000x64xf32, #tpu.memory_space<hbm>> -> memref<1x64xf32, #tpu.memory_space<hbm>>
    %dma_wait3A_584 = arith.constant 0 : i32
    %dma_wait3A_585 = arith.constant 0 : i32
    %dma_wait3A_586 = tpu.memref_slice %arg6[%dma_wait3A_584, %dma_wait3A_585] : memref<512x64xf32, #tpu.memory_space<vmem>> -> memref<1x64xf32, #tpu.memory_space<vmem>>
    %dma_wait3A_587 = arith.constant 0 : i32
    %dma_wait3A_588 = arith.constant 0 : i32
    %dma_wait3A_589 = tpu.memref_slice %arg2[%dma_wait3A_587, %dma_wait3A_588] : memref<1000000x64xf32, #tpu.memory_space<hbm>> -> memref<1x64xf32, #tpu.memory_space<hbm>>
    tpu.wait_dma2 semaphore(%arg7 : memref<!tpu.dma_semaphore, #tpu.memory_space<semaphore_mem>>) src(%dma_wait3A_589 : memref<1x64xf32, #tpu.memory_space<hbm>>) dst(%dma_wait3A_586 : memref<1x64xf32, #tpu.memory_space<vmem>>)
    %dma_wait3A_590 = arith.constant 0 : i32
    %dma_wait3A_591 = arith.constant 0 : i32
    %dma_wait3A_592 = tpu.memref_slice %arg6[%dma_wait3A_590, %dma_wait3A_591] : memref<512x64xf32, #tpu.memory_space<vmem>> -> memref<1x64xf32, #tpu.memory_space<vmem>>
    %dma_wait3A_593 = arith.constant 0 : i32
    %dma_wait3A_594 = arith.constant 0 : i32
    %dma_wait3A_595 = tpu.memref_slice %arg2[%dma_wait3A_593, %dma_wait3A_594] : memref<1000000x64xf32, #tpu.memory_space<hbm>> -> memref<1x64xf32, #tpu.memory_space<hbm>>
    %dma_wait3A_596 = arith.constant 0 : i32
    %dma_wait3A_597 = arith.constant 0 : i32
    %dma_wait3A_598 = tpu.memref_slice %arg6[%dma_wait3A_596, %dma_wait3A_597] : memref<512x64xf32, #tpu.memory_space<vmem>> -> memref<1x64xf32, #tpu.memory_space<vmem>>
    %dma_wait3A_599 = arith.constant 0 : i32
    %dma_wait3A_600 = arith.constant 0 : i32
    %dma_wait3A_601 = tpu.memref_slice %arg2[%dma_wait3A_599, %dma_wait3A_600] : memref<1000000x64xf32, #tpu.memory_space<hbm>> -> memref<1x64xf32, #tpu.memory_space<hbm>>
    tpu.wait_dma2 semaphore(%arg7 : memref<!tpu.dma_semaphore, #tpu.memory_space<semaphore_mem>>) src(%dma_wait3A_601 : memref<1x64xf32, #tpu.memory_space<hbm>>) dst(%dma_wait3A_598 : memref<1x64xf32, #tpu.memory_space<vmem>>)
    %dma_wait3A_602 = arith.constant 0 : i32
    %dma_wait3A_603 = arith.constant 0 : i32
    %dma_wait3A_604 = tpu.memref_slice %arg6[%dma_wait3A_602, %dma_wait3A_603] : memref<512x64xf32, #tpu.memory_space<vmem>> -> memref<1x64xf32, #tpu.memory_space<vmem>>
    %dma_wait3A_605 = arith.constant 0 : i32
    %dma_wait3A_606 = arith.constant 0 : i32
    %dma_wait3A_607 = tpu.memref_slice %arg2[%dma_wait3A_605, %dma_wait3A_606] : memref<1000000x64xf32, #tpu.memory_space<hbm>> -> memref<1x64xf32, #tpu.memory_space<hbm>>
    %dma_wait3A_608 = arith.constant 0 : i32
    %dma_wait3A_609 = arith.constant 0 : i32
    %dma_wait3A_610 = tpu.memref_slice %arg6[%dma_wait3A_608, %dma_wait3A_609] : memref<512x64xf32, #tpu.memory_space<vmem>> -> memref<1x64xf32, #tpu.memory_space<vmem>>
    %dma_wait3A_611 = arith.constant 0 : i32
    %dma_wait3A_612 = arith.constant 0 : i32
    %dma_wait3A_613 = tpu.memref_slice %arg2[%dma_wait3A_611, %dma_wait3A_612] : memref<1000000x64xf32, #tpu.memory_space<hbm>> -> memref<1x64xf32, #tpu.memory_space<hbm>>
    tpu.wait_dma2 semaphore(%arg7 : memref<!tpu.dma_semaphore, #tpu.memory_space<semaphore_mem>>) src(%dma_wait3A_613 : memref<1x64xf32, #tpu.memory_space<hbm>>) dst(%dma_wait3A_610 : memref<1x64xf32, #tpu.memory_space<vmem>>)
    %dma_wait3A_614 = arith.constant 0 : i32
    %dma_wait3A_615 = arith.constant 0 : i32
    %dma_wait3A_616 = tpu.memref_slice %arg6[%dma_wait3A_614, %dma_wait3A_615] : memref<512x64xf32, #tpu.memory_space<vmem>> -> memref<1x64xf32, #tpu.memory_space<vmem>>
    %dma_wait3A_617 = arith.constant 0 : i32
    %dma_wait3A_618 = arith.constant 0 : i32
    %dma_wait3A_619 = tpu.memref_slice %arg2[%dma_wait3A_617, %dma_wait3A_618] : memref<1000000x64xf32, #tpu.memory_space<hbm>> -> memref<1x64xf32, #tpu.memory_space<hbm>>
    %dma_wait3A_620 = arith.constant 0 : i32
    %dma_wait3A_621 = arith.constant 0 : i32
    %dma_wait3A_622 = tpu.memref_slice %arg6[%dma_wait3A_620, %dma_wait3A_621] : memref<512x64xf32, #tpu.memory_space<vmem>> -> memref<1x64xf32, #tpu.memory_space<vmem>>
    %dma_wait3A_623 = arith.constant 0 : i32
    %dma_wait3A_624 = arith.constant 0 : i32
    %dma_wait3A_625 = tpu.memref_slice %arg2[%dma_wait3A_623, %dma_wait3A_624] : memref<1000000x64xf32, #tpu.memory_space<hbm>> -> memref<1x64xf32, #tpu.memory_space<hbm>>
    tpu.wait_dma2 semaphore(%arg7 : memref<!tpu.dma_semaphore, #tpu.memory_space<semaphore_mem>>) src(%dma_wait3A_625 : memref<1x64xf32, #tpu.memory_space<hbm>>) dst(%dma_wait3A_622 : memref<1x64xf32, #tpu.memory_space<vmem>>)
    %dma_wait3A_626 = arith.constant 0 : i32
    %dma_wait3A_627 = arith.constant 0 : i32
    %dma_wait3A_628 = tpu.memref_slice %arg6[%dma_wait3A_626, %dma_wait3A_627] : memref<512x64xf32, #tpu.memory_space<vmem>> -> memref<1x64xf32, #tpu.memory_space<vmem>>
    %dma_wait3A_629 = arith.constant 0 : i32
    %dma_wait3A_630 = arith.constant 0 : i32
    %dma_wait3A_631 = tpu.memref_slice %arg2[%dma_wait3A_629, %dma_wait3A_630] : memref<1000000x64xf32, #tpu.memory_space<hbm>> -> memref<1x64xf32, #tpu.memory_space<hbm>>
    %dma_wait3A_632 = arith.constant 0 : i32
    %dma_wait3A_633 = arith.constant 0 : i32
    %dma_wait3A_634 = tpu.memref_slice %arg6[%dma_wait3A_632, %dma_wait3A_633] : memref<512x64xf32, #tpu.memory_space<vmem>> -> memref<1x64xf32, #tpu.memory_space<vmem>>
    %dma_wait3A_635 = arith.constant 0 : i32
    %dma_wait3A_636 = arith.constant 0 : i32
    %dma_wait3A_637 = tpu.memref_slice %arg2[%dma_wait3A_635, %dma_wait3A_636] : memref<1000000x64xf32, #tpu.memory_space<hbm>> -> memref<1x64xf32, #tpu.memory_space<hbm>>
    tpu.wait_dma2 semaphore(%arg7 : memref<!tpu.dma_semaphore, #tpu.memory_space<semaphore_mem>>) src(%dma_wait3A_637 : memref<1x64xf32, #tpu.memory_space<hbm>>) dst(%dma_wait3A_634 : memref<1x64xf32, #tpu.memory_space<vmem>>)
    %dma_wait3A_638 = arith.constant 0 : i32
    %dma_wait3A_639 = arith.constant 0 : i32
    %dma_wait3A_640 = tpu.memref_slice %arg6[%dma_wait3A_638, %dma_wait3A_639] : memref<512x64xf32, #tpu.memory_space<vmem>> -> memref<1x64xf32, #tpu.memory_space<vmem>>
    %dma_wait3A_641 = arith.constant 0 : i32
    %dma_wait3A_642 = arith.constant 0 : i32
    %dma_wait3A_643 = tpu.memref_slice %arg2[%dma_wait3A_641, %dma_wait3A_642] : memref<1000000x64xf32, #tpu.memory_space<hbm>> -> memref<1x64xf32, #tpu.memory_space<hbm>>
    %dma_wait3A_644 = arith.constant 0 : i32
    %dma_wait3A_645 = arith.constant 0 : i32
    %dma_wait3A_646 = tpu.memref_slice %arg6[%dma_wait3A_644, %dma_wait3A_645] : memref<512x64xf32, #tpu.memory_space<vmem>> -> memref<1x64xf32, #tpu.memory_space<vmem>>
    %dma_wait3A_647 = arith.constant 0 : i32
    %dma_wait3A_648 = arith.constant 0 : i32
    %dma_wait3A_649 = tpu.memref_slice %arg2[%dma_wait3A_647, %dma_wait3A_648] : memref<1000000x64xf32, #tpu.memory_space<hbm>> -> memref<1x64xf32, #tpu.memory_space<hbm>>
    tpu.wait_dma2 semaphore(%arg7 : memref<!tpu.dma_semaphore, #tpu.memory_space<semaphore_mem>>) src(%dma_wait3A_649 : memref<1x64xf32, #tpu.memory_space<hbm>>) dst(%dma_wait3A_646 : memref<1x64xf32, #tpu.memory_space<vmem>>)
    %dma_wait3A_650 = arith.constant 0 : i32
    %dma_wait3A_651 = arith.constant 0 : i32
    %dma_wait3A_652 = tpu.memref_slice %arg6[%dma_wait3A_650, %dma_wait3A_651] : memref<512x64xf32, #tpu.memory_space<vmem>> -> memref<1x64xf32, #tpu.memory_space<vmem>>
    %dma_wait3A_653 = arith.constant 0 : i32
    %dma_wait3A_654 = arith.constant 0 : i32
    %dma_wait3A_655 = tpu.memref_slice %arg2[%dma_wait3A_653, %dma_wait3A_654] : memref<1000000x64xf32, #tpu.memory_space<hbm>> -> memref<1x64xf32, #tpu.memory_space<hbm>>
    %dma_wait3A_656 = arith.constant 0 : i32
    %dma_wait3A_657 = arith.constant 0 : i32
    %dma_wait3A_658 = tpu.memref_slice %arg6[%dma_wait3A_656, %dma_wait3A_657] : memref<512x64xf32, #tpu.memory_space<vmem>> -> memref<1x64xf32, #tpu.memory_space<vmem>>
    %dma_wait3A_659 = arith.constant 0 : i32
    %dma_wait3A_660 = arith.constant 0 : i32
    %dma_wait3A_661 = tpu.memref_slice %arg2[%dma_wait3A_659, %dma_wait3A_660] : memref<1000000x64xf32, #tpu.memory_space<hbm>> -> memref<1x64xf32, #tpu.memory_space<hbm>>
    tpu.wait_dma2 semaphore(%arg7 : memref<!tpu.dma_semaphore, #tpu.memory_space<semaphore_mem>>) src(%dma_wait3A_661 : memref<1x64xf32, #tpu.memory_space<hbm>>) dst(%dma_wait3A_658 : memref<1x64xf32, #tpu.memory_space<vmem>>)
    %dma_wait3A_662 = arith.constant 0 : i32
    %dma_wait3A_663 = arith.constant 0 : i32
    %dma_wait3A_664 = tpu.memref_slice %arg6[%dma_wait3A_662, %dma_wait3A_663] : memref<512x64xf32, #tpu.memory_space<vmem>> -> memref<1x64xf32, #tpu.memory_space<vmem>>
    %dma_wait3A_665 = arith.constant 0 : i32
    %dma_wait3A_666 = arith.constant 0 : i32
    %dma_wait3A_667 = tpu.memref_slice %arg2[%dma_wait3A_665, %dma_wait3A_666] : memref<1000000x64xf32, #tpu.memory_space<hbm>> -> memref<1x64xf32, #tpu.memory_space<hbm>>
    %dma_wait3A_668 = arith.constant 0 : i32
    %dma_wait3A_669 = arith.constant 0 : i32
    %dma_wait3A_670 = tpu.memref_slice %arg6[%dma_wait3A_668, %dma_wait3A_669] : memref<512x64xf32, #tpu.memory_space<vmem>> -> memref<1x64xf32, #tpu.memory_space<vmem>>
    %dma_wait3A_671 = arith.constant 0 : i32
    %dma_wait3A_672 = arith.constant 0 : i32
    %dma_wait3A_673 = tpu.memref_slice %arg2[%dma_wait3A_671, %dma_wait3A_672] : memref<1000000x64xf32, #tpu.memory_space<hbm>> -> memref<1x64xf32, #tpu.memory_space<hbm>>
    tpu.wait_dma2 semaphore(%arg7 : memref<!tpu.dma_semaphore, #tpu.memory_space<semaphore_mem>>) src(%dma_wait3A_673 : memref<1x64xf32, #tpu.memory_space<hbm>>) dst(%dma_wait3A_670 : memref<1x64xf32, #tpu.memory_space<vmem>>)
    %dma_wait3A_674 = arith.constant 0 : i32
    %dma_wait3A_675 = arith.constant 0 : i32
    %dma_wait3A_676 = tpu.memref_slice %arg6[%dma_wait3A_674, %dma_wait3A_675] : memref<512x64xf32, #tpu.memory_space<vmem>> -> memref<1x64xf32, #tpu.memory_space<vmem>>
    %dma_wait3A_677 = arith.constant 0 : i32
    %dma_wait3A_678 = arith.constant 0 : i32
    %dma_wait3A_679 = tpu.memref_slice %arg2[%dma_wait3A_677, %dma_wait3A_678] : memref<1000000x64xf32, #tpu.memory_space<hbm>> -> memref<1x64xf32, #tpu.memory_space<hbm>>
    %dma_wait3A_680 = arith.constant 0 : i32
    %dma_wait3A_681 = arith.constant 0 : i32
    %dma_wait3A_682 = tpu.memref_slice %arg6[%dma_wait3A_680, %dma_wait3A_681] : memref<512x64xf32, #tpu.memory_space<vmem>> -> memref<1x64xf32, #tpu.memory_space<vmem>>
    %dma_wait3A_683 = arith.constant 0 : i32
    %dma_wait3A_684 = arith.constant 0 : i32
    %dma_wait3A_685 = tpu.memref_slice %arg2[%dma_wait3A_683, %dma_wait3A_684] : memref<1000000x64xf32, #tpu.memory_space<hbm>> -> memref<1x64xf32, #tpu.memory_space<hbm>>
    tpu.wait_dma2 semaphore(%arg7 : memref<!tpu.dma_semaphore, #tpu.memory_space<semaphore_mem>>) src(%dma_wait3A_685 : memref<1x64xf32, #tpu.memory_space<hbm>>) dst(%dma_wait3A_682 : memref<1x64xf32, #tpu.memory_space<vmem>>)
    %dma_wait3A_686 = arith.constant 0 : i32
    %dma_wait3A_687 = arith.constant 0 : i32
    %dma_wait3A_688 = tpu.memref_slice %arg6[%dma_wait3A_686, %dma_wait3A_687] : memref<512x64xf32, #tpu.memory_space<vmem>> -> memref<1x64xf32, #tpu.memory_space<vmem>>
    %dma_wait3A_689 = arith.constant 0 : i32
    %dma_wait3A_690 = arith.constant 0 : i32
    %dma_wait3A_691 = tpu.memref_slice %arg2[%dma_wait3A_689, %dma_wait3A_690] : memref<1000000x64xf32, #tpu.memory_space<hbm>> -> memref<1x64xf32, #tpu.memory_space<hbm>>
    %dma_wait3A_692 = arith.constant 0 : i32
    %dma_wait3A_693 = arith.constant 0 : i32
    %dma_wait3A_694 = tpu.memref_slice %arg6[%dma_wait3A_692, %dma_wait3A_693] : memref<512x64xf32, #tpu.memory_space<vmem>> -> memref<1x64xf32, #tpu.memory_space<vmem>>
    %dma_wait3A_695 = arith.constant 0 : i32
    %dma_wait3A_696 = arith.constant 0 : i32
    %dma_wait3A_697 = tpu.memref_slice %arg2[%dma_wait3A_695, %dma_wait3A_696] : memref<1000000x64xf32, #tpu.memory_space<hbm>> -> memref<1x64xf32, #tpu.memory_space<hbm>>
    tpu.wait_dma2 semaphore(%arg7 : memref<!tpu.dma_semaphore, #tpu.memory_space<semaphore_mem>>) src(%dma_wait3A_697 : memref<1x64xf32, #tpu.memory_space<hbm>>) dst(%dma_wait3A_694 : memref<1x64xf32, #tpu.memory_space<vmem>>)
    %dma_wait3A_698 = arith.constant 0 : i32
    %dma_wait3A_699 = arith.constant 0 : i32
    %dma_wait3A_700 = tpu.memref_slice %arg6[%dma_wait3A_698, %dma_wait3A_699] : memref<512x64xf32, #tpu.memory_space<vmem>> -> memref<1x64xf32, #tpu.memory_space<vmem>>
    %dma_wait3A_701 = arith.constant 0 : i32
    %dma_wait3A_702 = arith.constant 0 : i32
    %dma_wait3A_703 = tpu.memref_slice %arg2[%dma_wait3A_701, %dma_wait3A_702] : memref<1000000x64xf32, #tpu.memory_space<hbm>> -> memref<1x64xf32, #tpu.memory_space<hbm>>
    %dma_wait3A_704 = arith.constant 0 : i32
    %dma_wait3A_705 = arith.constant 0 : i32
    %dma_wait3A_706 = tpu.memref_slice %arg6[%dma_wait3A_704, %dma_wait3A_705] : memref<512x64xf32, #tpu.memory_space<vmem>> -> memref<1x64xf32, #tpu.memory_space<vmem>>
    %dma_wait3A_707 = arith.constant 0 : i32
    %dma_wait3A_708 = arith.constant 0 : i32
    %dma_wait3A_709 = tpu.memref_slice %arg2[%dma_wait3A_707, %dma_wait3A_708] : memref<1000000x64xf32, #tpu.memory_space<hbm>> -> memref<1x64xf32, #tpu.memory_space<hbm>>
    tpu.wait_dma2 semaphore(%arg7 : memref<!tpu.dma_semaphore, #tpu.memory_space<semaphore_mem>>) src(%dma_wait3A_709 : memref<1x64xf32, #tpu.memory_space<hbm>>) dst(%dma_wait3A_706 : memref<1x64xf32, #tpu.memory_space<vmem>>)
    %dma_wait3A_710 = arith.constant 0 : i32
    %dma_wait3A_711 = arith.constant 0 : i32
    %dma_wait3A_712 = tpu.memref_slice %arg6[%dma_wait3A_710, %dma_wait3A_711] : memref<512x64xf32, #tpu.memory_space<vmem>> -> memref<1x64xf32, #tpu.memory_space<vmem>>
    %dma_wait3A_713 = arith.constant 0 : i32
    %dma_wait3A_714 = arith.constant 0 : i32
    %dma_wait3A_715 = tpu.memref_slice %arg2[%dma_wait3A_713, %dma_wait3A_714] : memref<1000000x64xf32, #tpu.memory_space<hbm>> -> memref<1x64xf32, #tpu.memory_space<hbm>>
    %dma_wait3A_716 = arith.constant 0 : i32
    %dma_wait3A_717 = arith.constant 0 : i32
    %dma_wait3A_718 = tpu.memref_slice %arg6[%dma_wait3A_716, %dma_wait3A_717] : memref<512x64xf32, #tpu.memory_space<vmem>> -> memref<1x64xf32, #tpu.memory_space<vmem>>
    %dma_wait3A_719 = arith.constant 0 : i32
    %dma_wait3A_720 = arith.constant 0 : i32
    %dma_wait3A_721 = tpu.memref_slice %arg2[%dma_wait3A_719, %dma_wait3A_720] : memref<1000000x64xf32, #tpu.memory_space<hbm>> -> memref<1x64xf32, #tpu.memory_space<hbm>>
    tpu.wait_dma2 semaphore(%arg7 : memref<!tpu.dma_semaphore, #tpu.memory_space<semaphore_mem>>) src(%dma_wait3A_721 : memref<1x64xf32, #tpu.memory_space<hbm>>) dst(%dma_wait3A_718 : memref<1x64xf32, #tpu.memory_space<vmem>>)
    %dma_wait3A_722 = arith.constant 0 : i32
    %dma_wait3A_723 = arith.constant 0 : i32
    %dma_wait3A_724 = tpu.memref_slice %arg6[%dma_wait3A_722, %dma_wait3A_723] : memref<512x64xf32, #tpu.memory_space<vmem>> -> memref<1x64xf32, #tpu.memory_space<vmem>>
    %dma_wait3A_725 = arith.constant 0 : i32
    %dma_wait3A_726 = arith.constant 0 : i32
    %dma_wait3A_727 = tpu.memref_slice %arg2[%dma_wait3A_725, %dma_wait3A_726] : memref<1000000x64xf32, #tpu.memory_space<hbm>> -> memref<1x64xf32, #tpu.memory_space<hbm>>
    %dma_wait3A_728 = arith.constant 0 : i32
    %dma_wait3A_729 = arith.constant 0 : i32
    %dma_wait3A_730 = tpu.memref_slice %arg6[%dma_wait3A_728, %dma_wait3A_729] : memref<512x64xf32, #tpu.memory_space<vmem>> -> memref<1x64xf32, #tpu.memory_space<vmem>>
    %dma_wait3A_731 = arith.constant 0 : i32
    %dma_wait3A_732 = arith.constant 0 : i32
    %dma_wait3A_733 = tpu.memref_slice %arg2[%dma_wait3A_731, %dma_wait3A_732] : memref<1000000x64xf32, #tpu.memory_space<hbm>> -> memref<1x64xf32, #tpu.memory_space<hbm>>
    tpu.wait_dma2 semaphore(%arg7 : memref<!tpu.dma_semaphore, #tpu.memory_space<semaphore_mem>>) src(%dma_wait3A_733 : memref<1x64xf32, #tpu.memory_space<hbm>>) dst(%dma_wait3A_730 : memref<1x64xf32, #tpu.memory_space<vmem>>)
    %dma_wait3A_734 = arith.constant 0 : i32
    %dma_wait3A_735 = arith.constant 0 : i32
    %dma_wait3A_736 = tpu.memref_slice %arg6[%dma_wait3A_734, %dma_wait3A_735] : memref<512x64xf32, #tpu.memory_space<vmem>> -> memref<1x64xf32, #tpu.memory_space<vmem>>
    %dma_wait3A_737 = arith.constant 0 : i32
    %dma_wait3A_738 = arith.constant 0 : i32
    %dma_wait3A_739 = tpu.memref_slice %arg2[%dma_wait3A_737, %dma_wait3A_738] : memref<1000000x64xf32, #tpu.memory_space<hbm>> -> memref<1x64xf32, #tpu.memory_space<hbm>>
    %dma_wait3A_740 = arith.constant 0 : i32
    %dma_wait3A_741 = arith.constant 0 : i32
    %dma_wait3A_742 = tpu.memref_slice %arg6[%dma_wait3A_740, %dma_wait3A_741] : memref<512x64xf32, #tpu.memory_space<vmem>> -> memref<1x64xf32, #tpu.memory_space<vmem>>
    %dma_wait3A_743 = arith.constant 0 : i32
    %dma_wait3A_744 = arith.constant 0 : i32
    %dma_wait3A_745 = tpu.memref_slice %arg2[%dma_wait3A_743, %dma_wait3A_744] : memref<1000000x64xf32, #tpu.memory_space<hbm>> -> memref<1x64xf32, #tpu.memory_space<hbm>>
    tpu.wait_dma2 semaphore(%arg7 : memref<!tpu.dma_semaphore, #tpu.memory_space<semaphore_mem>>) src(%dma_wait3A_745 : memref<1x64xf32, #tpu.memory_space<hbm>>) dst(%dma_wait3A_742 : memref<1x64xf32, #tpu.memory_space<vmem>>)
    %dma_wait3A_746 = arith.constant 0 : i32
    %dma_wait3A_747 = arith.constant 0 : i32
    %dma_wait3A_748 = tpu.memref_slice %arg6[%dma_wait3A_746, %dma_wait3A_747] : memref<512x64xf32, #tpu.memory_space<vmem>> -> memref<1x64xf32, #tpu.memory_space<vmem>>
    %dma_wait3A_749 = arith.constant 0 : i32
    %dma_wait3A_750 = arith.constant 0 : i32
    %dma_wait3A_751 = tpu.memref_slice %arg2[%dma_wait3A_749, %dma_wait3A_750] : memref<1000000x64xf32, #tpu.memory_space<hbm>> -> memref<1x64xf32, #tpu.memory_space<hbm>>
    %dma_wait3A_752 = arith.constant 0 : i32
    %dma_wait3A_753 = arith.constant 0 : i32
    %dma_wait3A_754 = tpu.memref_slice %arg6[%dma_wait3A_752, %dma_wait3A_753] : memref<512x64xf32, #tpu.memory_space<vmem>> -> memref<1x64xf32, #tpu.memory_space<vmem>>
    %dma_wait3A_755 = arith.constant 0 : i32
    %dma_wait3A_756 = arith.constant 0 : i32
    %dma_wait3A_757 = tpu.memref_slice %arg2[%dma_wait3A_755, %dma_wait3A_756] : memref<1000000x64xf32, #tpu.memory_space<hbm>> -> memref<1x64xf32, #tpu.memory_space<hbm>>
    tpu.wait_dma2 semaphore(%arg7 : memref<!tpu.dma_semaphore, #tpu.memory_space<semaphore_mem>>) src(%dma_wait3A_757 : memref<1x64xf32, #tpu.memory_space<hbm>>) dst(%dma_wait3A_754 : memref<1x64xf32, #tpu.memory_space<vmem>>)
    %dma_wait3A_758 = arith.constant 0 : i32
    %dma_wait3A_759 = arith.constant 0 : i32
    %dma_wait3A_760 = tpu.memref_slice %arg6[%dma_wait3A_758, %dma_wait3A_759] : memref<512x64xf32, #tpu.memory_space<vmem>> -> memref<1x64xf32, #tpu.memory_space<vmem>>
    %dma_wait3A_761 = arith.constant 0 : i32
    %dma_wait3A_762 = arith.constant 0 : i32
    %dma_wait3A_763 = tpu.memref_slice %arg2[%dma_wait3A_761, %dma_wait3A_762] : memref<1000000x64xf32, #tpu.memory_space<hbm>> -> memref<1x64xf32, #tpu.memory_space<hbm>>
    %dma_wait3A_764 = arith.constant 0 : i32
    %dma_wait3A_765 = arith.constant 0 : i32
    %dma_wait3A_766 = tpu.memref_slice %arg6[%dma_wait3A_764, %dma_wait3A_765] : memref<512x64xf32, #tpu.memory_space<vmem>> -> memref<1x64xf32, #tpu.memory_space<vmem>>
    %dma_wait3A_767 = arith.constant 0 : i32
    %dma_wait3A_768 = arith.constant 0 : i32
    %dma_wait3A_769 = tpu.memref_slice %arg2[%dma_wait3A_767, %dma_wait3A_768] : memref<1000000x64xf32, #tpu.memory_space<hbm>> -> memref<1x64xf32, #tpu.memory_space<hbm>>
    tpu.wait_dma2 semaphore(%arg7 : memref<!tpu.dma_semaphore, #tpu.memory_space<semaphore_mem>>) src(%dma_wait3A_769 : memref<1x64xf32, #tpu.memory_space<hbm>>) dst(%dma_wait3A_766 : memref<1x64xf32, #tpu.memory_space<vmem>>)
    %dma_wait3A_770 = arith.constant 0 : i32
    %dma_wait3A_771 = arith.constant 0 : i32
    %dma_wait3A_772 = tpu.memref_slice %arg6[%dma_wait3A_770, %dma_wait3A_771] : memref<512x64xf32, #tpu.memory_space<vmem>> -> memref<1x64xf32, #tpu.memory_space<vmem>>
    %dma_wait3A_773 = arith.constant 0 : i32
    %dma_wait3A_774 = arith.constant 0 : i32
    %dma_wait3A_775 = tpu.memref_slice %arg2[%dma_wait3A_773, %dma_wait3A_774] : memref<1000000x64xf32, #tpu.memory_space<hbm>> -> memref<1x64xf32, #tpu.memory_space<hbm>>
    %dma_wait3A_776 = arith.constant 0 : i32
    %dma_wait3A_777 = arith.constant 0 : i32
    %dma_wait3A_778 = tpu.memref_slice %arg6[%dma_wait3A_776, %dma_wait3A_777] : memref<512x64xf32, #tpu.memory_space<vmem>> -> memref<1x64xf32, #tpu.memory_space<vmem>>
    %dma_wait3A_779 = arith.constant 0 : i32
    %dma_wait3A_780 = arith.constant 0 : i32
    %dma_wait3A_781 = tpu.memref_slice %arg2[%dma_wait3A_779, %dma_wait3A_780] : memref<1000000x64xf32, #tpu.memory_space<hbm>> -> memref<1x64xf32, #tpu.memory_space<hbm>>
    tpu.wait_dma2 semaphore(%arg7 : memref<!tpu.dma_semaphore, #tpu.memory_space<semaphore_mem>>) src(%dma_wait3A_781 : memref<1x64xf32, #tpu.memory_space<hbm>>) dst(%dma_wait3A_778 : memref<1x64xf32, #tpu.memory_space<vmem>>)
    %dma_wait3A_782 = arith.constant 0 : i32
    %dma_wait3A_783 = arith.constant 0 : i32
    %dma_wait3A_784 = tpu.memref_slice %arg6[%dma_wait3A_782, %dma_wait3A_783] : memref<512x64xf32, #tpu.memory_space<vmem>> -> memref<1x64xf32, #tpu.memory_space<vmem>>
    %dma_wait3A_785 = arith.constant 0 : i32
    %dma_wait3A_786 = arith.constant 0 : i32
    %dma_wait3A_787 = tpu.memref_slice %arg2[%dma_wait3A_785, %dma_wait3A_786] : memref<1000000x64xf32, #tpu.memory_space<hbm>> -> memref<1x64xf32, #tpu.memory_space<hbm>>
    %dma_wait3A_788 = arith.constant 0 : i32
    %dma_wait3A_789 = arith.constant 0 : i32
    %dma_wait3A_790 = tpu.memref_slice %arg6[%dma_wait3A_788, %dma_wait3A_789] : memref<512x64xf32, #tpu.memory_space<vmem>> -> memref<1x64xf32, #tpu.memory_space<vmem>>
    %dma_wait3A_791 = arith.constant 0 : i32
    %dma_wait3A_792 = arith.constant 0 : i32
    %dma_wait3A_793 = tpu.memref_slice %arg2[%dma_wait3A_791, %dma_wait3A_792] : memref<1000000x64xf32, #tpu.memory_space<hbm>> -> memref<1x64xf32, #tpu.memory_space<hbm>>
    tpu.wait_dma2 semaphore(%arg7 : memref<!tpu.dma_semaphore, #tpu.memory_space<semaphore_mem>>) src(%dma_wait3A_793 : memref<1x64xf32, #tpu.memory_space<hbm>>) dst(%dma_wait3A_790 : memref<1x64xf32, #tpu.memory_space<vmem>>)
    "tpu.region"() ({
      %run_scoped3A = tpu.sem_alloc : memref<!tpu.dma_semaphore, #tpu.memory_space<semaphore_mem>>
      %dma_start3A_794 = arith.constant 0 : i32
      %dma_start3A_795 = tpu.memref_slice %arg4[%mul3A_2, %dma_start3A_794] : memref<16384x64xf32, #tpu.memory_space<hbm>> -> memref<512x64xf32, #tpu.memory_space<hbm>>
      %dma_start3A_796 = arith.constant 0 : i32
      %dma_start3A_797 = tpu.memref_slice %arg4[%mul3A_2, %dma_start3A_796] : memref<16384x64xf32, #tpu.memory_space<hbm>> -> memref<512x64xf32, #tpu.memory_space<hbm>>
      tpu.enqueue_dma source(%arg6 : memref<512x64xf32, #tpu.memory_space<vmem>>) target(%dma_start3A_797 : memref<512x64xf32, #tpu.memory_space<hbm>>) target_semaphore(%run_scoped3A : memref<!tpu.dma_semaphore, #tpu.memory_space<semaphore_mem>>)
      %dma_wait3A_798 = arith.constant 0 : i32
      %dma_wait3A_799 = tpu.memref_slice %arg4[%mul3A_2, %dma_wait3A_798] : memref<16384x64xf32, #tpu.memory_space<hbm>> -> memref<512x64xf32, #tpu.memory_space<hbm>>
      %dma_wait3A_800 = arith.constant 0 : i32
      %dma_wait3A_801 = tpu.memref_slice %arg4[%mul3A_2, %dma_wait3A_800] : memref<16384x64xf32, #tpu.memory_space<hbm>> -> memref<512x64xf32, #tpu.memory_space<hbm>>
      tpu.wait_dma2 semaphore(%run_scoped3A : memref<!tpu.dma_semaphore, #tpu.memory_space<semaphore_mem>>) src(%arg6 : memref<512x64xf32, #tpu.memory_space<vmem>>) dst(%dma_wait3A_801 : memref<512x64xf32, #tpu.memory_space<hbm>>)
      tpu.yield
    }) : () -> ()
    return
  }
}

module attributes {stable_mosaic.version = 14 : i64} {
  func.func @_mlp_body(%arg0: i32, %arg1: memref<2048x64xf32, #tpu.memory_space<vmem>>, %arg2: memref<2048xi32, #tpu.memory_space<vmem>>, %arg3: memref<64x64xf32, #tpu.memory_space<vmem>>, %arg4: memref<64x64xf32, #tpu.memory_space<vmem>>, %arg5: memref<4x64xf32, #tpu.memory_space<vmem>>, %arg6: memref<1x64xf32, #tpu.memory_space<vmem>>, %arg7: memref<1x64xf32, #tpu.memory_space<vmem>>, %arg8: memref<1x1xf32, #tpu.memory_space<smem>>, %arg9: memref<2048xf32, #tpu.memory_space<vmem>>) attributes {dimension_semantics = [#tpu.dimension_semantics<arbitrary>], iteration_bounds = array<i64: 8>, scalar_prefetch = 0 : i64, scratch_operands = 0 : i64, tpu.core_type = #tpu.core_type<tc>, window_params = [{transform_indices = @transform_0, window_bounds = array<i64: 2048, 64>}, {transform_indices = @transform_1, window_bounds = array<i64: 2048>}, {pipeline_mode = #tpu.pipeline_mode<synchronous>, transform_indices = @transform_2, window_bounds = array<i64: 64, 64>}, {pipeline_mode = #tpu.pipeline_mode<synchronous>, transform_indices = @transform_3, window_bounds = array<i64: 64, 64>}, {pipeline_mode = #tpu.pipeline_mode<synchronous>, transform_indices = @transform_4, window_bounds = array<i64: 4, 64>}, {pipeline_mode = #tpu.pipeline_mode<synchronous>, transform_indices = @transform_5, window_bounds = array<i64: 1, 64>}, {pipeline_mode = #tpu.pipeline_mode<synchronous>, transform_indices = @transform_6, window_bounds = array<i64: 1, 64>}, {transform_indices = @transform_7, window_bounds = array<i64: 1, 1>}, {transform_indices = @transform_8, window_bounds = array<i64: 2048>}]} {
    %get3A = arith.constant 0 : index
    %get3A_0 = arith.constant 0 : index
    %get3A_1 = vector.load %arg1[%get3A, %get3A_0] : memref<2048x64xf32, #tpu.memory_space<vmem>>, vector<2048x64xf32>
    %get3A_2 = arith.constant 0 : index
    %get3A_3 = arith.constant 0 : index
    %get3A_4 = vector.load %arg3[%get3A_2, %get3A_3] : memref<64x64xf32, #tpu.memory_space<vmem>>, vector<64x64xf32>
    %dot_general3A = arith.constant dense<0.000000e+00> : vector<2048x64xf32>
    %dot_general3A_5 = tpu.matmul %get3A_1, %get3A_4, %dot_general3A {dimension_numbers = #tpu.dot_dimension_numbers<[1], [0], [0], [1], [0, 0, 1, 1], [], []>, precision = #tpu.contract_precision<fp32>, transpose_lhs_hint = false} : vector<2048x64xf32>, vector<64x64xf32>, vector<2048x64xf32> -> vector<2048x64xf32>
    %get3A_6 = arith.constant 0 : index
    %get3A_7 = arith.constant 0 : index
    %get3A_8 = vector.load %arg5[%get3A_6, %get3A_7] : memref<4x64xf32, #tpu.memory_space<vmem>>, vector<4x64xf32>
    %get3A_9 = arith.constant 0 : index
    %get3A_10 = arith.constant 0 : index
    %get3A_11 = vector.load %arg4[%get3A_9, %get3A_10] : memref<64x64xf32, #tpu.memory_space<vmem>>, vector<64x64xf32>
    %dot_general3A_12 = arith.constant dense<0.000000e+00> : vector<4x64xf32>
    %dot_general3A_13 = tpu.matmul %get3A_8, %get3A_11, %dot_general3A_12 {dimension_numbers = #tpu.dot_dimension_numbers<[1], [0], [0], [1], [0, 0, 1, 1], [], []>, precision = #tpu.contract_precision<fp32>, transpose_lhs_hint = false} : vector<4x64xf32>, vector<64x64xf32>, vector<4x64xf32> -> vector<4x64xf32>
    %get3A_14 = arith.constant 0 : index
    %get3A_15 = arith.constant 0 : index
    %get3A_16 = vector.load %arg6[%get3A_14, %get3A_15] : memref<1x64xf32, #tpu.memory_space<vmem>>, vector<1x64xf32>
    %add3A = vector.broadcast %get3A_16 : vector<1x64xf32> to vector<4x64xf32>
    %add3A_17 = arith.addf %dot_general3A_13, %add3A : vector<4x64xf32>
    %get3A_18 = arith.constant 0 : index
    %get3A_19 = vector.load %arg2[%get3A_18] : memref<2048xi32, #tpu.memory_space<vmem>>, vector<2048xi32>
    %iota3A = tpu.iota {dimensions = array<i32: 0>} : vector<4x2048xi32>
    %broadcast_in_dim3A = vector.shape_cast %get3A_19 : vector<2048xi32> to vector<1x2048xi32>
    %eq3A = vector.broadcast %broadcast_in_dim3A : vector<1x2048xi32> to vector<4x2048xi32>
    %eq3A_20 = arith.cmpi eq, %iota3A, %eq3A : vector<4x2048xi32>
    %convert_element_type3A = arith.extui %eq3A_20 : vector<4x2048xi1> to vector<4x2048xi32>
    %convert_element_type3A_21 = arith.sitofp %convert_element_type3A : vector<4x2048xi32> to vector<4x2048xf32>
    %dot_general3A_22 = arith.constant dense<0.000000e+00> : vector<2048x64xf32>
    %dot_general3A_23 = tpu.matmul %convert_element_type3A_21, %add3A_17, %dot_general3A_22 {dimension_numbers = #tpu.dot_dimension_numbers<[0], [0], [1], [1], [0, 1, 1, 1], [], []>, precision = #tpu.contract_precision<fp32>, transpose_lhs_hint = false} : vector<4x2048xf32>, vector<4x64xf32>, vector<2048x64xf32> -> vector<2048x64xf32>
    %add3A_24 = arith.addf %dot_general3A_5, %dot_general3A_23 : vector<2048x64xf32>
    %max3A = arith.constant 0.000000e+00 : f32
    %max3A_25 = vector.broadcast %max3A : f32 to vector<2048x64xf32>
    %max3A_26 = arith.maximumf %add3A_24, %max3A_25 : vector<2048x64xf32>
    %get3A_27 = arith.constant 0 : index
    %get3A_28 = arith.constant 0 : index
    %get3A_29 = vector.load %arg7[%get3A_27, %get3A_28] : memref<1x64xf32, #tpu.memory_space<vmem>>, vector<1x64xf32>
    %mul3A = vector.broadcast %get3A_29 : vector<1x64xf32> to vector<2048x64xf32>
    %mul3A_30 = arith.mulf %max3A_26, %mul3A : vector<2048x64xf32>
    %reduce_sum3A = arith.constant dense<0.000000e+00> : vector<2048xf32>
    %reduce_sum3A_31 = vector.multi_reduction <add>, %mul3A_30, %reduce_sum3A [1] : vector<2048x64xf32> to vector<2048xf32>
    %get3A_32 = arith.constant 0 : index
    %get3A_33 = arith.constant 0 : index
    %get3A_34 = memref.load %arg8[%get3A_32, %get3A_33] : memref<1x1xf32, #tpu.memory_space<smem>>
    %add3A_35 = vector.broadcast %get3A_34 : f32 to vector<2048xf32>
    %add3A_36 = arith.addf %reduce_sum3A_31, %add3A_35 : vector<2048xf32>
    %neg3A = arith.constant 0.000000e+00 : f32
    %neg3A_37 = vector.broadcast %neg3A : f32 to vector<2048xf32>
    %neg3A_38 = arith.subf %neg3A_37, %add3A_36 : vector<2048xf32>
    %exp3A = math.exp %neg3A_38 : vector<2048xf32>
    %add3A_39 = arith.constant 1.000000e+00 : f32
    %add3A_40 = vector.broadcast %add3A_39 : f32 to vector<2048xf32>
    %add3A_41 = arith.addf %add3A_40, %exp3A : vector<2048xf32>
    %div3A = arith.constant 1.000000e+00 : f32
    %div3A_42 = vector.broadcast %div3A : f32 to vector<2048xf32>
    %div3A_43 = arith.divf %div3A_42, %add3A_41 : vector<2048xf32>
    %swap3A = arith.constant 0 : index
    %swap3A_44 = vector.load %arg9[%swap3A] : memref<2048xf32, #tpu.memory_space<vmem>>, vector<2048xf32>
    tpu.vector_store %arg9[%swap3A], %div3A_43 {strides = array<i32>} : memref<2048xf32, #tpu.memory_space<vmem>>, vector<2048xf32>,
    return
  }
  func.func @transform_0(%arg0: i32) -> (i32, i32) {
    %c0_i32 = arith.constant 0 : i32
    %c0_i32_0 = arith.constant 0 : i32
    return %arg0, %c0_i32 : i32, i32
  }
  func.func @transform_1(%arg0: i32) -> i32 {
    %c0_i32 = arith.constant 0 : i32
    return %arg0 : i32
  }
  func.func @transform_2(%arg0: i32) -> (i32, i32) {
    %c0_i32 = arith.constant 0 : i32
    %c0_i32_0 = arith.constant 0 : i32
    %c0_i32_1 = arith.constant 0 : i32
    return %c0_i32, %c0_i32_0 : i32, i32
  }
  func.func @transform_3(%arg0: i32) -> (i32, i32) {
    %c0_i32 = arith.constant 0 : i32
    %c0_i32_0 = arith.constant 0 : i32
    %c0_i32_1 = arith.constant 0 : i32
    return %c0_i32, %c0_i32_0 : i32, i32
  }
  func.func @transform_4(%arg0: i32) -> (i32, i32) {
    %c0_i32 = arith.constant 0 : i32
    %c0_i32_0 = arith.constant 0 : i32
    %c0_i32_1 = arith.constant 0 : i32
    return %c0_i32, %c0_i32_0 : i32, i32
  }
  func.func @transform_5(%arg0: i32) -> (i32, i32) {
    %c0_i32 = arith.constant 0 : i32
    %c0_i32_0 = arith.constant 0 : i32
    %c0_i32_1 = arith.constant 0 : i32
    return %c0_i32, %c0_i32_0 : i32, i32
  }
  func.func @transform_6(%arg0: i32) -> (i32, i32) {
    %c0_i32 = arith.constant 0 : i32
    %c0_i32_0 = arith.constant 0 : i32
    %c0_i32_1 = arith.constant 0 : i32
    return %c0_i32, %c0_i32_0 : i32, i32
  }
  func.func @transform_7(%arg0: i32) -> (i32, i32) {
    %c0_i32 = arith.constant 0 : i32
    %c0_i32_0 = arith.constant 0 : i32
    %c0_i32_1 = arith.constant 0 : i32
    return %c0_i32, %c0_i32_0 : i32, i32
  }
  func.func @transform_8(%arg0: i32) -> i32 {
    %c0_i32 = arith.constant 0 : i32
    return %arg0 : i32
  }
}

</mosaic_0001>

<sc_bundles>
// kernel: kernel.4.cloned.1.call-start
scs
__scs_entry_jumppad:
0x0: {  	(pc) =	sbr.rel $0x88, $3  }
0x1: {  	(tag) =	ssettag $0x0;
	lr =	simm.s32 $0x1  }
0x2: {  	[smem:$0x3F99] =	sst lr;
	_ =	strace $0xD0000000  }
0x3: {  	_ = 	snop  }
0x4: {  	_ = 	snop  }
0x5: {  	_ = 	snop  }
0x6: {  	_ = 	snop  }
0x7: {  	_ = 	snop  }
__scs_overlays_trampoline_lowered:
0x8: {  	[smem:$0x3FA8] =	sst s0  }
0x9: {  	[smem:$0x3FA9] =	sst s1  }
0xa: {  	[smem:$0x3FAA] =	sst s2  }
0xb: {  	[smem:$0x3FAB] =	sst s3  }
0xc: {  	[smem:$0x3FAC] =	sst s4  }
0xd: {  	[smem:$0x3FAD] =	sst s5  }
0xe: {  	[smem:$0x3FAE] =	sst s6  }
0xf: {  	[smem:$0x3FAF] =	sst s7  }
0x10: {  	[smem:$0x3FB0] =	sst s8  }
0x11: {  	[smem:$0x3FB1] =	sst s9;
	s0 =	simm.s32 @!p0 $0x0  }
0x12: {  	s1 =	sld [smem:$0x3F97];
	s0 =	simm.s32 @p0 $0x1  }
0x13: {  	[smem:$0x3FB2] =	sst s0;
	s0 =	simm.s32 @!p1 $0x0  }
0x14: {  	s2 =	sld [smem:$0x3F96];
	s0 =	simm.s32 @p1 $0x1  }
0x15: {  	[smem:$0x3FB3] =	sst s0;
	s0 =	simm.s32 @!p2 $0x0  }
0x16: {  	s3 =	sld [smem:$0x3FDB];
	s0 =	simm.s32 @p2 $0x1  }
0x17: {  	s4 =	simm.s32 $0x1BF5;
	[smem:$0x3FB5] =	sst s0  }
0x18: {  	s0 =	sld [smem:$0x3F98];
	_ =	swait.ge [sflag:s4], $0x0  }
0x19: {  	s7 =	sld [smem:$0x3F99]  }
0x1a: {  	s8 =	sadd.s32 $0xFFFFE003, lr  }
0x1b: {  	s9 =	sadd.s32 $0xFFFFFEF7, lr;
	s5 =	simm.s32 $0xFFFFFFFF;
	p2 =	slt.u32 s8, $0xFFFFF086  }
0x1c: {  	p1 =	slt.u32 s9, $0xF7A;
	s5 =	simm.s32 @!p2 $0x0  }
0x1d: {  	s5 =	simm.s32 @p1 $0x1;
	p0 =	seq.s32 s7, s2  }
0x1e: {  	s7 =	smul.u32 @!p0 $0xF7A, s2;
	p2 =	seq.s32 @!p0 s5, $0x0  }
0x1f: {  	s9 =	smul.u32 $0xF7A, s1;
	s8 =	simm.s32 @!p0 $0x1BF5;
	p2 =	por !p2, p0  }
0x20: {  	[sflag:s8] =	ssyncset.s32 @!p0 $0xFFFFF086;
	s6 =	sadd.s32 @!p0 s3, s7;
	s7 =	simm.s32 @!p0 $0x108  }
0x21: {  	s3 =	sadd.s32 s3, s9;
	s6 =	sadd.s32 @!p0 $0x88, s6;
	s7 =	simm.s32 @p2 $0x1082  }
0x22: {  	[simem:s7], [sflag:s8] =	dma.local @!p0 [hbm:s6], $0xF7A  }
0x23: {  	s9 =	sor.u32 $0xD0000000, s2;
	s6 =	simm.s32 $0x108;
	_ =	swait.ge @!p0 [sflag:s8], $0x0  }
0x24: {  	s3 =	sadd.s32 $0x88, s3;
	s6 =	simm.s32 @!p1 $0x1082;
	[sflag:s4] =	ssyncset.s32 $0xFFFFF086  }
0x25: {  	[simem:s6], [sflag:s4] =	dma.local [hbm:s3], $0xF7A  }
0x26: {  	[smem:$0x3F99] =	sst s1;
	(tag) =	ssettag s2;
	_ =	strace s9  }
0x27: {  	s1 =	sld [smem:$0x3FA9]  }
0x28: {  	s2 =	sld [smem:$0x3FAA]  }
0x29: {  	s4 =	sld [smem:$0x3FAC]  }
0x2a: {  	p0 =	seq.s32 s5, $0x0;
	s5 =	sld [smem:$0x3FAD]  }
0x2b: {  	s6 =	sld [smem:$0x3FAE]  }
0x2c: {  	s7 =	sld [smem:$0x3FAF]  }
0x2d: {  	s3 =	simm.s32 $0x108;
	s8 =	sld [smem:$0x3FB0]  }
0x2e: {  	s3 =	simm.s32 @!p0 $0x1082;
	s9 =	sld [smem:$0x3FB1]  }
0x2f: {  	lr =	sadd.s32 s0, s3;
	s0 =	sld [smem:$0x3FA8]  }
0x30: {  	s3 =	sld [smem:$0x3FAB]  }
0x31: {  	[smem:$0x3FB4] =	sst s10  }
0x32: {  	s10 =	sld [smem:$0x3FB2];
	_ =	sdelay $0x3  }
0x33: {  	p0 =	seq.s32 s10, $0x1;
	s10 =	sld [smem:$0x3FB4];
	_ =	sdelay $0x3  }
0x34: {  	[smem:$0x3FB4] =	sst s10  }
0x35: {  	s10 =	sld [smem:$0x3FB3];
	_ =	sdelay $0x3  }
0x36: {  	p1 =	seq.s32 s10, $0x1;
	s10 =	sld [smem:$0x3FB4];
	_ =	sdelay $0x3  }
0x37: {  	[smem:$0x3FB4] =	sst s10  }
0x38: {  	s10 =	sld [smem:$0x3FB5]  }
0x39: {  	_ = 	snop;
	(pc) =	sbr.ind lr, $3  }
0x3a: {  	_ = 	snop  }
0x3b: {  	_ = 	snop  }
0x3c: {  	p2 =	seq.s32 s10, $0x1;
	s10 =	sld [smem:$0x3FB4]  }
0x3d: {  	_ =	shalt  }
0x3e: {  	_ =	shalt  }
0x3f: {  	_ =	shalt  }
0x40: {  	_ =	shalt  }
0x41: {  	_ =	shalt  }
0x42: {  	_ =	shalt  }
0x43: {  	_ =	shalt  }
0x44: {  	_ =	shalt  }
0x45: {  	_ =	shalt  }
0x46: {  	_ =	shalt  }
0x47: {  	_ =	shalt  }
0x48: {  	_ =	shalt  }
0x49: {  	_ =	shalt  }
0x4a: {  	_ =	shalt  }
0x4b: {  	_ =	shalt  }
0x4c: {  	_ =	shalt  }
0x4d: {  	_ =	shalt  }
0x4e: {  	_ =	shalt  }
0x4f: {  	_ =	shalt  }
0x50: {  	_ =	shalt  }
0x51: {  	_ =	shalt  }
0x52: {  	_ =	shalt  }
0x53: {  	_ =	shalt  }
0x54: {  	_ =	shalt  }
0x55: {  	_ =	shalt  }
0x56: {  	_ =	shalt  }
0x57: {  	_ =	shalt  }
0x58: {  	_ =	shalt  }
0x59: {  	_ =	shalt  }
0x5a: {  	_ =	shalt  }
0x5b: {  	_ =	shalt  }
0x5c: {  	_ =	shalt  }
0x5d: {  	_ =	shalt  }
0x5e: {  	_ =	shalt  }
0x5f: {  	_ =	shalt  }
0x60: {  	_ =	shalt  }
0x61: {  	_ =	shalt  }
0x62: {  	_ =	shalt  }
0x63: {  	_ =	shalt  }
0x64: {  	_ =	shalt  }
0x65: {  	_ =	shalt  }
0x66: {  	_ =	shalt  }
0x67: {  	_ =	shalt  }
0x68: {  	_ =	shalt  }
0x69: {  	_ =	shalt  }
0x6a: {  	_ =	shalt  }
0x6b: {  	_ =	shalt  }
0x6c: {  	_ =	shalt  }
0x6d: {  	_ =	shalt  }
0x6e: {  	_ =	shalt  }
0x6f: {  	_ =	shalt  }
0x70: {  	_ =	shalt  }
0x71: {  	_ =	shalt  }
0x72: {  	_ =	shalt  }
0x73: {  	_ =	shalt  }
0x74: {  	_ =	shalt  }
0x75: {  	_ =	shalt  }
0x76: {  	_ =	shalt  }
0x77: {  	_ =	shalt  }
0x78: {  	_ =	shalt  }
0x79: {  	_ =	shalt  }
0x7a: {  	_ =	shalt  }
0x7b: {  	_ =	shalt  }
0x7c: {  	_ =	shalt  }
0x7d: {  	_ =	shalt  }
0x7e: {  	_ =	shalt  }
0x7f: {  	_ =	shalt  }
0x80: {  	_ =	shalt  }
0x81: {  	_ =	shalt  }
0x82: {  	_ =	shalt  }
0x83: {  	_ =	shalt  }
0x84: {  	_ =	shalt  }
0x85: {  	_ =	shalt  }
0x86: {  	_ =	shalt  }
0x87: {  	_ =	shalt  }
.Lfunc_end0:
.L_simem_size_0:
called_computation_lowered:
.L_overlay_start_0:
0x88: {  	s2 =	sld [smem:$0x3FD9]  }
0x89: {  	s3 =	sld [smem:$0x3FFE];
	_ =	sdelay $0x1  }
0x8a: {  	s1 =	srdreg.scid  }
0x8b: {  	s0 =	sand.u32 $0x1, s1  }
0x8c: {  	s17 =	sshll.u32 s0, $0xA;
	s2 =	sadd.s32 s3, s2  }
0x8d: {  	s2 =	sadd.s32 s2, s17  }
0x8e: {  	[smem:$0x3FC0] =	sst s2  }
0x8f: {  	_ = 	snop  }
0x90: {  	s2 =	sld [smem:$0x3FD0];
	(tm) =	ssettm $0x1  }
0x91: {  	s18 =	sld [smem:$0x3FFB];
	_ =	sdelay $0x3  }
0x92: {  	_ =	strace s18  }
0x93: {  	s3 =	sld [smem:$0x3FFC];
	_ =	sdelay $0x3  }
0x94: {  	_ =	strace s3  }
0x95: {  	s3 =	sld [smem:$0x3FFD];
	_ =	sdelay $0x3  }
0x96: {  	_ =	strace s3  }
0x97: {  	_ =	strace $0x8FFFFFFF  }
0x98: {  	s19 =	sld [smem:$0x3FDB];
	_ =	sdelay $0x1  }
0x99: {  	s4 =	simm.s32 $_scs_section_size  }
0x9a: {  	s5 =	simm.s32 $_size__tile_overlayer_lowered;
	s6 =	simm.s32 $_tile_overlayer_lowered  }
0x9b: {  	s22 =	simm.s32 $0x1BFF;
	s21 =	sshll.u32 s6, $0x1;
	s3 =	sadd.s32 s4, s19  }
0x9c: {  	s7 =	simm.s32 $0x0;
	s20 =	sshll.u32 s5, $0x1;
	s5 =	sadd.s32 s21, s3  }
0x9d: {  	[timem:s7], [sflag:s22] =	dma.local [hbm:s5], s20  }
0x9e: {  	_ =	swait.ge [sflag:s22], s20  }
0x9f: {  	s4 =	ssub.s32 $0x0, s20;
	[sflag:s22] =	ssyncset.done $0x0  }
0xa0: {  	[sflag:s22] =	ssyncadd.s32 s4;
	_ =	sdelay $0x1  }
0xa1: {  	s23 =	simm.s32 $0x1B8B  }
0xa2: {  	_ =	swait.ge [sflag:s23], $0x1  }
0xa3: {  	[sflag:s23] =	ssyncset.done $0x0  }
0xa4: {  	s25 =	simm.s32 $0x1B8E;
	s24 =	sld [smem:$0x3FFE];
	[sflag:s23] =	ssyncadd.s32 $0xFFFFFFFF  }
0xa5: {  	s26 =	simm.s32 $execute0_lowered;
	[smem:$0x3FD2] =	sst s25  }
0xa6: {  	s5 =	sshll.u32 s26, $0x1;
	_ =	strace $0x80000046;
	[dreg:$0x1] =	wrdreg $0xFFFFFFFF  }
0xa7: {  	s28 =	simm.s32 $_size_execute0_lowered;
	s3 =	sadd.s32 s3, s5;
	[dreg:$0x0] =	wrdreg $0x0  }
0xa8: {  	s5 =	sshll.u32 s28, $0x1;
	[dreg:$0x2] =	wrdreg s3  }
0xa9: {  	[dreg:$0x3] =	wrdreg s5  }
0xaa: {  	[dreg:$0x4] =	wrdreg $0xC0  }
0xab: {  	_ =	task [dreg:s7], $0x5FFFF  }
0xac: {  	[dreg:$0x1] =	wrdreg $0xFFFFFFFF  }
0xad: {  	[dreg:$0x0] =	wrdreg $0x60  }
0xae: {  	[dreg:$0x2] =	wrdreg s24  }
0xaf: {  	[dreg:$0x3] =	wrdreg s2  }
0xb0: {  	[dreg:$0x4] =	wrdreg $0x9  }
0xb1: {  	_ =	task.clear_ibuf [dreg:s7], $0x5FFFF;
	_ =	strace $0x90000046  }
0xb2: {  	s29 =	simm.s32 $0x9;
	_ =	strace $0x80000048  }
0xb3: {  	_ =	swait.ge [sflag:s29], $0x1  }
0xb4: {  	[sflag:s29] =	ssyncadd.s32 $0xFFFFFFFF  }
0xb5: {  	_ =	strace $0x90000048  }
0xb6: {  	_ =	sfence  }
0xb7: {  	s30 =	sld [smem:$0x0];
	_ =	sdelay $0x2  }
0xb8: {  	s31 =	sshll.u32 s1, $0xD;
	s1 =	sshrl.u32 s1, $0x2  }
0xb9: {  	s3 =	sand.u32 $0x4000, s31;
	s1 =	sadd.s32 s1, s30  }
0xba: {  	s0 =	sor.u32 s3, s0;
	s1 =	sshll.u32 s1, $0x11  }
0xbb: {  	s0 =	sor.u32 s1, s0  }
0xbc: {  	s0 =	sadd.s32 $0x8F2B, s0  }
0xbd: {  	[sflag:s0] =	ssyncadd.remote.s32 $0x1  }
0xbe: {  	_ =	sfence.sel $0xFFFF  }
0xbf: {  	[dreg:$0x0] =	wrdreg $0xFFFFFFFF;
	(pc) =	sbr.abs _section_cstart, $3  }
0xc0: {  	[dreg:$0x1] =	wrdreg $0xFFFFFFFF  }
0xc1: {  	_ =	task.clear_ibuf [dreg:s7], $0x2FFFF;
	_ =	strace $0x9FFFFFFF  }
0xc2: {  	(tm) =	ssettm $0x7FFFFFFF  }
0xc3: {  	_ =	shalt  }
tec
execute0_lowered:
.L_overlay_start_1:
0x0: {  	(tag) =	ssettag $0x1  }
0x1: {  	s0 =	rddreg [dreg:$0x0]  }
0x2: {  	s1 =	rddreg [dreg:$0x1];
	s3 =	srdreg.scid;
	s2 =	simm.s32 $0x0  }
0x3: {  	s5 =	stileid.u32;
	s7 =	simm.s32 $0x2;
	s16 =	simm.s32 $0x1  }
0x4: {  	s17 =	simm.s32 $0x0;
	s4 =	sand.u32 $0x1, s3;
	[smem:$0x7FF] =	sst s2  }
0x5: {  	s29 =	sshll.u32 s5, $0xA;
	s3 =	sadd.s32 $0x1000, s0;
	s30 =	sshll.u32 s4, $0x9  }
0x6: {  	_ =	strace $0x80000047;
	s4 =	ssub.s32 $0x2, s4;
	s5 =	sor.u32 s30, s29  }
0x7: {  	s31 =	sshrl.u32 s4, $0x1;
	s6 =	sshll.u32 s5, $0x4;
	s5 =	sshrl.u32 s5, $0x3  }
0x8: {  	s0 =	sadd.s32 s6, s0;
	s6 =	ssub.s32 s4, s31;
	s4 =	sadd.s32 s1, s5  }
0x9: {  	s5 =	sadd.s32 $0xF43400, s0;
	s6 =	smax.u32 s6, $0x1;
	s0 =	simm.s32 $0x200  }
.LBB2_1:
0xa: {  	[tilespmem:s2], [sflag:$0x2] =	stream.linear.gather [hbm4b:s4+s2], $0x200, $0x38;
	[tilespmem:$0x10200] =	vst v63  }
0xb: {  	_ =	swait.ge [sflag:s7], $0x200  }
0xc: {  	[sflag:s7] =	ssyncset.done $0x0  }
0xd: {  	[sflag:s7] =	ssyncadd.s32 $0xFFFFFE00  }
0xe: {  	v0 =	vld [tilespmem:$0x0];
	_ =	sdelay $0x4  }
0xf: {  	v0 =	vshll.u32 v0, $0x4  }
0x10: {  	(v2sf) =	vpush v0, $0x0;
	_ =	sdelay $0x3  }
0x11: {  	(v2sf) =	vpush v0, $0x1;
	_ =	sdelay $0x1  }
0x12: {  	(v2sf) =	vpush v0, $0x2;
	_ =	sdelay $0x1  }
0x13: {  	(v2sf) =	vpush v0, $0x3  }
0x14: {  	(v2sf) =	vpush v0, $0x4;
	_ =	sdelay $0x1  }
0x15: {  	(v2sf) =	vpush v0, $0x5  }
0x16: {  	(v2sf) =	vpush v0, $0x6;
	_ =	sdelay $0x2  }
0x17: {  	(v2sf) =	vpush v0, $0x7;
	s18 =	spop (v2sf)  }
0x18: {  	s18 =	sand.u32 $0x1FFFFFF0, s18  }
0x19: {  	s18 =	sadd.s32 s3, s18  }
0x1a: {  	[tilespmem:s0], [sflag:$0x1] =	stream.linear.gather [hbm4b:s18+s2], $0x80, $0x38;
	[tilespmem:$0x10200] =	vst v63  }
0x1b: {  	s0 =	spop (v2sf)  }
0x1c: {  	s18 =	sand.u32 $0x1FFFFFF0, s0  }
0x1d: {  	s1 =	simm.s32 $0x280;
	s8 =	spop (v2sf);
	s18 =	sadd.s32 s3, s18  }
0x1e: {  	[tilespmem:s1], [sflag:$0x1] =	stream.linear.gather [hbm4b:s18+s2], $0x80, $0x38;
	[tilespmem:$0x10200] =	vst v63  }
0x1f: {  	s10 =	spop (v2sf);
	s18 =	sand.u32 $0x1FFFFFF0, s8  }
0x20: {  	s9 =	simm.s32 $0x300;
	s12 =	spop (v2sf);
	(v2sf) =	vpush v0, $0x8;
	s18 =	sadd.s32 s3, s18  }
0x21: {  	[tilespmem:s9], [sflag:$0x1] =	stream.linear.gather [hbm4b:s18+s2], $0x80, $0x38;
	[tilespmem:$0x10200] =	vst v63  }
0x22: {  	s14 =	spop (v2sf);
	(v2sf) =	vpush v0, $0x9;
	s18 =	sand.u32 $0x1FFFFFF0, s10  }
0x23: {  	s11 =	simm.s32 $0x380;
	s19 =	spop (v2sf);
	s18 =	sadd.s32 s3, s18  }
0x24: {  	(v2sf) =	vpush v0, $0xA;
	[tilespmem:s11], [sflag:$0x1] =	stream.linear.gather [hbm4b:s18+s2], $0x80, $0x38;
	[tilespmem:$0x10200] =	vst v63  }
0x25: {  	s18 =	sand.u32 $0x1FFFFFF0, s12  }
0x26: {  	s13 =	simm.s32 $0x400;
	s21 =	spop (v2sf);
	s18 =	sadd.s32 s3, s18  }
0x27: {  	(v2sf) =	vpush v0, $0xB;
	[tilespmem:s13], [sflag:$0x1] =	stream.linear.gather [hbm4b:s18+s2], $0x80, $0x38;
	[tilespmem:$0x10200] =	vst v63  }
0x28: {  	s18 =	sand.u32 $0x1FFFFFF0, s14  }
0x29: {  	s15 =	simm.s32 $0x480;
	s18 =	sadd.s32 s3, s18  }
0x2a: {  	[tilespmem:s15], [sflag:$0x1] =	stream.linear.gather [hbm4b:s18+s2], $0x80, $0x38;
	[tilespmem:$0x10200] =	vst v63  }
0x2b: {  	s18 =	sand.u32 $0x1FFFFFF0, s19  }
0x2c: {  	s20 =	simm.s32 $0x500;
	s18 =	sadd.s32 s3, s18  }
0x2d: {  	[tilespmem:s20], [sflag:$0x1] =	stream.linear.gather [hbm4b:s18+s2], $0x80, $0x38;
	[tilespmem:$0x10200] =	vst v63  }
0x2e: {  	s18 =	sand.u32 $0x1FFFFFF0, s21  }
0x2f: {  	s22 =	simm.s32 $0x580;
	s18 =	sadd.s32 s3, s18;
	s23 =	spop (v2sf);
	(v2sf) =	vpush v0, $0xC  }
0x30: {  	[tilespmem:s22], [sflag:$0x1] =	stream.linear.gather [hbm4b:s18+s2], $0x80, $0x38;
	[tilespmem:$0x10200] =	vst v63  }
0x31: {  	s25 =	spop (v2sf);
	(v2sf) =	vpush v0, $0xD  }
0x32: {  	s18 =	sand.u32 $0x1FFFFFF0, s23  }
0x33: {  	s24 =	simm.s32 $0x600;
	s18 =	sadd.s32 s3, s18;
	s28 =	spop (v2sf)  }
0x34: {  	(v2sf) =	vpush v0, $0xE;
	[tilespmem:s24], [sflag:$0x1] =	stream.linear.gather [hbm4b:s18+s2], $0x80, $0x38;
	[tilespmem:$0x10200] =	vst v63  }
0x35: {  	s18 =	sand.u32 $0x1FFFFFF0, s25  }
0x36: {  	s26 =	simm.s32 $0x680;
	s30 =	spop (v2sf);
	s18 =	sadd.s32 s3, s18  }
0x37: {  	(v2sf) =	vpush v0, $0xF;
	[tilespmem:s26], [sflag:$0x1] =	stream.linear.gather [hbm4b:s18+s2], $0x80, $0x38;
	[tilespmem:$0x10200] =	vst v63  }
0x38: {  	s18 =	sand.u32 $0x1FFFFFF0, s28  }
0x39: {  	s29 =	simm.s32 $0x700;
	s18 =	sadd.s32 s3, s18  }
0x3a: {  	[tilespmem:s29], [sflag:$0x1] =	stream.linear.gather [hbm4b:s18+s2], $0x80, $0x38;
	[tilespmem:$0x10200] =	vst v63  }
0x3b: {  	s18 =	sand.u32 $0x1FFFFFF0, s30  }
0x3c: {  	s31 =	simm.s32 $0x780;
	s18 =	sadd.s32 s3, s18  }
0x3d: {  	[tilespmem:s31], [sflag:$0x1] =	stream.linear.gather [hbm4b:s18+s2], $0x80, $0x38;
	[tilespmem:$0x10200] =	vst v63  }
0x3e: {  	s0 =	spop (v2sf)  }
0x3f: {  	s18 =	sand.u32 $0x1FFFFFF0, s0  }
0x40: {  	s1 =	simm.s32 $0x800;
	s8 =	spop (v2sf);
	s18 =	sadd.s32 s3, s18  }
0x41: {  	[tilespmem:s1], [sflag:$0x1] =	stream.linear.gather [hbm4b:s18+s2], $0x80, $0x38;
	[tilespmem:$0x10200] =	vst v63  }
0x42: {  	s18 =	sand.u32 $0x1FFFFFF0, s8  }
0x43: {  	s9 =	simm.s32 $0x880;
	s10 =	spop (v2sf);
	s18 =	sadd.s32 s3, s18  }
0x44: {  	[tilespmem:s9], [sflag:$0x1] =	stream.linear.gather [hbm4b:s18+s2], $0x80, $0x38;
	[tilespmem:$0x10200] =	vst v63  }
0x45: {  	s18 =	sand.u32 $0x1FFFFFF0, s10  }
0x46: {  	s11 =	simm.s32 $0x900;
	s12 =	spop (v2sf);
	s18 =	sadd.s32 s3, s18  }
0x47: {  	[tilespmem:s11], [sflag:$0x1] =	stream.linear.gather [hbm4b:s18+s2], $0x80, $0x38;
	[tilespmem:$0x10200] =	vst v63  }
0x48: {  	s18 =	sand.u32 $0x1FFFFFF0, s12  }
0x49: {  	s13 =	simm.s32 $0x980;
	s18 =	sadd.s32 s3, s18  }
0x4a: {  	[tilespmem:s13], [sflag:$0x1] =	stream.linear.gather [hbm4b:s18+s2], $0x80, $0x38;
	[tilespmem:$0x10200] =	vst v63  }
0x4b: {  	v62 =	vld [tilespmem:$0x10];
	_ =	sdelay $0x4  }
0x4c: {  	v0 =	vshll.u32 v62, $0x4  }
0x4d: {  	(v2sf) =	vpush v0, $0x0;
	_ =	sdelay $0x1  }
0x4e: {  	(v2sf) =	vpush v0, $0x1;
	_ =	sdelay $0x1  }
0x4f: {  	(v2sf) =	vpush v0, $0x2;
	_ =	sdelay $0x2  }
0x50: {  	(v2sf) =	vpush v0, $0x3;
	_ =	sdelay $0x7  }
0x51: {  	s14 =	spop (v2sf);
	(v2sf) =	vpush v0, $0x4;
	_ =	sdelay $0x1  }
0x52: {  	s19 =	spop (v2sf);
	(v2sf) =	vpush v0, $0x5;
	_ =	sdelay $0x1  }
0x53: {  	s21 =	spop (v2sf);
	(v2sf) =	vpush v0, $0x6;
	_ =	sdelay $0x1  }
0x54: {  	s18 =	sand.u32 $0x1FFFFFF0, s14  }
0x55: {  	s15 =	simm.s32 $0xA00;
	s18 =	sadd.s32 s3, s18;
	s23 =	spop (v2sf);
	(v2sf) =	vpush v0, $0x7  }
0x56: {  	[tilespmem:s15], [sflag:$0x1] =	stream.linear.gather [hbm4b:s18+s2], $0x80, $0x38;
	[tilespmem:$0x10200] =	vst v63  }
0x57: {  	s18 =	sand.u32 $0x1FFFFFF0, s19  }
0x58: {  	s20 =	simm.s32 $0xA80;
	s18 =	sadd.s32 s3, s18  }
0x59: {  	[tilespmem:s20], [sflag:$0x1] =	stream.linear.gather [hbm4b:s18+s2], $0x80, $0x38;
	[tilespmem:$0x10200] =	vst v63  }
0x5a: {  	s18 =	sand.u32 $0x1FFFFFF0, s21  }
0x5b: {  	s22 =	simm.s32 $0xB00;
	s18 =	sadd.s32 s3, s18  }
0x5c: {  	[tilespmem:s22], [sflag:$0x1] =	stream.linear.gather [hbm4b:s18+s2], $0x80, $0x38;
	[tilespmem:$0x10200] =	vst v63  }
0x5d: {  	s25 =	spop (v2sf);
	(v2sf) =	vpush v0, $0x8  }
0x5e: {  	s18 =	sand.u32 $0x1FFFFFF0, s23  }
0x5f: {  	s24 =	simm.s32 $0xB80;
	s18 =	sadd.s32 s3, s18;
	s28 =	spop (v2sf);
	(v2sf) =	vpush v0, $0x9  }
0x60: {  	[tilespmem:s24], [sflag:$0x1] =	stream.linear.gather [hbm4b:s18+s2], $0x80, $0x38;
	[tilespmem:$0x10200] =	vst v63  }
0x61: {  	s18 =	sand.u32 $0x1FFFFFF0, s25;
	s30 =	spop (v2sf);
	(v2sf) =	vpush v0, $0xA  }
0x62: {  	s26 =	simm.s32 $0xC00;
	s18 =	sadd.s32 s3, s18  }
0x63: {  	[tilespmem:s26], [sflag:$0x1] =	stream.linear.gather [hbm4b:s18+s2], $0x80, $0x38;
	[tilespmem:$0x10200] =	vst v63  }
0x64: {  	s0 =	spop (v2sf);
	(v2sf) =	vpush v0, $0xB  }
0x65: {  	s18 =	sand.u32 $0x1FFFFFF0, s28  }
0x66: {  	s29 =	simm.s32 $0xC80;
	s18 =	sadd.s32 s3, s18  }
0x67: {  	[tilespmem:s29], [sflag:$0x1] =	stream.linear.gather [hbm4b:s18+s2], $0x80, $0x38;
	[tilespmem:$0x10200] =	vst v63  }
0x68: {  	s18 =	sand.u32 $0x1FFFFFF0, s30  }
0x69: {  	s31 =	simm.s32 $0xD00;
	s18 =	sadd.s32 s3, s18  }
0x6a: {  	[tilespmem:s31], [sflag:$0x1] =	stream.linear.gather [hbm4b:s18+s2], $0x80, $0x38;
	[tilespmem:$0x10200] =	vst v63  }
0x6b: {  	s18 =	sand.u32 $0x1FFFFFF0, s0  }
0x6c: {  	s1 =	simm.s32 $0xD80;
	s18 =	sadd.s32 s3, s18;
	s8 =	spop (v2sf);
	(v2sf) =	vpush v0, $0xC  }
0x6d: {  	[tilespmem:s1], [sflag:$0x1] =	stream.linear.gather [hbm4b:s18+s2], $0x80, $0x38;
	[tilespmem:$0x10200] =	vst v63  }
0x6e: {  	s10 =	spop (v2sf);
	(v2sf) =	vpush v0, $0xD  }
0x6f: {  	s18 =	sand.u32 $0x1FFFFFF0, s8  }
0x70: {  	s9 =	simm.s32 $0xE00;
	s18 =	sadd.s32 s3, s18;
	s12 =	spop (v2sf)  }
0x71: {  	(v2sf) =	vpush v0, $0xE;
	[tilespmem:s9], [sflag:$0x1] =	stream.linear.gather [hbm4b:s18+s2], $0x80, $0x38;
	[tilespmem:$0x10200] =	vst v63  }
0x72: {  	s18 =	sand.u32 $0x1FFFFFF0, s10  }
0x73: {  	s11 =	simm.s32 $0xE80;
	s14 =	spop (v2sf);
	s18 =	sadd.s32 s3, s18  }
0x74: {  	(v2sf) =	vpush v0, $0xF;
	[tilespmem:s11], [sflag:$0x1] =	stream.linear.gather [hbm4b:s18+s2], $0x80, $0x38;
	[tilespmem:$0x10200] =	vst v63  }
0x75: {  	s18 =	sand.u32 $0x1FFFFFF0, s12  }
0x76: {  	s13 =	simm.s32 $0xF00;
	s18 =	sadd.s32 s3, s18  }
0x77: {  	[tilespmem:s13], [sflag:$0x1] =	stream.linear.gather [hbm4b:s18+s2], $0x80, $0x38;
	[tilespmem:$0x10200] =	vst v63  }
0x78: {  	s18 =	sand.u32 $0x1FFFFFF0, s14  }
0x79: {  	s15 =	simm.s32 $0xF80;
	s18 =	sadd.s32 s3, s18  }
0x7a: {  	[tilespmem:s15], [sflag:$0x1] =	stream.linear.gather [hbm4b:s18+s2], $0x80, $0x38;
	[tilespmem:$0x10200] =	vst v63  }
0x7b: {  	s19 =	spop (v2sf)  }
0x7c: {  	s18 =	sand.u32 $0x1FFFFFF0, s19  }
0x7d: {  	s20 =	simm.s32 $0x1000;
	s21 =	spop (v2sf);
	s18 =	sadd.s32 s3, s18  }
0x7e: {  	[tilespmem:s20], [sflag:$0x1] =	stream.linear.gather [hbm4b:s18+s2], $0x80, $0x38;
	[tilespmem:$0x10200] =	vst v63  }
0x7f: {  	s18 =	sand.u32 $0x1FFFFFF0, s21  }
0x80: {  	s22 =	simm.s32 $0x1080;
	s23 =	spop (v2sf);
	s18 =	sadd.s32 s3, s18  }
0x81: {  	[tilespmem:s22], [sflag:$0x1] =	stream.linear.gather [hbm4b:s18+s2], $0x80, $0x38;
	[tilespmem:$0x10200] =	vst v63  }
0x82: {  	s18 =	sand.u32 $0x1FFFFFF0, s23  }
0x83: {  	s24 =	simm.s32 $0x1100;
	s25 =	spop (v2sf);
	s18 =	sadd.s32 s3, s18  }
0x84: {  	[tilespmem:s24], [sflag:$0x1] =	stream.linear.gather [hbm4b:s18+s2], $0x80, $0x38;
	[tilespmem:$0x10200] =	vst v63  }
0x85: {  	s18 =	sand.u32 $0x1FFFFFF0, s25  }
0x86: {  	s26 =	simm.s32 $0x1180;
	s28 =	simm.s32 $0x80;
	s18 =	sadd.s32 s3, s18  }
0x87: {  	[tilespmem:s26], [sflag:$0x1] =	stream.linear.gather [hbm4b:s18+s2], $0x80, $0x38;
	[tilespmem:$0x10200] =	vst v63  }
0x88: {  	s19 =	simm.s32 $0x20;
	s18 =	sand.u32 $0x600, s28  }
0x89: {  	s19 =	sand.u32 $0x70, s19;
	s18 =	sshrl.u32 s18, $0x2  }
0x8a: {  	s18 =	sor.u32 s19, s18  }
0x8b: {  	v63 =	vld [tilespmem:s18+$0x0];
	_ =	sdelay $0x4  }
0x8c: {  	v0 =	vshll.u32 v63, $0x4  }
0x8d: {  	(v2sf) =	vpush v0, $0x0  }
0x8e: {  	(v2sf) =	vpush v0, $0x1  }
0x8f: {  	(v2sf) =	vpush v0, $0x2;
	_ =	sdelay $0x1  }
0x90: {  	(v2sf) =	vpush v0, $0x3  }
0x91: {  	(v2sf) =	vpush v0, $0x4;
	_ =	sdelay $0x1  }
0x92: {  	(v2sf) =	vpush v0, $0x5;
	_ =	sdelay $0x1  }
0x93: {  	(v2sf) =	vpush v0, $0x6;
	_ =	sdelay $0x1  }
0x94: {  	(v2sf) =	vpush v0, $0x7;
	_ =	sdelay $0x1  }
0x95: {  	s29 =	simm.s32 $0x1280;
	s31 =	simm.s32 $0x1400  }
0x96: {  	s1 =	simm.s32 $0x1300;
	s10 =	simm.s32 $0x1480;
	s20 =	simm.s32 $0x1380  }
0x97: {  	s22 =	simm.s32 $0x1200;
	s25 =	simm.s32 $0x1580;
	s30 =	spop (v2sf)  }
0x98: {  	s28 =	simm.s32 $0x1600;
	s19 =	sand.u32 $0x1FFFFFF0, s30;
	s21 =	spop (v2sf)  }
0x99: {  	(v2sf) =	vpush v0, $0x8;
	s19 =	sadd.s32 s3, s19;
	s21 =	sand.u32 $0x1FFFFFF0, s21;
	s0 =	spop (v2sf)  }
0x9a: {  	(v2sf) =	vpush v0, $0x9;
	[tilespmem:s22], [sflag:$0x1] =	stream.linear.gather [hbm4b:s19+s2], $0x80, $0x38;
	[tilespmem:$0x10200] =	vst v63  }
0x9b: {  	s21 =	sadd.s32 s3, s21;
	s8 =	sand.u32 $0x1FFFFFF0, s0;
	s9 =	spop (v2sf)  }
0x9c: {  	(v2sf) =	vpush v0, $0xA;
	s19 =	simm.s32 $0x1880;
	s22 =	sand.u32 $0x1FFFFFF0, s9;
	s23 =	spop (v2sf)  }
0x9d: {  	[tilespmem:s29], [sflag:$0x1] =	stream.linear.gather [hbm4b:s21+s2], $0x80, $0x38;
	[tilespmem:$0x10200] =	vst v63  }
0x9e: {  	(v2sf) =	vpush v0, $0xB;
	s21 =	sadd.s32 s3, s8;
	s11 =	sadd.s32 s3, s22;
	s13 =	spop (v2sf)  }
0x9f: {  	[tilespmem:s1], [sflag:$0x1] =	stream.linear.gather [hbm4b:s21+s2], $0x80, $0x38;
	[tilespmem:$0x10200] =	vst v63  }
0xa0: {  	(v2sf) =	vpush v0, $0xC;
	s12 =	sand.u32 $0x1FFFFFF0, s23;
	s8 =	simm.s32 $0x1700;
	s14 =	spop (v2sf)  }
0xa1: {  	[tilespmem:s20], [sflag:$0x1] =	stream.linear.gather [hbm4b:s11+s2], $0x80, $0x38;
	[tilespmem:$0x10200] =	vst v63  }
0xa2: {  	(v2sf) =	vpush v0, $0xD;
	s22 =	sadd.s32 s3, s12;
	s21 =	sand.u32 $0x1FFFFFF0, s13;
	s15 =	spop (v2sf)  }
0xa3: {  	[tilespmem:s31], [sflag:$0x1] =	stream.linear.gather [hbm4b:s22+s2], $0x80, $0x38;
	[tilespmem:$0x10200] =	vst v63  }
0xa4: {  	(v2sf) =	vpush v0, $0xE;
	s21 =	sadd.s32 s3, s21;
	s24 =	sand.u32 $0x1FFFFFF0, s15;
	s22 =	sand.u32 $0x1FFFFFF0, s14  }
0xa5: {  	[tilespmem:s10], [sflag:$0x1] =	stream.linear.gather [hbm4b:s21+s2], $0x80, $0x38;
	[tilespmem:$0x10200] =	vst v63  }
0xa6: {  	(v2sf) =	vpush v0, $0xF;
	s20 =	simm.s32 $0x1800;
	s22 =	sadd.s32 s3, s22;
	s21 =	simm.s32 $0x1500  }
0xa7: {  	[tilespmem:s21], [sflag:$0x1] =	stream.linear.gather [hbm4b:s22+s2], $0x80, $0x38;
	[tilespmem:$0x10200] =	vst v63  }
0xa8: {  	s31 =	simm.s32 $0x1680;
	s10 =	simm.s32 $0x1780;
	s26 =	spop (v2sf)  }
0xa9: {  	s22 =	sadd.s32 s3, s24;
	s21 =	sand.u32 $0x1FFFFFF0, s26;
	s29 =	spop (v2sf)  }
0xaa: {  	[tilespmem:s25], [sflag:$0x1] =	stream.linear.gather [hbm4b:s22+s2], $0x80, $0x38;
	[tilespmem:$0x10200] =	vst v63  }
0xab: {  	s21 =	sadd.s32 s3, s21;
	s22 =	sand.u32 $0x1FFFFFF0, s29;
	s30 =	spop (v2sf)  }
0xac: {  	[tilespmem:s28], [sflag:$0x1] =	stream.linear.gather [hbm4b:s21+s2], $0x80, $0x38;
	[tilespmem:$0x10200] =	vst v63  }
0xad: {  	s0 =	sadd.s32 s3, s22;
	s1 =	sand.u32 $0x1FFFFFF0, s30;
	s9 =	spop (v2sf)  }
0xae: {  	[tilespmem:s31], [sflag:$0x1] =	stream.linear.gather [hbm4b:s0+s2], $0x80, $0x38;
	[tilespmem:$0x10200] =	vst v63  }
0xaf: {  	s22 =	sadd.s32 s3, s1;
	s21 =	sand.u32 $0x1FFFFFF0, s9;
	s11 =	spop (v2sf)  }
0xb0: {  	[tilespmem:s8], [sflag:$0x1] =	stream.linear.gather [hbm4b:s22+s2], $0x80, $0x38;
	[tilespmem:$0x10200] =	vst v63  }
0xb1: {  	s21 =	sadd.s32 s3, s21;
	s12 =	spop (v2sf);
	s22 =	sand.u32 $0x1FFFFFF0, s11  }
0xb2: {  	[tilespmem:s10], [sflag:$0x1] =	stream.linear.gather [hbm4b:s21+s2], $0x80, $0x38;
	[tilespmem:$0x10200] =	vst v63  }
0xb3: {  	s14 =	sand.u32 $0x1FFFFFF0, s12;
	s15 =	spop (v2sf);
	s13 =	sadd.s32 s3, s22  }
0xb4: {  	[tilespmem:s20], [sflag:$0x1] =	stream.linear.gather [hbm4b:s13+s2], $0x80, $0x38;
	[tilespmem:$0x10200] =	vst v63  }
0xb5: {  	s23 =	sand.u32 $0x1FFFFFF0, s15;
	s24 =	spop (v2sf);
	s21 =	sadd.s32 s3, s14  }
0xb6: {  	[tilespmem:s19], [sflag:$0x1] =	stream.linear.gather [hbm4b:s21+s2], $0x80, $0x38;
	[tilespmem:$0x10200] =	vst v63  }
0xb7: {  	s25 =	simm.s32 $0x1900;
	s26 =	sadd.s32 s3, s23;
	s28 =	sand.u32 $0x1FFFFFF0, s24  }
0xb8: {  	[tilespmem:s25], [sflag:$0x1] =	stream.linear.gather [hbm4b:s26+s2], $0x80, $0x38;
	[tilespmem:$0x10200] =	vst v63  }
0xb9: {  	s29 =	simm.s32 $0x1980;
	s30 =	sadd.s32 s3, s28  }
0xba: {  	[tilespmem:s29], [sflag:$0x1] =	stream.linear.gather [hbm4b:s30+s2], $0x80, $0x38;
	[tilespmem:$0x10200] =	vst v63  }
0xbb: {  	_ =	swait.ge [sflag:s16], $0x80  }
0xbc: {  	[sflag:s16] =	ssyncset.done $0x0  }
0xbd: {  	[sflag:s16] =	ssyncadd.s32 $0xFFFFFF80  }
0xbe: {  	_ =	swait.ge [sflag:s16], $0x80  }
0xbf: {  	[sflag:s16] =	ssyncset.done $0x0  }
0xc0: {  	[sflag:s16] =	ssyncadd.s32 $0xFFFFFF80  }
0xc1: {  	_ =	swait.ge [sflag:s16], $0x80  }
0xc2: {  	[sflag:s16] =	ssyncset.done $0x0  }
0xc3: {  	[sflag:s16] =	ssyncadd.s32 $0xFFFFFF80  }
0xc4: {  	_ =	swait.ge [sflag:s16], $0x80  }
0xc5: {  	[sflag:s16] =	ssyncset.done $0x0  }
0xc6: {  	[sflag:s16] =	ssyncadd.s32 $0xFFFFFF80  }
0xc7: {  	_ =	swait.ge [sflag:s16], $0x80  }
0xc8: {  	[sflag:s16] =	ssyncset.done $0x0  }
0xc9: {  	[sflag:s16] =	ssyncadd.s32 $0xFFFFFF80  }
0xca: {  	_ =	swait.ge [sflag:s16], $0x80  }
0xcb: {  	[sflag:s16] =	ssyncset.done $0x0  }
0xcc: {  	[sflag:s16] =	ssyncadd.s32 $0xFFFFFF80  }
0xcd: {  	_ =	swait.ge [sflag:s16], $0x80  }
0xce: {  	[sflag:s16] =	ssyncset.done $0x0  }
0xcf: {  	[sflag:s16] =	ssyncadd.s32 $0xFFFFFF80  }
0xd0: {  	_ =	swait.ge [sflag:s16], $0x80  }
0xd1: {  	[sflag:s16] =	ssyncset.done $0x0  }
0xd2: {  	[sflag:s16] =	ssyncadd.s32 $0xFFFFFF80  }
0xd3: {  	_ =	swait.ge [sflag:s16], $0x80  }
0xd4: {  	[sflag:s16] =	ssyncset.done $0x0  }
0xd5: {  	[sflag:s16] =	ssyncadd.s32 $0xFFFFFF80  }
0xd6: {  	_ =	swait.ge [sflag:s16], $0x80  }
0xd7: {  	[sflag:s16] =	ssyncset.done $0x0  }
0xd8: {  	[sflag:s16] =	ssyncadd.s32 $0xFFFFFF80  }
0xd9: {  	_ =	swait.ge [sflag:s16], $0x80  }
0xda: {  	[sflag:s16] =	ssyncset.done $0x0  }
0xdb: {  	[sflag:s16] =	ssyncadd.s32 $0xFFFFFF80  }
0xdc: {  	_ =	swait.ge [sflag:s16], $0x80  }
0xdd: {  	[sflag:s16] =	ssyncset.done $0x0  }
0xde: {  	s20 =	simm.s32 $0xC0;
	[sflag:s16] =	ssyncadd.s32 $0xFFFFFF80  }
0xdf: {  	s18 =	simm.s32 $0x2000;
	s31 =	sand.u32 $0x600, s20;
	_ =	swait.ge [sflag:s16], $0x80  }
0xe0: {  	s19 =	simm.s32 $0x4000;
	s21 =	simm.s32 $0x30;
	[sflag:s16] =	ssyncset.done $0x0  }
0xe1: {  	s23 =	sshrl.u32 s31, $0x2;
	s22 =	sand.u32 $0x70, s21;
	[sflag:s16] =	ssyncadd.s32 $0xFFFFFF80  }
.LBB2_2:
0xe2: {  	p0 =	sne.s32 s19, $0x3A000;
	s22 =	sor.u32 s22, s23;
	_ =	swait.ge [sflag:s16], $0x80  }
0xe3: {  	s23 =	smov.u32 s19;
	s19 =	sadd.s32 $0x2000, s19;
	[sflag:s16] =	ssyncset.done $0x0  }
0xe4: {  	[sflag:s16] =	ssyncadd.s32 $0xFFFFFF80  }
0xe5: {  	_ =	swait.ge [sflag:s16], $0x80  }
0xe6: {  	[sflag:s16] =	ssyncset.done $0x0  }
0xe7: {  	[sflag:s16] =	ssyncadd.s32 $0xFFFFFF80  }
0xe8: {  	_ =	swait.ge [sflag:s16], $0x80  }
0xe9: {  	[sflag:s16] =	ssyncset.done $0x0  }
0xea: {  	[sflag:s16] =	ssyncadd.s32 $0xFFFFFF80  }
0xeb: {  	v0 =	vld [tilespmem:s22+$0x0];
	_ =	sdelay $0x4  }
0xec: {  	v0 =	vshll.u32 v0, $0x4  }
0xed: {  	(v2sf) =	vpush v0, $0x0  }
0xee: {  	(v2sf) =	vpush v0, $0x1  }
0xef: {  	(v2sf) =	vpush v0, $0x2;
	_ =	sdelay $0x1  }
0xf0: {  	(v2sf) =	vpush v0, $0x3;
	_ =	sdelay $0x1  }
0xf1: {  	(v2sf) =	vpush v0, $0x4;
	_ =	sdelay $0x1  }
0xf2: {  	(v2sf) =	vpush v0, $0x5  }
0xf3: {  	s22 =	sshra.s32 s18, $0x2;
	s18 =	smov.u32 s23  }
0xf4: {  	s30 =	sadd.s32 $0x1280, s22;
	s31 =	sadd.s32 $0x1380, s22;
	s0 =	sadd.s32 $0x1400, s22;
	(v2sf) =	vpush v0, $0x6  }
0xf5: {  	s1 =	sadd.s32 $0x1200, s22;
	s9 =	sadd.s32 $0x1300, s22  }
0xf6: {  	s10 =	sadd.s32 $0x1480, s22;
	(v2sf) =	vpush v0, $0x7  }
0xf7: {  	s25 =	sadd.s32 $0x1800, s22;
	s24 =	sadd.s32 $0x1880, s22;
	s23 =	sadd.s32 $0x1980, s22  }
0xf8: {  	s11 =	sadd.s32 $0x1500, s22;
	s28 =	sadd.s32 $0x1700, s22;
	s26 =	sadd.s32 $0x1780, s22;
	(v2sf) =	vpush v0, $0x8  }
0xf9: {  	s12 =	sadd.s32 $0x1580, s22;
	s29 =	sadd.s32 $0x1680, s22;
	s13 =	spop (v2sf)  }
0xfa: {  	s14 =	sadd.s32 $0x1600, s22;
	s13 =	sand.u32 $0x1FFFFFF0, s13;
	s15 =	spop (v2sf);
	(v2sf) =	vpush v0, $0x9  }
0xfb: {  	s13 =	sadd.s32 s3, s13;
	s15 =	sand.u32 $0x1FFFFFF0, s15;
	s8 =	spop (v2sf)  }
0xfc: {  	[tilespmem:s1], [sflag:$0x1] =	stream.linear.gather [hbm4b:s13+s2], $0x80, $0x38;
	(v2sf) =	vpush v0, $0xA;
	[tilespmem:$0x10200] =	vst v63  }
0xfd: {  	s1 =	sadd.s32 s3, s15;
	s8 =	sand.u32 $0x1FFFFFF0, s8;
	s13 =	spop (v2sf)  }
0xfe: {  	[tilespmem:s30], [sflag:$0x1] =	stream.linear.gather [hbm4b:s1+s2], $0x80, $0x38;
	(v2sf) =	vpush v0, $0xB;
	[tilespmem:$0x10200] =	vst v63  }
0xff: {  	s1 =	sadd.s32 s3, s8;
	s8 =	sand.u32 $0x1FFFFFF0, s13;
	s13 =	spop (v2sf)  }
0x100: {  	[tilespmem:s9], [sflag:$0x1] =	stream.linear.gather [hbm4b:s1+s2], $0x80, $0x38;
	(v2sf) =	vpush v0, $0xC;
	[tilespmem:$0x10200] =	vst v63  }
0x101: {  	s1 =	sadd.s32 s3, s8;
	s8 =	sand.u32 $0x1FFFFFF0, s13;
	s9 =	spop (v2sf)  }
0x102: {  	[tilespmem:s31], [sflag:$0x1] =	stream.linear.gather [hbm4b:s1+s2], $0x80, $0x38;
	(v2sf) =	vpush v0, $0xD;
	[tilespmem:$0x10200] =	vst v63  }
0x103: {  	s1 =	sadd.s32 s3, s8;
	s8 =	sand.u32 $0x1FFFFFF0, s9;
	s9 =	spop (v2sf)  }
0x104: {  	[tilespmem:s0], [sflag:$0x1] =	stream.linear.gather [hbm4b:s1+s2], $0x80, $0x38;
	(v2sf) =	vpush v0, $0xE;
	[tilespmem:$0x10200] =	vst v63  }
0x105: {  	s0 =	sadd.s32 s3, s8;
	s1 =	sand.u32 $0x1FFFFFF0, s9;
	s8 =	spop (v2sf)  }
0x106: {  	[tilespmem:s10], [sflag:$0x1] =	stream.linear.gather [hbm4b:s0+s2], $0x80, $0x38;
	(v2sf) =	vpush v0, $0xF;
	[tilespmem:$0x10200] =	vst v63  }
0x107: {  	s0 =	sadd.s32 s3, s1;
	s1 =	sand.u32 $0x1FFFFFF0, s8;
	s8 =	spop (v2sf)  }
0x108: {  	[tilespmem:s11], [sflag:$0x1] =	stream.linear.gather [hbm4b:s0+s2], $0x80, $0x38;
	[tilespmem:$0x10200] =	vst v63  }
0x109: {  	s0 =	sadd.s32 s3, s1;
	s1 =	sand.u32 $0x1FFFFFF0, s8;
	s8 =	spop (v2sf)  }
0x10a: {  	[tilespmem:s12], [sflag:$0x1] =	stream.linear.gather [hbm4b:s0+s2], $0x80, $0x38;
	[tilespmem:$0x10200] =	vst v63  }
0x10b: {  	s0 =	sadd.s32 s3, s1;
	s1 =	sand.u32 $0x1FFFFFF0, s8;
	s8 =	spop (v2sf)  }
0x10c: {  	[tilespmem:s14], [sflag:$0x1] =	stream.linear.gather [hbm4b:s0+s2], $0x80, $0x38;
	[tilespmem:$0x10200] =	vst v63  }
0x10d: {  	s0 =	sadd.s32 s3, s1;
	s1 =	sand.u32 $0x1FFFFFF0, s8;
	s8 =	spop (v2sf)  }
0x10e: {  	[tilespmem:s29], [sflag:$0x1] =	stream.linear.gather [hbm4b:s0+s2], $0x80, $0x38;
	[tilespmem:$0x10200] =	vst v63  }
0x10f: {  	s0 =	sadd.s32 s3, s1;
	s1 =	sand.u32 $0x1FFFFFF0, s8;
	s8 =	spop (v2sf)  }
0x110: {  	[tilespmem:s28], [sflag:$0x1] =	stream.linear.gather [hbm4b:s0+s2], $0x80, $0x38;
	[tilespmem:$0x10200] =	vst v63  }
0x111: {  	s0 =	sadd.s32 s3, s1;
	s1 =	sand.u32 $0x1FFFFFF0, s8;
	s8 =	spop (v2sf)  }
0x112: {  	[tilespmem:s26], [sflag:$0x1] =	stream.linear.gather [hbm4b:s0+s2], $0x80, $0x38;
	[tilespmem:$0x10200] =	vst v63  }
0x113: {  	s0 =	sadd.s32 s3, s1;
	s1 =	sand.u32 $0x1FFFFFF0, s8;
	s8 =	spop (v2sf)  }
0x114: {  	[tilespmem:s25], [sflag:$0x1] =	stream.linear.gather [hbm4b:s0+s2], $0x80, $0x38;
	[tilespmem:$0x10200] =	vst v63  }
0x115: {  	s0 =	sadd.s32 s3, s1;
	s1 =	sand.u32 $0x1FFFFFF0, s8;
	s8 =	spop (v2sf)  }
0x116: {  	[tilespmem:s24], [sflag:$0x1] =	stream.linear.gather [hbm4b:s0+s2], $0x80, $0x38;
	[tilespmem:$0x10200] =	vst v63  }
0x117: {  	s1 =	sadd.s32 s3, s1;
	s0 =	sadd.s32 $0x1900, s22;
	s8 =	sand.u32 $0x1FFFFFF0, s8  }
0x118: {  	[tilespmem:s0], [sflag:$0x1] =	stream.linear.gather [hbm4b:s1+s2], $0x80, $0x38;
	[tilespmem:$0x10200] =	vst v63  }
0x119: {  	s0 =	sadd.s32 s3, s8  }
0x11a: {  	[tilespmem:s23], [sflag:$0x1] =	stream.linear.gather [hbm4b:s0+s2], $0x80, $0x38;
	[tilespmem:$0x10200] =	vst v63  }
0x11b: {  	_ =	swait.ge [sflag:s16], $0x80  }
0x11c: {  	[sflag:s16] =	ssyncset.done $0x0  }
0x11d: {  	[sflag:s16] =	ssyncadd.s32 $0xFFFFFF80  }
0x11e: {  	_ =	swait.ge [sflag:s16], $0x80  }
0x11f: {  	[sflag:s16] =	ssyncset.done $0x0  }
0x120: {  	[sflag:s16] =	ssyncadd.s32 $0xFFFFFF80  }
0x121: {  	_ =	swait.ge [sflag:s16], $0x80  }
0x122: {  	[sflag:s16] =	ssyncset.done $0x0  }
0x123: {  	[sflag:s16] =	ssyncadd.s32 $0xFFFFFF80  }
0x124: {  	_ =	swait.ge [sflag:s16], $0x80  }
0x125: {  	[sflag:s16] =	ssyncset.done $0x0  }
0x126: {  	[sflag:s16] =	ssyncadd.s32 $0xFFFFFF80  }
0x127: {  	_ =	swait.ge [sflag:s16], $0x80  }
0x128: {  	[sflag:s16] =	ssyncset.done $0x0  }
0x129: {  	[sflag:s16] =	ssyncadd.s32 $0xFFFFFF80  }
0x12a: {  	_ =	swait.ge [sflag:s16], $0x80  }
0x12b: {  	[sflag:s16] =	ssyncset.done $0x0  }
0x12c: {  	[sflag:s16] =	ssyncadd.s32 $0xFFFFFF80  }
0x12d: {  	_ =	swait.ge [sflag:s16], $0x80  }
0x12e: {  	[sflag:s16] =	ssyncset.done $0x0  }
0x12f: {  	[sflag:s16] =	ssyncadd.s32 $0xFFFFFF80  }
0x130: {  	_ =	swait.ge [sflag:s16], $0x80  }
0x131: {  	[sflag:s16] =	ssyncset.done $0x0  }
0x132: {  	[sflag:s16] =	ssyncadd.s32 $0xFFFFFF80  }
0x133: {  	_ =	swait.ge [sflag:s16], $0x80  }
0x134: {  	[sflag:s16] =	ssyncset.done $0x0  }
0x135: {  	[sflag:s16] =	ssyncadd.s32 $0xFFFFFF80  }
0x136: {  	_ =	swait.ge [sflag:s16], $0x80  }
0x137: {  	[sflag:s16] =	ssyncset.done $0x0  }
0x138: {  	[sflag:s16] =	ssyncadd.s32 $0xFFFFFF80  }
0x139: {  	_ =	swait.ge [sflag:s16], $0x80  }
0x13a: {  	[sflag:s16] =	ssyncset.done $0x0  }
0x13b: {  	[sflag:s16] =	ssyncadd.s32 $0xFFFFFF80  }
0x13c: {  	_ =	swait.ge [sflag:s16], $0x80  }
.Ltmp0:
0x13d: {  	[sflag:s16] =	ssyncset.done $0x0;
	(pc) =	sbr.rel @p0 .LBB2_2-.Ltmp0, $4  }
0x13e: {  	[sflag:s16] =	ssyncadd.s32 $0xFFFFFF80  }
0x13f: {  	s20 =	sadd.s32 $0x40, s20;
	_ =	swait.ge [sflag:s16], $0x80  }
0x140: {  	s21 =	sadd.s32 $0x10, s21;
	s0 =	sand.u32 $0x600, s20;
	[sflag:s16] =	ssyncset.done $0x0  }
0x141: {  	s22 =	sand.u32 $0x70, s21;
	s23 =	sshrl.u32 s0, $0x2;
	[sflag:s16] =	ssyncadd.s32 $0xFFFFFF80  }
0x142: {  	_ =	swait.ge [sflag:s16], $0x80  }
0x143: {  	[sflag:s16] =	ssyncset.done $0x0  }
0x144: {  	[sflag:s16] =	ssyncadd.s32 $0xFFFFFF80  }
0x145: {  	_ =	swait.ge [sflag:s16], $0x80  }
0x146: {  	[sflag:s16] =	ssyncset.done $0x0  }
0x147: {  	[sflag:s16] =	ssyncadd.s32 $0xFFFFFF80  }
0x148: {  	_ =	swait.ge [sflag:s16], $0x80  }
0x149: {  	[sflag:s16] =	ssyncset.done $0x0  }
0x14a: {  	s0 =	sor.u32 s22, s23;
	[sflag:s16] =	ssyncadd.s32 $0xFFFFFF80  }
0x14b: {  	v0 =	vld [tilespmem:s0+$0x0];
	_ =	sdelay $0x4  }
0x14c: {  	v0 =	vshll.u32 v0, $0x4  }
0x14d: {  	(v2sf) =	vpush v0, $0x0;
	_ =	sdelay $0x1  }
0x14e: {  	(v2sf) =	vpush v0, $0x1;
	_ =	sdelay $0x1  }
0x14f: {  	(v2sf) =	vpush v0, $0x2;
	_ =	sdelay $0x2  }
0x150: {  	(v2sf) =	vpush v0, $0x3;
	_ =	sdelay $0x7  }
0x151: {  	s20 =	spop (v2sf);
	(v2sf) =	vpush v0, $0x4;
	_ =	sdelay $0x1  }
0x152: {  	s21 =	spop (v2sf);
	(v2sf) =	vpush v0, $0x5;
	_ =	sdelay $0x1  }
0x153: {  	s23 =	spop (v2sf);
	(v2sf) =	vpush v0, $0x6;
	_ =	sdelay $0x1  }
0x154: {  	s18 =	sshra.s32 s18, $0x2;
	s0 =	sand.u32 $0x1FFFFFF0, s20  }
0x155: {  	s1 =	sadd.s32 $0x1200, s18;
	s0 =	sadd.s32 s3, s0;
	s25 =	spop (v2sf);
	(v2sf) =	vpush v0, $0x7  }
0x156: {  	[tilespmem:s1], [sflag:$0x1] =	stream.linear.gather [hbm4b:s0+s2], $0x80, $0x38;
	[tilespmem:$0x10200] =	vst v63  }
0x157: {  	s0 =	sand.u32 $0x1FFFFFF0, s21  }
0x158: {  	s22 =	sadd.s32 $0x1280, s18;
	s0 =	sadd.s32 s3, s0  }
0x159: {  	[tilespmem:s22], [sflag:$0x1] =	stream.linear.gather [hbm4b:s0+s2], $0x80, $0x38;
	[tilespmem:$0x10200] =	vst v63  }
0x15a: {  	s0 =	sand.u32 $0x1FFFFFF0, s23  }
0x15b: {  	s24 =	sadd.s32 $0x1300, s18;
	s0 =	sadd.s32 s3, s0  }
0x15c: {  	[tilespmem:s24], [sflag:$0x1] =	stream.linear.gather [hbm4b:s0+s2], $0x80, $0x38;
	[tilespmem:$0x10200] =	vst v63  }
0x15d: {  	s28 =	spop (v2sf);
	(v2sf) =	vpush v0, $0x8  }
0x15e: {  	s0 =	sand.u32 $0x1FFFFFF0, s25  }
0x15f: {  	s26 =	sadd.s32 $0x1380, s18;
	s0 =	sadd.s32 s3, s0;
	s30 =	spop (v2sf);
	(v2sf) =	vpush v0, $0x9  }
0x160: {  	[tilespmem:s26], [sflag:$0x1] =	stream.linear.gather [hbm4b:s0+s2], $0x80, $0x38;
	[tilespmem:$0x10200] =	vst v63  }
0x161: {  	s0 =	sand.u32 $0x1FFFFFF0, s28;
	s8 =	spop (v2sf);
	(v2sf) =	vpush v0, $0xA  }
0x162: {  	s29 =	sadd.s32 $0x1400, s18;
	s0 =	sadd.s32 s3, s0  }
0x163: {  	[tilespmem:s29], [sflag:$0x1] =	stream.linear.gather [hbm4b:s0+s2], $0x80, $0x38;
	[tilespmem:$0x10200] =	vst v63  }
0x164: {  	s10 =	spop (v2sf);
	(v2sf) =	vpush v0, $0xB  }
0x165: {  	s0 =	sand.u32 $0x1FFFFFF0, s30  }
0x166: {  	s31 =	sadd.s32 $0x1480, s18;
	s0 =	sadd.s32 s3, s0  }
0x167: {  	[tilespmem:s31], [sflag:$0x1] =	stream.linear.gather [hbm4b:s0+s2], $0x80, $0x38;
	[tilespmem:$0x10200] =	vst v63  }
0x168: {  	s0 =	sand.u32 $0x1FFFFFF0, s8  }
0x169: {  	s9 =	sadd.s32 $0x1500, s18;
	s0 =	sadd.s32 s3, s0  }
0x16a: {  	[tilespmem:s9], [sflag:$0x1] =	stream.linear.gather [hbm4b:s0+s2], $0x80, $0x38;
	[tilespmem:$0x10200] =	vst v63  }
0x16b: {  	s0 =	sand.u32 $0x1FFFFFF0, s10  }
0x16c: {  	s11 =	sadd.s32 $0x1580, s18;
	s0 =	sadd.s32 s3, s0;
	s12 =	spop (v2sf);
	(v2sf) =	vpush v0, $0xC  }
0x16d: {  	[tilespmem:s11], [sflag:$0x1] =	stream.linear.gather [hbm4b:s0+s2], $0x80, $0x38;
	[tilespmem:$0x10200] =	vst v63  }
0x16e: {  	s14 =	spop (v2sf);
	(v2sf) =	vpush v0, $0xD  }
0x16f: {  	s0 =	sand.u32 $0x1FFFFFF0, s12  }
0x170: {  	s13 =	sadd.s32 $0x1600, s18;
	s0 =	sadd.s32 s3, s0;
	s19 =	spop (v2sf)  }
0x171: {  	(v2sf) =	vpush v0, $0xE;
	[tilespmem:s13], [sflag:$0x1] =	stream.linear.gather [hbm4b:s0+s2], $0x80, $0x38;
	[tilespmem:$0x10200] =	vst v63  }
0x172: {  	s0 =	sand.u32 $0x1FFFFFF0, s14  }
0x173: {  	s15 =	sadd.s32 $0x1680, s18;
	s21 =	spop (v2sf);
	s0 =	sadd.s32 s3, s0  }
0x174: {  	(v2sf) =	vpush v0, $0xF;
	[tilespmem:s15], [sflag:$0x1] =	stream.linear.gather [hbm4b:s0+s2], $0x80, $0x38;
	[tilespmem:$0x10200] =	vst v63  }
0x175: {  	s0 =	sand.u32 $0x1FFFFFF0, s19  }
0x176: {  	s20 =	sadd.s32 $0x1700, s18;
	s0 =	sadd.s32 s3, s0  }
0x177: {  	[tilespmem:s20], [sflag:$0x1] =	stream.linear.gather [hbm4b:s0+s2], $0x80, $0x38;
	[tilespmem:$0x10200] =	vst v63  }
0x178: {  	s0 =	sand.u32 $0x1FFFFFF0, s21  }
0x179: {  	s22 =	sadd.s32 $0x1780, s18;
	s0 =	sadd.s32 s3, s0  }
0x17a: {  	[tilespmem:s22], [sflag:$0x1] =	stream.linear.gather [hbm4b:s0+s2], $0x80, $0x38;
	[tilespmem:$0x10200] =	vst v63  }
0x17b: {  	s23 =	spop (v2sf)  }
0x17c: {  	s0 =	sand.u32 $0x1FFFFFF0, s23  }
0x17d: {  	s24 =	sadd.s32 $0x1800, s18;
	s25 =	spop (v2sf);
	s0 =	sadd.s32 s3, s0  }
0x17e: {  	[tilespmem:s24], [sflag:$0x1] =	stream.linear.gather [hbm4b:s0+s2], $0x80, $0x38;
	[tilespmem:$0x10200] =	vst v63  }
0x17f: {  	s0 =	sand.u32 $0x1FFFFFF0, s25  }
0x180: {  	s26 =	sadd.s32 $0x1880, s18;
	s28 =	spop (v2sf);
	s0 =	sadd.s32 s3, s0  }
0x181: {  	[tilespmem:s26], [sflag:$0x1] =	stream.linear.gather [hbm4b:s0+s2], $0x80, $0x38;
	[tilespmem:$0x10200] =	vst v63  }
0x182: {  	s0 =	sand.u32 $0x1FFFFFF0, s28  }
0x183: {  	s29 =	sadd.s32 $0x1900, s18;
	s30 =	spop (v2sf);
	s0 =	sadd.s32 s3, s0  }
0x184: {  	[tilespmem:s29], [sflag:$0x1] =	stream.linear.gather [hbm4b:s0+s2], $0x80, $0x38;
	[tilespmem:$0x10200] =	vst v63  }
0x185: {  	s0 =	sand.u32 $0x1FFFFFF0, s30  }
0x186: {  	s31 =	sadd.s32 $0x1980, s18;
	s0 =	sadd.s32 s3, s0  }
0x187: {  	[tilespmem:s31], [sflag:$0x1] =	stream.linear.gather [hbm4b:s0+s2], $0x80, $0x38;
	[tilespmem:$0x10200] =	vst v63  }
0x188: {  	_ =	swait.ge [sflag:s16], $0x80  }
0x189: {  	[sflag:s16] =	ssyncset.done $0x0  }
0x18a: {  	[sflag:s16] =	ssyncadd.s32 $0xFFFFFF80  }
0x18b: {  	_ =	swait.ge [sflag:s16], $0x80  }
0x18c: {  	[sflag:s16] =	ssyncset.done $0x0  }
0x18d: {  	[sflag:s16] =	ssyncadd.s32 $0xFFFFFF80  }
0x18e: {  	_ =	swait.ge [sflag:s16], $0x80  }
0x18f: {  	[sflag:s16] =	ssyncset.done $0x0  }
0x190: {  	[sflag:s16] =	ssyncadd.s32 $0xFFFFFF80  }
0x191: {  	_ =	swait.ge [sflag:s16], $0x80  }
0x192: {  	[sflag:s16] =	ssyncset.done $0x0  }
0x193: {  	[sflag:s16] =	ssyncadd.s32 $0xFFFFFF80  }
0x194: {  	_ =	swait.ge [sflag:s16], $0x80  }
0x195: {  	[sflag:s16] =	ssyncset.done $0x0  }
0x196: {  	[sflag:s16] =	ssyncadd.s32 $0xFFFFFF80  }
0x197: {  	_ =	swait.ge [sflag:s16], $0x80  }
0x198: {  	[sflag:s16] =	ssyncset.done $0x0  }
0x199: {  	[sflag:s16] =	ssyncadd.s32 $0xFFFFFF80  }
0x19a: {  	_ =	swait.ge [sflag:s16], $0x80  }
0x19b: {  	[sflag:s16] =	ssyncset.done $0x0  }
0x19c: {  	[sflag:s16] =	ssyncadd.s32 $0xFFFFFF80  }
0x19d: {  	_ =	swait.ge [sflag:s16], $0x80  }
0x19e: {  	[sflag:s16] =	ssyncset.done $0x0  }
0x19f: {  	[sflag:s16] =	ssyncadd.s32 $0xFFFFFF80  }
0x1a0: {  	_ =	swait.ge [sflag:s16], $0x80  }
0x1a1: {  	[sflag:s16] =	ssyncset.done $0x0  }
0x1a2: {  	[sflag:s16] =	ssyncadd.s32 $0xFFFFFF80  }
0x1a3: {  	_ =	swait.ge [sflag:s16], $0x80  }
0x1a4: {  	[sflag:s16] =	ssyncset.done $0x0  }
0x1a5: {  	[sflag:s16] =	ssyncadd.s32 $0xFFFFFF80  }
0x1a6: {  	_ =	swait.ge [sflag:s16], $0x80  }
0x1a7: {  	[sflag:s16] =	ssyncset.done $0x0  }
0x1a8: {  	[sflag:s16] =	ssyncadd.s32 $0xFFFFFF80  }
0x1a9: {  	_ =	swait.ge [sflag:s16], $0x80  }
0x1aa: {  	[sflag:s16] =	ssyncset.done $0x0  }
0x1ab: {  	[sflag:s16] =	ssyncadd.s32 $0xFFFFFF80  }
0x1ac: {  	_ =	swait.ge [sflag:s16], $0x80  }
0x1ad: {  	[sflag:s16] =	ssyncset.done $0x0  }
0x1ae: {  	[sflag:s16] =	ssyncadd.s32 $0xFFFFFF80  }
0x1af: {  	_ =	swait.ge [sflag:s16], $0x80  }
0x1b0: {  	[sflag:s16] =	ssyncset.done $0x0  }
0x1b1: {  	[sflag:s16] =	ssyncadd.s32 $0xFFFFFF80  }
0x1b2: {  	_ =	swait.ge [sflag:s16], $0x80  }
0x1b3: {  	[sflag:s16] =	ssyncset.done $0x0  }
0x1b4: {  	[sflag:s16] =	ssyncadd.s32 $0xFFFFFF80  }
0x1b5: {  	_ =	swait.ge [sflag:s16], $0x80  }
0x1b6: {  	[sflag:s16] =	ssyncset.done $0x0  }
0x1b7: {  	[sflag:s16] =	ssyncadd.s32 $0xFFFFFF80  }
0x1b8: {  	_ =	swait.ge [sflag:s16], $0x80  }
0x1b9: {  	[sflag:s16] =	ssyncset.done $0x0  }
0x1ba: {  	[sflag:s16] =	ssyncadd.s32 $0xFFFFFF80  }
0x1bb: {  	_ =	swait.ge [sflag:s16], $0x80  }
0x1bc: {  	[sflag:s16] =	ssyncset.done $0x0  }
0x1bd: {  	[sflag:s16] =	ssyncadd.s32 $0xFFFFFF80  }
0x1be: {  	_ =	swait.ge [sflag:s16], $0x80  }
0x1bf: {  	[sflag:s16] =	ssyncset.done $0x0  }
0x1c0: {  	[sflag:s16] =	ssyncadd.s32 $0xFFFFFF80  }
0x1c1: {  	_ =	swait.ge [sflag:s16], $0x80  }
0x1c2: {  	[sflag:s16] =	ssyncset.done $0x0  }
0x1c3: {  	[sflag:s16] =	ssyncadd.s32 $0xFFFFFF80  }
0x1c4: {  	_ =	swait.ge [sflag:s16], $0x80  }
0x1c5: {  	[sflag:s16] =	ssyncset.done $0x0  }
0x1c6: {  	[sflag:s16] =	ssyncadd.s32 $0xFFFFFF80  }
0x1c7: {  	_ =	swait.ge [sflag:s16], $0x80  }
0x1c8: {  	[sflag:s16] =	ssyncset.done $0x0  }
0x1c9: {  	[sflag:s16] =	ssyncadd.s32 $0xFFFFFF80  }
0x1ca: {  	_ =	swait.ge [sflag:s16], $0x80  }
0x1cb: {  	[sflag:s16] =	ssyncset.done $0x0  }
0x1cc: {  	[sflag:s16] =	ssyncadd.s32 $0xFFFFFF80  }
0x1cd: {  	_ =	swait.ge [sflag:s16], $0x80  }
0x1ce: {  	[sflag:s16] =	ssyncset.done $0x0  }
0x1cf: {  	[sflag:s16] =	ssyncadd.s32 $0xFFFFFF80  }
0x1d0: {  	_ =	swait.ge [sflag:s16], $0x80  }
0x1d1: {  	[sflag:s16] =	ssyncset.done $0x0  }
0x1d2: {  	[sflag:s16] =	ssyncadd.s32 $0xFFFFFF80  }
0x1d3: {  	_ =	swait.ge [sflag:s16], $0x80  }
0x1d4: {  	[sflag:s16] =	ssyncset.done $0x0  }
0x1d5: {  	[sflag:s16] =	ssyncadd.s32 $0xFFFFFF80  }
0x1d6: {  	_ =	swait.ge [sflag:s16], $0x80  }
0x1d7: {  	[sflag:s16] =	ssyncset.done $0x0  }
0x1d8: {  	[sflag:s16] =	ssyncadd.s32 $0xFFFFFF80  }
0x1d9: {  	_ =	swait.ge [sflag:s16], $0x80  }
0x1da: {  	[sflag:s16] =	ssyncset.done $0x0  }
0x1db: {  	[sflag:s16] =	ssyncadd.s32 $0xFFFFFF80  }
0x1dc: {  	_ =	swait.ge [sflag:s16], $0x80  }
0x1dd: {  	[sflag:s16] =	ssyncset.done $0x0  }
0x1de: {  	[sflag:s16] =	ssyncadd.s32 $0xFFFFFF80  }
0x1df: {  	_ =	swait.ge [sflag:s16], $0x80  }
0x1e0: {  	[sflag:s16] =	ssyncset.done $0x0  }
0x1e1: {  	[sflag:s16] =	ssyncadd.s32 $0xFFFFFF80  }
0x1e2: {  	_ =	swait.ge [sflag:s16], $0x80  }
0x1e3: {  	[sflag:s16] =	ssyncset.done $0x0  }
0x1e4: {  	[sflag:s16] =	ssyncadd.s32 $0xFFFFFF80  }
0x1e5: {  	_ =	swait.ge [sflag:s16], $0x80  }
0x1e6: {  	[sflag:s16] =	ssyncset.done $0x0  }
0x1e7: {  	[sflag:s16] =	ssyncadd.s32 $0xFFFFFF80  }
0x1e8: {  	_ =	swait.ge [sflag:s16], $0x80  }
0x1e9: {  	[sflag:s16] =	ssyncset.done $0x0  }
0x1ea: {  	[sflag:s16] =	ssyncadd.s32 $0xFFFFFF80  }
0x1eb: {  	_ =	swait.ge [sflag:s16], $0x80  }
0x1ec: {  	[sflag:s16] =	ssyncset.done $0x0  }
0x1ed: {  	[sflag:s16] =	ssyncadd.s32 $0xFFFFFF80  }
0x1ee: {  	_ =	swait.ge [sflag:s16], $0x80  }
0x1ef: {  	[sflag:s16] =	ssyncset.done $0x0  }
0x1f0: {  	[sflag:s16] =	ssyncadd.s32 $0xFFFFFF80  }
0x1f1: {  	_ =	swait.ge [sflag:s16], $0x80  }
0x1f2: {  	[sflag:s16] =	ssyncset.done $0x0  }
0x1f3: {  	[sflag:s16] =	ssyncadd.s32 $0xFFFFFF80  }
0x1f4: {  	_ =	swait.ge [sflag:s16], $0x80  }
0x1f5: {  	[sflag:s16] =	ssyncset.done $0x0  }
0x1f6: {  	[sflag:s16] =	ssyncadd.s32 $0xFFFFFF80  }
0x1f7: {  	_ =	swait.ge [sflag:s16], $0x80  }
0x1f8: {  	[sflag:s16] =	ssyncset.done $0x0  }
0x1f9: {  	[sflag:s16] =	ssyncadd.s32 $0xFFFFFF80  }
0x1fa: {  	_ =	swait.ge [sflag:s16], $0x80  }
0x1fb: {  	[sflag:s16] =	ssyncset.done $0x0  }
0x1fc: {  	[sflag:s16] =	ssyncadd.s32 $0xFFFFFF80  }
0x1fd: {  	_ =	swait.ge [sflag:s16], $0x80  }
0x1fe: {  	[sflag:s16] =	ssyncset.done $0x0  }
0x1ff: {  	[sflag:s16] =	ssyncadd.s32 $0xFFFFFF80  }
0x200: {  	_ =	swait.ge [sflag:s16], $0x80  }
0x201: {  	[sflag:s16] =	ssyncset.done $0x0  }
0x202: {  	[sflag:s16] =	ssyncadd.s32 $0xFFFFFF80  }
0x203: {  	_ =	swait.ge [sflag:s16], $0x80  }
0x204: {  	[sflag:s16] =	ssyncset.done $0x0  }
0x205: {  	[sflag:s16] =	ssyncadd.s32 $0xFFFFFF80  }
0x206: {  	_ =	swait.ge [sflag:s16], $0x80  }
0x207: {  	[sflag:s16] =	ssyncset.done $0x0  }
0x208: {  	[sflag:s16] =	ssyncadd.s32 $0xFFFFFF80  }
0x209: {  	_ =	swait.ge [sflag:s16], $0x80  }
0x20a: {  	[sflag:s16] =	ssyncset.done $0x0  }
0x20b: {  	[sflag:s16] =	ssyncadd.s32 $0xFFFFFF80  }
0x20c: {  	_ =	swait.ge [sflag:s16], $0x80  }
0x20d: {  	[sflag:s16] =	ssyncset.done $0x0  }
0x20e: {  	[sflag:s16] =	ssyncadd.s32 $0xFFFFFF80  }
0x20f: {  	_ =	swait.ge [sflag:s16], $0x80  }
0x210: {  	[sflag:s16] =	ssyncset.done $0x0  }
0x211: {  	[sflag:s16] =	ssyncadd.s32 $0xFFFFFF80  }
0x212: {  	_ =	swait.ge [sflag:s16], $0x80  }
0x213: {  	[sflag:s16] =	ssyncset.done $0x0  }
0x214: {  	[sflag:s16] =	ssyncadd.s32 $0xFFFFFF80  }
0x215: {  	s17 =	sadd.s32 $0x1, s17;
	_ =	swait.ge [sflag:s16], $0x80  }
0x216: {  	p0 =	sne.s32 s17, s6;
	[sflag:s16] =	ssyncset.done $0x0  }
.Ltmp1:
0x217: {  	s0 =	simm.s32 $0x200;
	[sflag:s16] =	ssyncadd.s32 $0xFFFFFF80;
	(pc) =	sbr.rel @p0 .LBB2_1-.Ltmp1, $4  }
0x218: {  	[hbm4b:s5+s2] =	stream.linear.scatter [tilespmem:s0], [sflag:$0x2], $0x10000, $0x38;
	[tilespmem:$0x10200] =	vst v63  }
0x219: {  	_ =	swait.ge [sflag:s7], $0x10000  }
0x21a: {  	[sflag:s7] =	ssyncset.done $0x0  }
0x21b: {  	[sflag:s7] =	ssyncadd.s32 $0xFFFF0000  }
0x21c: {  	_ =	sfence.sel $0x180000  }
0x21d: {  	[bflag:$0x0] =	sbarrier.arrive $0xFFFF  }
0x21e: {  	_ =	strace $0x90000047  }
0x21f: {  	s0 =	stileid.u32;
	[bflag:$0x2] =	sbarrier.arrive $0xFFFF  }
0x220: {  	p0 =	sne.s32 s0, $0x0;
	s0 =	rddreg [dreg:$0x2]  }
0x221: {  	s0 =	sadd.s32 @!p0 $0x100000, s0  }
0x222: {  	[sflag:s0] =	ssyncadd.tile.s32 @!p0 $0x1;
	_ =	shalt  }
.Lfunc_end2:
_tile_overlayer_lowered:
.L_overlay_start_2:
0x223: {  	(tag) =	ssettag $0x2  }
0x224: {  	s0 =	rddreg [dreg:$0x0];
	s2 =	stileid.u32  }
0x225: {  	s1 =	rddreg [dreg:$0x1];
	p0 =	sne.s32 s2, $0x0  }
0x226: {  	s3 =	rddreg [dreg:$0x2];
	[bflag:$0x3] =	sbarrier.arrive $0xFFFF;
	s2 =	simm.s32 @!p0 $0x1C02  }
0x227: {  	[timem:s3], [sflag:s2] =	dma.local @!p0 [hbm:s0], s1  }
0x228: {  	s0 =	simm.s32 @!p0 $0x2  }
0x229: {  	_ =	swait.ge @!p0 [sflag:s0], s1  }
0x22a: {  	s1 =	ssub.s32 @!p0 $0x0, s1;
	[sflag:s0] =	ssyncset.done @!p0 $0x0  }
0x22b: {  	[sflag:s0] =	ssyncadd.s32 @!p0 s1  }
0x22c: {  	[bflag:$0x3] =	sbarrier.arrive $0xFFFF  }
0x22d: {  	_ =	shalt  }

</sc_bundles>
